<compile_context>
chip_gen: v7x
topology: tpu7x:2x2x1
jax: 0.10.2.dev20260603
libtpu: 0.0.44.dev20260713+nightly
codegen_flags: <defaults>
</compile_context>

<pallas_src>
import functools

import jax
import jax.numpy as jnp
from jax import lax
from jax.experimental import pallas as pl
from jax.experimental.pallas import tpu as pltpu
from jax.experimental.pallas import tpu_sc as plsc

NC = 2
NS = 16
CH = 64


def _sc_mesh():
    return plsc.VectorSubcoreMesh(
        core_axis_name="c", subcore_axis_name="s", num_cores=NC, num_subcores=NS
    )


def _zero_rows(buf, nrows, ncols):
    z = jnp.zeros((16,), jnp.float32)

    def body(i, _):
        for k in range(ncols // 16):
            buf[i, pl.ds(k * 16, 16)] = z
        return 0

    lax.fori_loop(0, nrows, body, 0)


def _make_deg(e_pad, acc_n):
    nch = e_pad // (NC * NS * CH)
    zper = acc_n // (NC * NS)
    oper = acc_n // NS

    def body(dst_hbm, out_hbm, acc, idx_v, ones_v, zero_v):
        c = lax.axis_index("c")
        s = lax.axis_index("s")
        wid = s * NC + c

        _zero_rows(zero_v, 1, zper)
        o = jnp.ones((16,), jnp.float32)
        for k in range(CH // 16):
            ones_v[pl.ds(k * 16, 16)] = o
        pltpu.sync_copy(zero_v.at[0], acc.at[pl.ds(wid * zper, zper)])
        plsc.subcore_barrier()

        pltpu.sync_copy(dst_hbm.at[pl.ds(wid * nch, nch)], idx_v)

        def chunk(j, _):
            pltpu.sync_copy(ones_v, acc.at[idx_v.at[j]], add=True)
            return 0

        lax.fori_loop(0, nch, chunk, 0)
        plsc.subcore_barrier()
        pltpu.sync_copy(
            acc.at[pl.ds(s * oper, oper)],
            out_hbm.at[pl.ds(c * acc_n + s * oper, oper)],
        )

    return pl.kernel(
        body,
        out_type=jax.ShapeDtypeStruct((NC * acc_n,), jnp.float32),
        mesh=_sc_mesh(),
        scratch_types=[
            pltpu.VMEM_SHARED((acc_n,), jnp.float32),
            pltpu.VMEM((nch, CH), jnp.int32),
            pltpu.VMEM((CH,), jnp.float32),
            pltpu.VMEM((1, zper), jnp.float32),
        ],
    )


def _make_agg(n, f, e_pad, acc_n, feature_split, win, out_w=None, nbuf=2):
    out_w = out_w or f
    workers = NS if feature_split else NC * NS
    nch = e_pad // (workers * CH)
    assert nch % win == 0 and win % 8 == 0 and win >= 8 and win % nbuf == 0
    zrep = acc_n // (NS * CH)
    oper = (-(-n // NS) + 7) // 8 * 8

    def body(src_hbm, dst_hbm, tab_hbm, out_hbm, *sc):
        acc, sidx, didx = sc[:3]
        rowsl = list(sc[3:3 + nbuf])
        k = 3 + nbuf
        if out_w != f:
            crowsl = [sc[k], sc[k + 1]]
            k += 2
        else:
            crowsl = [rowsl[0], rowsl[1 % nbuf]]
        seml = list(sc[k:k + nbuf])
        c = lax.axis_index("c")
        s = lax.axis_index("s")
        base = (s if feature_split else s * NC + c) * nch

        def compacted(rows, crows):
            if out_w == f:
                return rows

            def cp(i, _):
                for k in range(out_w // 16):
                    sl = pl.ds(k * 16, 16)
                    crows[i, sl] = rows[i, sl]
                return 0

            lax.fori_loop(0, CH, cp, 0)
            return crows

        _zero_rows(crowsl[0], CH, out_w)
        for k in range(zrep):
            pltpu.sync_copy(crowsl[0],
                            acc.at[pl.ds(s * zrep * CH + k * CH, CH)])
        plsc.subcore_barrier()

        def window(w, _):
            wb = base + w * win
            pltpu.sync_copy(src_hbm.at[pl.ds(wb, win)], sidx)
            pltpu.sync_copy(dst_hbm.at[pl.ds(wb, win)], didx)

            if feature_split:
                off = c * n

                def shift(i, _):
                    for k in range(CH // 16):
                        sl = pl.ds(k * 16, 16)
                        sidx[i, sl] = sidx[i, sl] + off
                    return 0

                lax.fori_loop(0, win, shift, 0)

            def gath(j, b):
                pltpu.async_copy(tab_hbm.at[sidx.at[j]], rowsl[b], seml[b])

            def gwait(b):
                pltpu.make_async_copy(tab_hbm.at[sidx.at[0]], rowsl[b],
                                      seml[b]).wait()

            for b in range(nbuf):
                gath(b, b)

            def step(j, b, restart):
                rows, sem = rowsl[b], seml[b]
                gwait(b)
                if out_w != f:
                    cr = compacted(rows, crowsl[b % 2])
                    if restart:
                        gath(j + nbuf, b)
                    pltpu.sync_copy(cr, acc.at[didx.at[j]], add=True)
                else:
                    pltpu.sync_copy(rows, acc.at[didx.at[j]], add=True)
                    if restart:
                        gath(j + nbuf, b)

            def group(g, _):
                for u in range(nbuf):
                    step(nbuf * g + u, u, True)
                return 0

            lax.fori_loop(0, win // nbuf - 1, group, 0)
            for u in range(nbuf):
                step(win - nbuf + u, u, False)
            return 0

        lax.fori_loop(0, nch // win, window, 0)

        plsc.subcore_barrier()
        start = pl.multiple_of(jnp.minimum(s * oper, n - oper), 8)
        pltpu.sync_copy(
            acc.at[pl.ds(start, oper)],
            out_hbm.at[pl.ds(c * n + start, oper)],
        )

    scratch = [
        pltpu.VMEM_SHARED((acc_n, out_w), jnp.float32),
        pltpu.VMEM((win, CH), jnp.int32),
        pltpu.VMEM((win, CH), jnp.int32),
    ] + [pltpu.VMEM((CH, f), jnp.float32)] * nbuf
    if out_w != f:
        scratch += [pltpu.VMEM((CH, out_w), jnp.float32)] * 2
    scratch += [pltpu.SemaphoreType.DMA] * nbuf
    return pl.kernel(
        body,
        out_type=jax.ShapeDtypeStruct((NC * n, out_w), jnp.float32),
        mesh=_sc_mesh(),
        scratch_types=scratch,
    )


def _dinv_from(degt_ref):
    deg = degt_ref[0, 0, :] + degt_ref[0, 1, :] + 1.0
    return lax.rsqrt(deg)


def _mm1_body(x_ref, w_ref, degt_ref, o_ref):
    dinv = _dinv_from(degt_ref)
    h = jnp.dot(x_ref[...], w_ref[...], preferred_element_type=jnp.float32)
    o_ref[0] = h * dinv[:, None]


def _mid_body(agg_ref, hs_ref, degt_ref, b1_ref, w2_ref, o_ref):
    dinv = _dinv_from(degt_ref)
    f1 = agg_ref.shape[2]
    r0 = jnp.maximum(
        dinv[:, None] * (agg_ref[0] + hs_ref[0]) + b1_ref[0, 0:1, :], 0.0)
    r1 = jnp.maximum(
        dinv[:, None] * (agg_ref[1] + hs_ref[1]) + b1_ref[1, 0:1, :], 0.0)
    h2 = jnp.dot(r0, w2_ref[0:f1, :], preferred_element_type=jnp.float32)
    h2 = h2 + jnp.dot(r1, w2_ref[f1:2 * f1, :],
                      preferred_element_type=jnp.float32)
    dc = w2_ref.shape[1]
    o_ref[:, 0:dc] = h2 * dinv[:, None]
    o_ref[:, dc:] = jnp.zeros((o_ref.shape[0], o_ref.shape[1] - dc),
                              jnp.float32)


def _fin_body(agg_ref, hs_ref, degt_ref, b2_ref, o_ref):
    dinv = _dinv_from(degt_ref)
    dc = o_ref.shape[1]
    o_ref[...] = (dinv[:, None]
                  * (agg_ref[0, :, 0:dc] + agg_ref[1, :, 0:dc]
                     + hs_ref[:, 0:dc])
                  + b2_ref[0:1, :])


@jax.jit
def kernel(x, edge_index, W1, b1, W2, b2):
    n, d_in = x.shape
    dh = W1.shape[1]
    dc = W2.shape[1]
    e = edge_index.shape[1]
    f1 = dh // NC
    dcp = ((dc + 127) // 128) * 128

    grain = 2 * NC * NS * CH
    e_pad = ((e + grain - 1) // grain) * grain
    acc_n = ((n + NS * CH - 1) // (NS * CH)) * (NS * CH)
    r = n // 10

    ei = edge_index.astype(jnp.int32)
    pad = e_pad - e
    pad_ids = jnp.arange(pad, dtype=jnp.int32)
    src_p = jnp.concatenate([ei[0], pad_ids % jnp.int32(n)])
    dst_p = jnp.concatenate([ei[1], jnp.int32(n) + pad_ids % jnp.int32(acc_n - n)])
    src2d = src_p.reshape(e_pad // CH, CH)
    dst2d = dst_p.reshape(e_pad // CH, CH)

    degf = _make_deg(e_pad, acc_n)(dst2d)
    degt = (degf.reshape(NC, acc_n)[:, :n]
            .reshape(NC, n // r, r).transpose(1, 0, 2))

    hs1 = pl.pallas_call(
        _mm1_body,
        grid=(n // r, NC),
        in_specs=[
            pl.BlockSpec((r, d_in), lambda i, c: (i, 0)),
            pl.BlockSpec((d_in, f1), lambda i, c: (0, c)),
            pl.BlockSpec((1, NC, r), lambda i, c: (i, 0, 0)),
        ],
        out_specs=pl.BlockSpec((1, r, f1), lambda i, c: (c, i, 0)),
        out_shape=jax.ShapeDtypeStruct((NC, n, f1), jnp.float32),
    )(x, W1, degt)

    agg1 = _make_agg(n, f1, e_pad, acc_n, feature_split=True, win=40,
                     nbuf=4)(
        src2d, dst2d, hs1.reshape(NC * n, f1)
    ).reshape(NC, n, f1)

    b1b = jnp.broadcast_to(b1.reshape(NC, 1, f1), (NC, 8, f1))
    hs2 = pl.pallas_call(
        _mid_body,
        grid=(n // r,),
        in_specs=[
            pl.BlockSpec((NC, r, f1), lambda i: (0, i, 0)),
            pl.BlockSpec((NC, r, f1), lambda i: (0, i, 0)),
            pl.BlockSpec((1, NC, r), lambda i: (i, 0, 0)),
            pl.BlockSpec((NC, 8, f1), lambda i: (0, 0, 0)),
            pl.BlockSpec((dh, dc), lambda i: (0, 0)),
        ],
        out_specs=pl.BlockSpec((r, dcp), lambda i: (i, 0)),
        out_shape=jax.ShapeDtypeStruct((n, dcp), jnp.float32),
    )(agg1, hs1, degt, b1b, W2)

    agg2 = _make_agg(n, dcp, e_pad, acc_n, feature_split=False, win=40,
                     out_w=dc, nbuf=4)(
        src2d, dst2d, hs2
    ).reshape(NC, n, dc)

    b2b = jnp.broadcast_to(b2.reshape(1, dc), (8, dc))
    out = pl.pallas_call(
        _fin_body,
        grid=(n // r,),
        in_specs=[
            pl.BlockSpec((NC, r, dc), lambda i: (0, i, 0)),
            pl.BlockSpec((r, dcp), lambda i: (i, 0)),
            pl.BlockSpec((1, NC, r), lambda i: (i, 0, 0)),
            pl.BlockSpec((8, dc), lambda i: (0, 0)),
        ],
        out_specs=pl.BlockSpec((r, dc), lambda i: (i, 0)),
        out_shape=jax.ShapeDtypeStruct((n, dc), jnp.float32),
    )(agg2, hs2, degt, b2b)

    return out

# --- scband reference (transcript-rebuilt; emitter-appended) ---
"""Pipeline reference for scband-gcnnet-16750372454497 (READ-ONLY COPY).

The authoritative reference and input builder live on the scoring server;
editing this copy changes nothing except your own understanding.
"""

import jax, jax.numpy as jnp
import numpy as np


def _gcn_conv(x, edge_index, W, b):
    # Faithful PyG GCNConv: linear transform, add self-loops, symmetric
    # degree normalization, scatter-add aggregation, plus bias.
    n = x.shape[0]
    h = x @ W
    src = edge_index[0]
    dst = edge_index[1]
    loop = jnp.arange(n, dtype=edge_index.dtype)
    src2 = jnp.concatenate([src, loop])
    dst2 = jnp.concatenate([dst, loop])
    w = jnp.ones(src2.shape[0], dtype=h.dtype)
    deg = jax.ops.segment_sum(w, dst2, num_segments=n)
    dinv = jnp.where(deg > 0, jax.lax.rsqrt(deg), 0.0)
    norm = dinv[src2] * w * dinv[dst2]
    msg = h[src2] * norm[:, None]
    out = jax.ops.segment_sum(msg, dst2, num_segments=n)
    return out + b


def setup_inputs(seed: int = 0) -> dict:
    key = jax.random.key(seed)
    k_x, k_e, k_w1, k_b1, k_w2, k_b2 = (jax.random.fold_in(key, i) for i in range(6))
    n_nodes = 10000
    n_edges = 160000
    d_in = 256
    d_hidden = 256
    n_classes = 64
    x = jax.random.normal(k_x, (n_nodes, d_in), dtype=jnp.float32)
    edge_index = jax.random.randint(k_e, (2, n_edges), 0, n_nodes, dtype=jnp.int64)
    s1 = 1.0 / np.sqrt(d_in)
    s2 = 1.0 / np.sqrt(d_hidden)
    W1 = jax.random.uniform(k_w1, (d_in, d_hidden), dtype=jnp.float32, minval=-s1, maxval=s1)
    b1 = jax.random.uniform(k_b1, (d_hidden,), dtype=jnp.float32, minval=-s1, maxval=s1)
    W2 = jax.random.uniform(k_w2, (d_hidden, n_classes), dtype=jnp.float32, minval=-s2, maxval=s2)
    b2 = jax.random.uniform(k_b2, (n_classes,), dtype=jnp.float32, minval=-s2, maxval=s2)
    return {"x": x, "edge_index": edge_index, "W1": W1, "b1": b1, "W2": W2, "b2": b2}


def reference(x, edge_index, W1, b1, W2, b2):
    # Eval-mode forward (dropout is identity when not training).
    h = _gcn_conv(x, edge_index, W1, b1)
    h = jax.nn.relu(h)
    out = _gcn_conv(h, edge_index, W2, b2)
    return out

if __name__ == "__main__":
    import jax
    _d = setup_inputs()
    print(jax.jit(kernel)(*tuple(_d.values())))

</pallas_src>

<mosaic_0001>
#map = affine_map<(d0, d1) -> (0, 0)>
module attributes {stable_mosaic.version = 14 : i64} {
  func.func @body(%arg0: i32, %arg1: i32, %arg2: memref<2560x64xi32, #tpu.memory_space<hbm>>, %arg3: memref<2560x64xi32, #tpu.memory_space<hbm>>, %arg4: memref<10000x128xf32, #tpu.memory_space<hbm>>, %arg5: memref<20000x64xf32, #tpu.memory_space<hbm>>, %arg6: memref<10240x64xf32, #tpu.memory_space<vmem_shared>>, %arg7: memref<40x64xi32, #tpu.memory_space<vmem>>, %arg8: memref<40x64xi32, #tpu.memory_space<vmem>>, %arg9: memref<64x128xf32, #tpu.memory_space<vmem>>, %arg10: memref<64x128xf32, #tpu.memory_space<vmem>>, %arg11: memref<64x128xf32, #tpu.memory_space<vmem>>, %arg12: memref<64x128xf32, #tpu.memory_space<vmem>>, %arg13: memref<64x64xf32, #tpu.memory_space<vmem>>, %arg14: memref<64x64xf32, #tpu.memory_space<vmem>>, %arg15: memref<!tpu.dma_semaphore, #tpu.memory_space<semaphore_mem>>, %arg16: memref<!tpu.dma_semaphore, #tpu.memory_space<semaphore_mem>>, %arg17: memref<!tpu.dma_semaphore, #tpu.memory_space<semaphore_mem>>, %arg18: memref<!tpu.dma_semaphore, #tpu.memory_space<semaphore_mem>>) attributes {dimension_semantics = [#tpu.dimension_semantics<core_parallel>, #tpu.dimension_semantics<subcore_parallel>], iteration_bounds = array<i64: 2, 16>, scalar_prefetch = 0 : i64, scratch_operands = 13 : i64, tpu.core_type = #tpu.core_type<sc_vector_subcore>, window_params = [{transform_indices = #map}, {transform_indices = #map}, {transform_indices = #map}, {transform_indices = #map}]} {
    %mul3A = arith.constant 2 : i32
    %mul3A_0 = arith.muli %arg1, %mul3A : i32
    %add3A = arith.addi %mul3A_0, %arg0 : i32
    %mul3A_1 = arith.constant 80 : i32
    %mul3A_2 = arith.muli %add3A, %mul3A_1 : i32
    %broadcast_in_dim3A = arith.constant 0.000000e+00 : f32
    %broadcast_in_dim3A_3 = vector.broadcast %broadcast_in_dim3A : f32 to vector<16xf32>
    %scan3A = arith.constant 0 : i32
    %scan3A_4 = arith.constant 0 : i32
    %scan3A_5 = arith.constant 64 : i32
    %scan3A_6 = arith.addi %scan3A_4, %scan3A_5 : i32
    %scan3A_7 = arith.constant 1 : i32
    %scan3A_8 = scf.for %scan3A_84 = %scan3A_4 to %scan3A_6 step %scan3A_7 iter_args(%scan3A_85 = %scan3A) -> (i32)  : i32 {
      %swap3A = arith.index_cast %scan3A_84 : i32 to index
      %swap3A_86 = arith.constant 0 : index
      %swap3A_87 = tpu.vector_load %arg13[%swap3A, %swap3A_86] {strides = array<i32>} : memref<64x64xf32, #tpu.memory_space<vmem>>, vector<1x16xf32>,
      %swap3A_88 = vector.shape_cast %swap3A_87 : vector<1x16xf32> to vector<16xf32>
      %swap3A_89 = vector.shape_cast %broadcast_in_dim3A_3 : vector<16xf32> to vector<1x16xf32>
      tpu.vector_store %arg13[%swap3A, %swap3A_86], %swap3A_89 {strides = array<i32>} : memref<64x64xf32, #tpu.memory_space<vmem>>, vector<1x16xf32>,
      %swap3A_90 = arith.index_cast %scan3A_84 : i32 to index
      %swap3A_91 = arith.constant 16 : index
      %swap3A_92 = tpu.vector_load %arg13[%swap3A_90, %swap3A_91] {strides = array<i32>} : memref<64x64xf32, #tpu.memory_space<vmem>>, vector<1x16xf32>,
      %swap3A_93 = vector.shape_cast %swap3A_92 : vector<1x16xf32> to vector<16xf32>
      %swap3A_94 = vector.shape_cast %broadcast_in_dim3A_3 : vector<16xf32> to vector<1x16xf32>
      tpu.vector_store %arg13[%swap3A_90, %swap3A_91], %swap3A_94 {strides = array<i32>} : memref<64x64xf32, #tpu.memory_space<vmem>>, vector<1x16xf32>,
      %swap3A_95 = arith.index_cast %scan3A_84 : i32 to index
      %swap3A_96 = arith.constant 32 : index
      %swap3A_97 = tpu.vector_load %arg13[%swap3A_95, %swap3A_96] {strides = array<i32>} : memref<64x64xf32, #tpu.memory_space<vmem>>, vector<1x16xf32>,
      %swap3A_98 = vector.shape_cast %swap3A_97 : vector<1x16xf32> to vector<16xf32>
      %swap3A_99 = vector.shape_cast %broadcast_in_dim3A_3 : vector<16xf32> to vector<1x16xf32>
      tpu.vector_store %arg13[%swap3A_95, %swap3A_96], %swap3A_99 {strides = array<i32>} : memref<64x64xf32, #tpu.memory_space<vmem>>, vector<1x16xf32>,
      %swap3A_100 = arith.index_cast %scan3A_84 : i32 to index
      %swap3A_101 = arith.constant 48 : index
      %swap3A_102 = tpu.vector_load %arg13[%swap3A_100, %swap3A_101] {strides = array<i32>} : memref<64x64xf32, #tpu.memory_space<vmem>>, vector<1x16xf32>,
      %swap3A_103 = vector.shape_cast %swap3A_102 : vector<1x16xf32> to vector<16xf32>
      %swap3A_104 = vector.shape_cast %broadcast_in_dim3A_3 : vector<16xf32> to vector<1x16xf32>
      tpu.vector_store %arg13[%swap3A_100, %swap3A_101], %swap3A_104 {strides = array<i32>} : memref<64x64xf32, #tpu.memory_space<vmem>>, vector<1x16xf32>,
      %scan3A_105 = arith.constant 0 : i32
      scf.yield %scan3A_105 : i32
    }
    %scan3A_9 = arith.constant 64 : i32
    %mul3A_10 = arith.constant 10 : i32
    %mul3A_11 = arith.muli %arg1, %mul3A_10 : i32
    %mul3A_12 = arith.constant 64 : i32
    %mul3A_13 = arith.muli %mul3A_11, %mul3A_12 : i32
    %add3A_14 = arith.constant 0 : i32
    %add3A_15 = arith.addi %mul3A_13, %add3A_14 : i32
    "tpu.region"() ({
      %run_scoped3A = tpu.sem_alloc : memref<!tpu.dma_semaphore, #tpu.memory_space<semaphore_mem>>
      %dma_start3A = arith.constant 0 : i32
      %dma_start3A_84 = tpu.memref_slice %arg6[%add3A_15, %dma_start3A] : memref<10240x64xf32, #tpu.memory_space<vmem_shared>> -> memref<64x64xf32, #tpu.memory_space<vmem_shared>>
      %dma_start3A_85 = arith.constant 0 : i32
      %dma_start3A_86 = tpu.memref_slice %arg6[%add3A_15, %dma_start3A_85] : memref<10240x64xf32, #tpu.memory_space<vmem_shared>> -> memref<64x64xf32, #tpu.memory_space<vmem_shared>>
      tpu.enqueue_dma source(%arg13 : memref<64x64xf32, #tpu.memory_space<vmem>>) target(%dma_start3A_86 : memref<64x64xf32, #tpu.memory_space<vmem_shared>>) target_semaphore(%run_scoped3A : memref<!tpu.dma_semaphore, #tpu.memory_space<semaphore_mem>>)
      %dma_wait3A = arith.constant 0 : i32
      %dma_wait3A_87 = tpu.memref_slice %arg6[%add3A_15, %dma_wait3A] : memref<10240x64xf32, #tpu.memory_space<vmem_shared>> -> memref<64x64xf32, #tpu.memory_space<vmem_shared>>
      %dma_wait3A_88 = arith.constant 0 : i32
      %dma_wait3A_89 = tpu.memref_slice %arg6[%add3A_15, %dma_wait3A_88] : memref<10240x64xf32, #tpu.memory_space<vmem_shared>> -> memref<64x64xf32, #tpu.memory_space<vmem_shared>>
      tpu.wait_dma2 semaphore(%run_scoped3A : memref<!tpu.dma_semaphore, #tpu.memory_space<semaphore_mem>>) src(%arg13 : memref<64x64xf32, #tpu.memory_space<vmem>>) dst(%dma_wait3A_89 : memref<64x64xf32, #tpu.memory_space<vmem_shared>>)
      tpu.yield
    }) : () -> ()
    %mul3A_16 = arith.constant 10 : i32
    %mul3A_17 = arith.muli %arg1, %mul3A_16 : i32
    %mul3A_18 = arith.constant 64 : i32
    %mul3A_19 = arith.muli %mul3A_17, %mul3A_18 : i32
    %add3A_20 = arith.constant 64 : i32
    %add3A_21 = arith.addi %mul3A_19, %add3A_20 : i32
    "tpu.region"() ({
      %run_scoped3A = tpu.sem_alloc : memref<!tpu.dma_semaphore, #tpu.memory_space<semaphore_mem>>
      %dma_start3A = arith.constant 0 : i32
      %dma_start3A_84 = tpu.memref_slice %arg6[%add3A_21, %dma_start3A] : memref<10240x64xf32, #tpu.memory_space<vmem_shared>> -> memref<64x64xf32, #tpu.memory_space<vmem_shared>>
      %dma_start3A_85 = arith.constant 0 : i32
      %dma_start3A_86 = tpu.memref_slice %arg6[%add3A_21, %dma_start3A_85] : memref<10240x64xf32, #tpu.memory_space<vmem_shared>> -> memref<64x64xf32, #tpu.memory_space<vmem_shared>>
      tpu.enqueue_dma source(%arg13 : memref<64x64xf32, #tpu.memory_space<vmem>>) target(%dma_start3A_86 : memref<64x64xf32, #tpu.memory_space<vmem_shared>>) target_semaphore(%run_scoped3A : memref<!tpu.dma_semaphore, #tpu.memory_space<semaphore_mem>>)
      %dma_wait3A = arith.constant 0 : i32
      %dma_wait3A_87 = tpu.memref_slice %arg6[%add3A_21, %dma_wait3A] : memref<10240x64xf32, #tpu.memory_space<vmem_shared>> -> memref<64x64xf32, #tpu.memory_space<vmem_shared>>
      %dma_wait3A_88 = arith.constant 0 : i32
      %dma_wait3A_89 = tpu.memref_slice %arg6[%add3A_21, %dma_wait3A_88] : memref<10240x64xf32, #tpu.memory_space<vmem_shared>> -> memref<64x64xf32, #tpu.memory_space<vmem_shared>>
      tpu.wait_dma2 semaphore(%run_scoped3A : memref<!tpu.dma_semaphore, #tpu.memory_space<semaphore_mem>>) src(%arg13 : memref<64x64xf32, #tpu.memory_space<vmem>>) dst(%dma_wait3A_89 : memref<64x64xf32, #tpu.memory_space<vmem_shared>>)
      tpu.yield
    }) : () -> ()
    %mul3A_22 = arith.constant 10 : i32
    %mul3A_23 = arith.muli %arg1, %mul3A_22 : i32
    %mul3A_24 = arith.constant 64 : i32
    %mul3A_25 = arith.muli %mul3A_23, %mul3A_24 : i32
    %add3A_26 = arith.constant 128 : i32
    %add3A_27 = arith.addi %mul3A_25, %add3A_26 : i32
    "tpu.region"() ({
      %run_scoped3A = tpu.sem_alloc : memref<!tpu.dma_semaphore, #tpu.memory_space<semaphore_mem>>
      %dma_start3A = arith.constant 0 : i32
      %dma_start3A_84 = tpu.memref_slice %arg6[%add3A_27, %dma_start3A] : memref<10240x64xf32, #tpu.memory_space<vmem_shared>> -> memref<64x64xf32, #tpu.memory_space<vmem_shared>>
      %dma_start3A_85 = arith.constant 0 : i32
      %dma_start3A_86 = tpu.memref_slice %arg6[%add3A_27, %dma_start3A_85] : memref<10240x64xf32, #tpu.memory_space<vmem_shared>> -> memref<64x64xf32, #tpu.memory_space<vmem_shared>>
      tpu.enqueue_dma source(%arg13 : memref<64x64xf32, #tpu.memory_space<vmem>>) target(%dma_start3A_86 : memref<64x64xf32, #tpu.memory_space<vmem_shared>>) target_semaphore(%run_scoped3A : memref<!tpu.dma_semaphore, #tpu.memory_space<semaphore_mem>>)
      %dma_wait3A = arith.constant 0 : i32
      %dma_wait3A_87 = tpu.memref_slice %arg6[%add3A_27, %dma_wait3A] : memref<10240x64xf32, #tpu.memory_space<vmem_shared>> -> memref<64x64xf32, #tpu.memory_space<vmem_shared>>
      %dma_wait3A_88 = arith.constant 0 : i32
      %dma_wait3A_89 = tpu.memref_slice %arg6[%add3A_27, %dma_wait3A_88] : memref<10240x64xf32, #tpu.memory_space<vmem_shared>> -> memref<64x64xf32, #tpu.memory_space<vmem_shared>>
      tpu.wait_dma2 semaphore(%run_scoped3A : memref<!tpu.dma_semaphore, #tpu.memory_space<semaphore_mem>>) src(%arg13 : memref<64x64xf32, #tpu.memory_space<vmem>>) dst(%dma_wait3A_89 : memref<64x64xf32, #tpu.memory_space<vmem_shared>>)
      tpu.yield
    }) : () -> ()
    %mul3A_28 = arith.constant 10 : i32
    %mul3A_29 = arith.muli %arg1, %mul3A_28 : i32
    %mul3A_30 = arith.constant 64 : i32
    %mul3A_31 = arith.muli %mul3A_29, %mul3A_30 : i32
    %add3A_32 = arith.constant 192 : i32
    %add3A_33 = arith.addi %mul3A_31, %add3A_32 : i32
    "tpu.region"() ({
      %run_scoped3A = tpu.sem_alloc : memref<!tpu.dma_semaphore, #tpu.memory_space<semaphore_mem>>
      %dma_start3A = arith.constant 0 : i32
      %dma_start3A_84 = tpu.memref_slice %arg6[%add3A_33, %dma_start3A] : memref<10240x64xf32, #tpu.memory_space<vmem_shared>> -> memref<64x64xf32, #tpu.memory_space<vmem_shared>>
      %dma_start3A_85 = arith.constant 0 : i32
      %dma_start3A_86 = tpu.memref_slice %arg6[%add3A_33, %dma_start3A_85] : memref<10240x64xf32, #tpu.memory_space<vmem_shared>> -> memref<64x64xf32, #tpu.memory_space<vmem_shared>>
      tpu.enqueue_dma source(%arg13 : memref<64x64xf32, #tpu.memory_space<vmem>>) target(%dma_start3A_86 : memref<64x64xf32, #tpu.memory_space<vmem_shared>>) target_semaphore(%run_scoped3A : memref<!tpu.dma_semaphore, #tpu.memory_space<semaphore_mem>>)
      %dma_wait3A = arith.constant 0 : i32
      %dma_wait3A_87 = tpu.memref_slice %arg6[%add3A_33, %dma_wait3A] : memref<10240x64xf32, #tpu.memory_space<vmem_shared>> -> memref<64x64xf32, #tpu.memory_space<vmem_shared>>
      %dma_wait3A_88 = arith.constant 0 : i32
      %dma_wait3A_89 = tpu.memref_slice %arg6[%add3A_33, %dma_wait3A_88] : memref<10240x64xf32, #tpu.memory_space<vmem_shared>> -> memref<64x64xf32, #tpu.memory_space<vmem_shared>>
      tpu.wait_dma2 semaphore(%run_scoped3A : memref<!tpu.dma_semaphore, #tpu.memory_space<semaphore_mem>>) src(%arg13 : memref<64x64xf32, #tpu.memory_space<vmem>>) dst(%dma_wait3A_89 : memref<64x64xf32, #tpu.memory_space<vmem_shared>>)
      tpu.yield
    }) : () -> ()
    %mul3A_34 = arith.constant 10 : i32
    %mul3A_35 = arith.muli %arg1, %mul3A_34 : i32
    %mul3A_36 = arith.constant 64 : i32
    %mul3A_37 = arith.muli %mul3A_35, %mul3A_36 : i32
    %add3A_38 = arith.constant 256 : i32
    %add3A_39 = arith.addi %mul3A_37, %add3A_38 : i32
    "tpu.region"() ({
      %run_scoped3A = tpu.sem_alloc : memref<!tpu.dma_semaphore, #tpu.memory_space<semaphore_mem>>
      %dma_start3A = arith.constant 0 : i32
      %dma_start3A_84 = tpu.memref_slice %arg6[%add3A_39, %dma_start3A] : memref<10240x64xf32, #tpu.memory_space<vmem_shared>> -> memref<64x64xf32, #tpu.memory_space<vmem_shared>>
      %dma_start3A_85 = arith.constant 0 : i32
      %dma_start3A_86 = tpu.memref_slice %arg6[%add3A_39, %dma_start3A_85] : memref<10240x64xf32, #tpu.memory_space<vmem_shared>> -> memref<64x64xf32, #tpu.memory_space<vmem_shared>>
      tpu.enqueue_dma source(%arg13 : memref<64x64xf32, #tpu.memory_space<vmem>>) target(%dma_start3A_86 : memref<64x64xf32, #tpu.memory_space<vmem_shared>>) target_semaphore(%run_scoped3A : memref<!tpu.dma_semaphore, #tpu.memory_space<semaphore_mem>>)
      %dma_wait3A = arith.constant 0 : i32
      %dma_wait3A_87 = tpu.memref_slice %arg6[%add3A_39, %dma_wait3A] : memref<10240x64xf32, #tpu.memory_space<vmem_shared>> -> memref<64x64xf32, #tpu.memory_space<vmem_shared>>
      %dma_wait3A_88 = arith.constant 0 : i32
      %dma_wait3A_89 = tpu.memref_slice %arg6[%add3A_39, %dma_wait3A_88] : memref<10240x64xf32, #tpu.memory_space<vmem_shared>> -> memref<64x64xf32, #tpu.memory_space<vmem_shared>>
      tpu.wait_dma2 semaphore(%run_scoped3A : memref<!tpu.dma_semaphore, #tpu.memory_space<semaphore_mem>>) src(%arg13 : memref<64x64xf32, #tpu.memory_space<vmem>>) dst(%dma_wait3A_89 : memref<64x64xf32, #tpu.memory_space<vmem_shared>>)
      tpu.yield
    }) : () -> ()
    %mul3A_40 = arith.constant 10 : i32
    %mul3A_41 = arith.muli %arg1, %mul3A_40 : i32
    %mul3A_42 = arith.constant 64 : i32
    %mul3A_43 = arith.muli %mul3A_41, %mul3A_42 : i32
    %add3A_44 = arith.constant 320 : i32
    %add3A_45 = arith.addi %mul3A_43, %add3A_44 : i32
    "tpu.region"() ({
      %run_scoped3A = tpu.sem_alloc : memref<!tpu.dma_semaphore, #tpu.memory_space<semaphore_mem>>
      %dma_start3A = arith.constant 0 : i32
      %dma_start3A_84 = tpu.memref_slice %arg6[%add3A_45, %dma_start3A] : memref<10240x64xf32, #tpu.memory_space<vmem_shared>> -> memref<64x64xf32, #tpu.memory_space<vmem_shared>>
      %dma_start3A_85 = arith.constant 0 : i32
      %dma_start3A_86 = tpu.memref_slice %arg6[%add3A_45, %dma_start3A_85] : memref<10240x64xf32, #tpu.memory_space<vmem_shared>> -> memref<64x64xf32, #tpu.memory_space<vmem_shared>>
      tpu.enqueue_dma source(%arg13 : memref<64x64xf32, #tpu.memory_space<vmem>>) target(%dma_start3A_86 : memref<64x64xf32, #tpu.memory_space<vmem_shared>>) target_semaphore(%run_scoped3A : memref<!tpu.dma_semaphore, #tpu.memory_space<semaphore_mem>>)
      %dma_wait3A = arith.constant 0 : i32
      %dma_wait3A_87 = tpu.memref_slice %arg6[%add3A_45, %dma_wait3A] : memref<10240x64xf32, #tpu.memory_space<vmem_shared>> -> memref<64x64xf32, #tpu.memory_space<vmem_shared>>
      %dma_wait3A_88 = arith.constant 0 : i32
      %dma_wait3A_89 = tpu.memref_slice %arg6[%add3A_45, %dma_wait3A_88] : memref<10240x64xf32, #tpu.memory_space<vmem_shared>> -> memref<64x64xf32, #tpu.memory_space<vmem_shared>>
      tpu.wait_dma2 semaphore(%run_scoped3A : memref<!tpu.dma_semaphore, #tpu.memory_space<semaphore_mem>>) src(%arg13 : memref<64x64xf32, #tpu.memory_space<vmem>>) dst(%dma_wait3A_89 : memref<64x64xf32, #tpu.memory_space<vmem_shared>>)
      tpu.yield
    }) : () -> ()
    %mul3A_46 = arith.constant 10 : i32
    %mul3A_47 = arith.muli %arg1, %mul3A_46 : i32
    %mul3A_48 = arith.constant 64 : i32
    %mul3A_49 = arith.muli %mul3A_47, %mul3A_48 : i32
    %add3A_50 = arith.constant 384 : i32
    %add3A_51 = arith.addi %mul3A_49, %add3A_50 : i32
    "tpu.region"() ({
      %run_scoped3A = tpu.sem_alloc : memref<!tpu.dma_semaphore, #tpu.memory_space<semaphore_mem>>
      %dma_start3A = arith.constant 0 : i32
      %dma_start3A_84 = tpu.memref_slice %arg6[%add3A_51, %dma_start3A] : memref<10240x64xf32, #tpu.memory_space<vmem_shared>> -> memref<64x64xf32, #tpu.memory_space<vmem_shared>>
      %dma_start3A_85 = arith.constant 0 : i32
      %dma_start3A_86 = tpu.memref_slice %arg6[%add3A_51, %dma_start3A_85] : memref<10240x64xf32, #tpu.memory_space<vmem_shared>> -> memref<64x64xf32, #tpu.memory_space<vmem_shared>>
      tpu.enqueue_dma source(%arg13 : memref<64x64xf32, #tpu.memory_space<vmem>>) target(%dma_start3A_86 : memref<64x64xf32, #tpu.memory_space<vmem_shared>>) target_semaphore(%run_scoped3A : memref<!tpu.dma_semaphore, #tpu.memory_space<semaphore_mem>>)
      %dma_wait3A = arith.constant 0 : i32
      %dma_wait3A_87 = tpu.memref_slice %arg6[%add3A_51, %dma_wait3A] : memref<10240x64xf32, #tpu.memory_space<vmem_shared>> -> memref<64x64xf32, #tpu.memory_space<vmem_shared>>
      %dma_wait3A_88 = arith.constant 0 : i32
      %dma_wait3A_89 = tpu.memref_slice %arg6[%add3A_51, %dma_wait3A_88] : memref<10240x64xf32, #tpu.memory_space<vmem_shared>> -> memref<64x64xf32, #tpu.memory_space<vmem_shared>>
      tpu.wait_dma2 semaphore(%run_scoped3A : memref<!tpu.dma_semaphore, #tpu.memory_space<semaphore_mem>>) src(%arg13 : memref<64x64xf32, #tpu.memory_space<vmem>>) dst(%dma_wait3A_89 : memref<64x64xf32, #tpu.memory_space<vmem_shared>>)
      tpu.yield
    }) : () -> ()
    %mul3A_52 = arith.constant 10 : i32
    %mul3A_53 = arith.muli %arg1, %mul3A_52 : i32
    %mul3A_54 = arith.constant 64 : i32
    %mul3A_55 = arith.muli %mul3A_53, %mul3A_54 : i32
    %add3A_56 = arith.constant 448 : i32
    %add3A_57 = arith.addi %mul3A_55, %add3A_56 : i32
    "tpu.region"() ({
      %run_scoped3A = tpu.sem_alloc : memref<!tpu.dma_semaphore, #tpu.memory_space<semaphore_mem>>
      %dma_start3A = arith.constant 0 : i32
      %dma_start3A_84 = tpu.memref_slice %arg6[%add3A_57, %dma_start3A] : memref<10240x64xf32, #tpu.memory_space<vmem_shared>> -> memref<64x64xf32, #tpu.memory_space<vmem_shared>>
      %dma_start3A_85 = arith.constant 0 : i32
      %dma_start3A_86 = tpu.memref_slice %arg6[%add3A_57, %dma_start3A_85] : memref<10240x64xf32, #tpu.memory_space<vmem_shared>> -> memref<64x64xf32, #tpu.memory_space<vmem_shared>>
      tpu.enqueue_dma source(%arg13 : memref<64x64xf32, #tpu.memory_space<vmem>>) target(%dma_start3A_86 : memref<64x64xf32, #tpu.memory_space<vmem_shared>>) target_semaphore(%run_scoped3A : memref<!tpu.dma_semaphore, #tpu.memory_space<semaphore_mem>>)
      %dma_wait3A = arith.constant 0 : i32
      %dma_wait3A_87 = tpu.memref_slice %arg6[%add3A_57, %dma_wait3A] : memref<10240x64xf32, #tpu.memory_space<vmem_shared>> -> memref<64x64xf32, #tpu.memory_space<vmem_shared>>
      %dma_wait3A_88 = arith.constant 0 : i32
      %dma_wait3A_89 = tpu.memref_slice %arg6[%add3A_57, %dma_wait3A_88] : memref<10240x64xf32, #tpu.memory_space<vmem_shared>> -> memref<64x64xf32, #tpu.memory_space<vmem_shared>>
      tpu.wait_dma2 semaphore(%run_scoped3A : memref<!tpu.dma_semaphore, #tpu.memory_space<semaphore_mem>>) src(%arg13 : memref<64x64xf32, #tpu.memory_space<vmem>>) dst(%dma_wait3A_89 : memref<64x64xf32, #tpu.memory_space<vmem_shared>>)
      tpu.yield
    }) : () -> ()
    %mul3A_58 = arith.constant 10 : i32
    %mul3A_59 = arith.muli %arg1, %mul3A_58 : i32
    %mul3A_60 = arith.constant 64 : i32
    %mul3A_61 = arith.muli %mul3A_59, %mul3A_60 : i32
    %add3A_62 = arith.constant 512 : i32
    %add3A_63 = arith.addi %mul3A_61, %add3A_62 : i32
    "tpu.region"() ({
      %run_scoped3A = tpu.sem_alloc : memref<!tpu.dma_semaphore, #tpu.memory_space<semaphore_mem>>
      %dma_start3A = arith.constant 0 : i32
      %dma_start3A_84 = tpu.memref_slice %arg6[%add3A_63, %dma_start3A] : memref<10240x64xf32, #tpu.memory_space<vmem_shared>> -> memref<64x64xf32, #tpu.memory_space<vmem_shared>>
      %dma_start3A_85 = arith.constant 0 : i32
      %dma_start3A_86 = tpu.memref_slice %arg6[%add3A_63, %dma_start3A_85] : memref<10240x64xf32, #tpu.memory_space<vmem_shared>> -> memref<64x64xf32, #tpu.memory_space<vmem_shared>>
      tpu.enqueue_dma source(%arg13 : memref<64x64xf32, #tpu.memory_space<vmem>>) target(%dma_start3A_86 : memref<64x64xf32, #tpu.memory_space<vmem_shared>>) target_semaphore(%run_scoped3A : memref<!tpu.dma_semaphore, #tpu.memory_space<semaphore_mem>>)
      %dma_wait3A = arith.constant 0 : i32
      %dma_wait3A_87 = tpu.memref_slice %arg6[%add3A_63, %dma_wait3A] : memref<10240x64xf32, #tpu.memory_space<vmem_shared>> -> memref<64x64xf32, #tpu.memory_space<vmem_shared>>
      %dma_wait3A_88 = arith.constant 0 : i32
      %dma_wait3A_89 = tpu.memref_slice %arg6[%add3A_63, %dma_wait3A_88] : memref<10240x64xf32, #tpu.memory_space<vmem_shared>> -> memref<64x64xf32, #tpu.memory_space<vmem_shared>>
      tpu.wait_dma2 semaphore(%run_scoped3A : memref<!tpu.dma_semaphore, #tpu.memory_space<semaphore_mem>>) src(%arg13 : memref<64x64xf32, #tpu.memory_space<vmem>>) dst(%dma_wait3A_89 : memref<64x64xf32, #tpu.memory_space<vmem_shared>>)
      tpu.yield
    }) : () -> ()
    %mul3A_64 = arith.constant 10 : i32
    %mul3A_65 = arith.muli %arg1, %mul3A_64 : i32
    %mul3A_66 = arith.constant 64 : i32
    %mul3A_67 = arith.muli %mul3A_65, %mul3A_66 : i32
    %add3A_68 = arith.constant 576 : i32
    %add3A_69 = arith.addi %mul3A_67, %add3A_68 : i32
    "tpu.region"() ({
      %run_scoped3A = tpu.sem_alloc : memref<!tpu.dma_semaphore, #tpu.memory_space<semaphore_mem>>
      %dma_start3A = arith.constant 0 : i32
      %dma_start3A_84 = tpu.memref_slice %arg6[%add3A_69, %dma_start3A] : memref<10240x64xf32, #tpu.memory_space<vmem_shared>> -> memref<64x64xf32, #tpu.memory_space<vmem_shared>>
      %dma_start3A_85 = arith.constant 0 : i32
      %dma_start3A_86 = tpu.memref_slice %arg6[%add3A_69, %dma_start3A_85] : memref<10240x64xf32, #tpu.memory_space<vmem_shared>> -> memref<64x64xf32, #tpu.memory_space<vmem_shared>>
      tpu.enqueue_dma source(%arg13 : memref<64x64xf32, #tpu.memory_space<vmem>>) target(%dma_start3A_86 : memref<64x64xf32, #tpu.memory_space<vmem_shared>>) target_semaphore(%run_scoped3A : memref<!tpu.dma_semaphore, #tpu.memory_space<semaphore_mem>>)
      %dma_wait3A = arith.constant 0 : i32
      %dma_wait3A_87 = tpu.memref_slice %arg6[%add3A_69, %dma_wait3A] : memref<10240x64xf32, #tpu.memory_space<vmem_shared>> -> memref<64x64xf32, #tpu.memory_space<vmem_shared>>
      %dma_wait3A_88 = arith.constant 0 : i32
      %dma_wait3A_89 = tpu.memref_slice %arg6[%add3A_69, %dma_wait3A_88] : memref<10240x64xf32, #tpu.memory_space<vmem_shared>> -> memref<64x64xf32, #tpu.memory_space<vmem_shared>>
      tpu.wait_dma2 semaphore(%run_scoped3A : memref<!tpu.dma_semaphore, #tpu.memory_space<semaphore_mem>>) src(%arg13 : memref<64x64xf32, #tpu.memory_space<vmem>>) dst(%dma_wait3A_89 : memref<64x64xf32, #tpu.memory_space<vmem_shared>>)
      tpu.yield
    }) : () -> ()
    %barrier3A = arith.constant 0 : index
    tpu.barrier barrier_id(%barrier3A)
    %scan3A_70 = arith.constant 0 : i32
    %scan3A_71 = arith.constant 0 : i32
    %scan3A_72 = arith.constant 2 : i32
    %scan3A_73 = arith.addi %scan3A_71, %scan3A_72 : i32
    %scan3A_74 = arith.constant 1 : i32
    %scan3A_75 = scf.for %scan3A_84 = %scan3A_71 to %scan3A_73 step %scan3A_74 iter_args(%scan3A_85 = %scan3A_70) -> (i32)  : i32 {
      %mul3A_86 = arith.constant 40 : i32
      %mul3A_87 = arith.muli %scan3A_84, %mul3A_86 : i32
      %add3A_88 = arith.addi %mul3A_2, %mul3A_87 : i32
      "tpu.region"() ({
        %run_scoped3A_182 = tpu.sem_alloc : memref<!tpu.dma_semaphore, #tpu.memory_space<semaphore_mem>>
        %dma_start3A_183 = arith.constant 0 : i32
        %dma_start3A_184 = tpu.memref_slice %arg2[%add3A_88, %dma_start3A_183] : memref<2560x64xi32, #tpu.memory_space<hbm>> -> memref<40x64xi32, #tpu.memory_space<hbm>>
        %dma_start3A_185 = arith.constant 0 : i32
        %dma_start3A_186 = tpu.memref_slice %arg2[%add3A_88, %dma_start3A_185] : memref<2560x64xi32, #tpu.memory_space<hbm>> -> memref<40x64xi32, #tpu.memory_space<hbm>>
        tpu.enqueue_dma source(%dma_start3A_186 : memref<40x64xi32, #tpu.memory_space<hbm>>) target(%arg7 : memref<40x64xi32, #tpu.memory_space<vmem>>) target_semaphore(%run_scoped3A_182 : memref<!tpu.dma_semaphore, #tpu.memory_space<semaphore_mem>>)
        %dma_wait3A_187 = arith.constant 0 : i32
        %dma_wait3A_188 = tpu.memref_slice %arg2[%add3A_88, %dma_wait3A_187] : memref<2560x64xi32, #tpu.memory_space<hbm>> -> memref<40x64xi32, #tpu.memory_space<hbm>>
        %dma_wait3A_189 = arith.constant 0 : i32
        %dma_wait3A_190 = tpu.memref_slice %arg2[%add3A_88, %dma_wait3A_189] : memref<2560x64xi32, #tpu.memory_space<hbm>> -> memref<40x64xi32, #tpu.memory_space<hbm>>
        tpu.wait_dma2 semaphore(%run_scoped3A_182 : memref<!tpu.dma_semaphore, #tpu.memory_space<semaphore_mem>>) src(%dma_wait3A_190 : memref<40x64xi32, #tpu.memory_space<hbm>>) dst(%arg7 : memref<40x64xi32, #tpu.memory_space<vmem>>)
        tpu.yield
      }) : () -> ()
      "tpu.region"() ({
        %run_scoped3A_182 = tpu.sem_alloc : memref<!tpu.dma_semaphore, #tpu.memory_space<semaphore_mem>>
        %dma_start3A_183 = arith.constant 0 : i32
        %dma_start3A_184 = tpu.memref_slice %arg3[%add3A_88, %dma_start3A_183] : memref<2560x64xi32, #tpu.memory_space<hbm>> -> memref<40x64xi32, #tpu.memory_space<hbm>>
        %dma_start3A_185 = arith.constant 0 : i32
        %dma_start3A_186 = tpu.memref_slice %arg3[%add3A_88, %dma_start3A_185] : memref<2560x64xi32, #tpu.memory_space<hbm>> -> memref<40x64xi32, #tpu.memory_space<hbm>>
        tpu.enqueue_dma source(%dma_start3A_186 : memref<40x64xi32, #tpu.memory_space<hbm>>) target(%arg8 : memref<40x64xi32, #tpu.memory_space<vmem>>) target_semaphore(%run_scoped3A_182 : memref<!tpu.dma_semaphore, #tpu.memory_space<semaphore_mem>>)
        %dma_wait3A_187 = arith.constant 0 : i32
        %dma_wait3A_188 = tpu.memref_slice %arg3[%add3A_88, %dma_wait3A_187] : memref<2560x64xi32, #tpu.memory_space<hbm>> -> memref<40x64xi32, #tpu.memory_space<hbm>>
        %dma_wait3A_189 = arith.constant 0 : i32
        %dma_wait3A_190 = tpu.memref_slice %arg3[%add3A_88, %dma_wait3A_189] : memref<2560x64xi32, #tpu.memory_space<hbm>> -> memref<40x64xi32, #tpu.memory_space<hbm>>
        tpu.wait_dma2 semaphore(%run_scoped3A_182 : memref<!tpu.dma_semaphore, #tpu.memory_space<semaphore_mem>>) src(%dma_wait3A_190 : memref<40x64xi32, #tpu.memory_space<hbm>>) dst(%arg8 : memref<40x64xi32, #tpu.memory_space<vmem>>)
        tpu.yield
      }) : () -> ()
      %dma_start3A = arith.constant 0 : i32
      %dma_start3A_89 = arith.constant 0 : i32
      %dma_start3A_90 = tpu.memref_slice %arg7[%dma_start3A, %dma_start3A_89] : memref<40x64xi32, #tpu.memory_space<vmem>> -> memref<1x64xi32, #tpu.memory_space<vmem>>
      %dma_start3A_91 = tpu.memref_squeeze %dma_start3A_90 : memref<1x64xi32, #tpu.memory_space<vmem>> -> memref<64xi32, #tpu.memory_space<vmem>>
      %dma_start3A_92 = arith.constant 0 : i32
      %dma_start3A_93 = arith.constant 0 : i32
      %dma_start3A_94 = tpu.memref_slice %arg4[%dma_start3A_92, %dma_start3A_93] : memref<10000x128xf32, #tpu.memory_space<hbm>> -> memref<10000x128xf32, #tpu.memory_space<hbm>>
      tpu.enqueue_indirect_dma source(%dma_start3A_94 : memref<10000x128xf32, #tpu.memory_space<hbm>>) target(%arg9 : memref<64x128xf32, #tpu.memory_space<vmem>>) offsets(%dma_start3A_91 : memref<64xi32, #tpu.memory_space<vmem>>) semaphore(%arg15 : memref<!tpu.dma_semaphore, #tpu.memory_space<semaphore_mem>>)
      %dma_start3A_95 = arith.constant 1 : i32
      %dma_start3A_96 = arith.constant 0 : i32
      %dma_start3A_97 = tpu.memref_slice %arg7[%dma_start3A_95, %dma_start3A_96] : memref<40x64xi32, #tpu.memory_space<vmem>> -> memref<1x64xi32, #tpu.memory_space<vmem>>
      %dma_start3A_98 = tpu.memref_squeeze %dma_start3A_97 : memref<1x64xi32, #tpu.memory_space<vmem>> -> memref<64xi32, #tpu.memory_space<vmem>>
      %dma_start3A_99 = arith.constant 0 : i32
      %dma_start3A_100 = arith.constant 0 : i32
      %dma_start3A_101 = tpu.memref_slice %arg4[%dma_start3A_99, %dma_start3A_100] : memref<10000x128xf32, #tpu.memory_space<hbm>> -> memref<10000x128xf32, #tpu.memory_space<hbm>>
      tpu.enqueue_indirect_dma source(%dma_start3A_101 : memref<10000x128xf32, #tpu.memory_space<hbm>>) target(%arg10 : memref<64x128xf32, #tpu.memory_space<vmem>>) offsets(%dma_start3A_98 : memref<64xi32, #tpu.memory_space<vmem>>) semaphore(%arg16 : memref<!tpu.dma_semaphore, #tpu.memory_space<semaphore_mem>>)
      %dma_start3A_102 = arith.constant 2 : i32
      %dma_start3A_103 = arith.constant 0 : i32
      %dma_start3A_104 = tpu.memref_slice %arg7[%dma_start3A_102, %dma_start3A_103] : memref<40x64xi32, #tpu.memory_space<vmem>> -> memref<1x64xi32, #tpu.memory_space<vmem>>
      %dma_start3A_105 = tpu.memref_squeeze %dma_start3A_104 : memref<1x64xi32, #tpu.memory_space<vmem>> -> memref<64xi32, #tpu.memory_space<vmem>>
      %dma_start3A_106 = arith.constant 0 : i32
      %dma_start3A_107 = arith.constant 0 : i32
      %dma_start3A_108 = tpu.memref_slice %arg4[%dma_start3A_106, %dma_start3A_107] : memref<10000x128xf32, #tpu.memory_space<hbm>> -> memref<10000x128xf32, #tpu.memory_space<hbm>>
      tpu.enqueue_indirect_dma source(%dma_start3A_108 : memref<10000x128xf32, #tpu.memory_space<hbm>>) target(%arg11 : memref<64x128xf32, #tpu.memory_space<vmem>>) offsets(%dma_start3A_105 : memref<64xi32, #tpu.memory_space<vmem>>) semaphore(%arg17 : memref<!tpu.dma_semaphore, #tpu.memory_space<semaphore_mem>>)
      %dma_start3A_109 = arith.constant 3 : i32
      %dma_start3A_110 = arith.constant 0 : i32
      %dma_start3A_111 = tpu.memref_slice %arg7[%dma_start3A_109, %dma_start3A_110] : memref<40x64xi32, #tpu.memory_space<vmem>> -> memref<1x64xi32, #tpu.memory_space<vmem>>
      %dma_start3A_112 = tpu.memref_squeeze %dma_start3A_111 : memref<1x64xi32, #tpu.memory_space<vmem>> -> memref<64xi32, #tpu.memory_space<vmem>>
      %dma_start3A_113 = arith.constant 0 : i32
      %dma_start3A_114 = arith.constant 0 : i32
      %dma_start3A_115 = tpu.memref_slice %arg4[%dma_start3A_113, %dma_start3A_114] : memref<10000x128xf32, #tpu.memory_space<hbm>> -> memref<10000x128xf32, #tpu.memory_space<hbm>>
      tpu.enqueue_indirect_dma source(%dma_start3A_115 : memref<10000x128xf32, #tpu.memory_space<hbm>>) target(%arg12 : memref<64x128xf32, #tpu.memory_space<vmem>>) offsets(%dma_start3A_112 : memref<64xi32, #tpu.memory_space<vmem>>) semaphore(%arg18 : memref<!tpu.dma_semaphore, #tpu.memory_space<semaphore_mem>>)
      %scan3A_116 = arith.constant 0 : i32
      %scan3A_117 = arith.constant 0 : i32
      %scan3A_118 = arith.constant 9 : i32
      %scan3A_119 = arith.addi %scan3A_117, %scan3A_118 : i32
      %scan3A_120 = arith.constant 1 : i32
      %scan3A_121 = scf.for %scan3A_182 = %scan3A_117 to %scan3A_119 step %scan3A_120 iter_args(%scan3A_183 = %scan3A_116) -> (i32)  : i32 {
        %mul3A_184 = arith.constant 4 : i32
        %mul3A_185 = arith.muli %mul3A_184, %scan3A_182 : i32
        %add3A_186 = arith.constant 0 : i32
        %add3A_187 = arith.addi %mul3A_185, %add3A_186 : i32
        %dma_wait3A_188 = arith.constant 0 : i32
        %dma_wait3A_189 = arith.constant 0 : i32
        %dma_wait3A_190 = tpu.memref_slice %arg7[%dma_wait3A_188, %dma_wait3A_189] : memref<40x64xi32, #tpu.memory_space<vmem>> -> memref<1x64xi32, #tpu.memory_space<vmem>>
        %dma_wait3A_191 = tpu.memref_squeeze %dma_wait3A_190 : memref<1x64xi32, #tpu.memory_space<vmem>> -> memref<64xi32, #tpu.memory_space<vmem>>
        %dma_wait3A_192 = arith.constant 0 : i32
        %dma_wait3A_193 = arith.constant 0 : i32
        %dma_wait3A_194 = tpu.memref_slice %arg4[%dma_wait3A_192, %dma_wait3A_193] : memref<10000x128xf32, #tpu.memory_space<hbm>> -> memref<10000x128xf32, #tpu.memory_space<hbm>>
        tpu.wait_indirect_dma semaphore(%arg15 : memref<!tpu.dma_semaphore, #tpu.memory_space<semaphore_mem>>) src(%dma_wait3A_194 : memref<10000x128xf32, #tpu.memory_space<hbm>>) dst(%arg9 : memref<64x128xf32, #tpu.memory_space<vmem>>)
        %scan3A_195 = arith.constant 0 : i32
        %scan3A_196 = arith.constant 0 : i32
        %scan3A_197 = arith.constant 64 : i32
        %scan3A_198 = arith.addi %scan3A_196, %scan3A_197 : i32
        %scan3A_199 = arith.constant 1 : i32
        %scan3A_200 = scf.for %scan3A_289 = %scan3A_196 to %scan3A_198 step %scan3A_199 iter_args(%scan3A_290 = %scan3A_195) -> (i32)  : i32 {
          %get3A = arith.index_cast %scan3A_289 : i32 to index
          %get3A_291 = arith.constant 0 : index
          %get3A_292 = tpu.vector_load %arg9[%get3A, %get3A_291] {strides = array<i32>} : memref<64x128xf32, #tpu.memory_space<vmem>>, vector<1x16xf32>,
          %get3A_293 = vector.shape_cast %get3A_292 : vector<1x16xf32> to vector<16xf32>
          %swap3A = arith.index_cast %scan3A_289 : i32 to index
          %swap3A_294 = arith.constant 0 : index
          %swap3A_295 = tpu.vector_load %arg13[%swap3A, %swap3A_294] {strides = array<i32>} : memref<64x64xf32, #tpu.memory_space<vmem>>, vector<1x16xf32>,
          %swap3A_296 = vector.shape_cast %swap3A_295 : vector<1x16xf32> to vector<16xf32>
          %swap3A_297 = vector.shape_cast %get3A_293 : vector<16xf32> to vector<1x16xf32>
          tpu.vector_store %arg13[%swap3A, %swap3A_294], %swap3A_297 {strides = array<i32>} : memref<64x64xf32, #tpu.memory_space<vmem>>, vector<1x16xf32>,
          %get3A_298 = arith.index_cast %scan3A_289 : i32 to index
          %get3A_299 = arith.constant 16 : index
          %get3A_300 = tpu.vector_load %arg9[%get3A_298, %get3A_299] {strides = array<i32>} : memref<64x128xf32, #tpu.memory_space<vmem>>, vector<1x16xf32>,
          %get3A_301 = vector.shape_cast %get3A_300 : vector<1x16xf32> to vector<16xf32>
          %swap3A_302 = arith.index_cast %scan3A_289 : i32 to index
          %swap3A_303 = arith.constant 16 : index
          %swap3A_304 = tpu.vector_load %arg13[%swap3A_302, %swap3A_303] {strides = array<i32>} : memref<64x64xf32, #tpu.memory_space<vmem>>, vector<1x16xf32>,
          %swap3A_305 = vector.shape_cast %swap3A_304 : vector<1x16xf32> to vector<16xf32>
          %swap3A_306 = vector.shape_cast %get3A_301 : vector<16xf32> to vector<1x16xf32>
          tpu.vector_store %arg13[%swap3A_302, %swap3A_303], %swap3A_306 {strides = array<i32>} : memref<64x64xf32, #tpu.memory_space<vmem>>, vector<1x16xf32>,
          %get3A_307 = arith.index_cast %scan3A_289 : i32 to index
          %get3A_308 = arith.constant 32 : index
          %get3A_309 = tpu.vector_load %arg9[%get3A_307, %get3A_308] {strides = array<i32>} : memref<64x128xf32, #tpu.memory_space<vmem>>, vector<1x16xf32>,
          %get3A_310 = vector.shape_cast %get3A_309 : vector<1x16xf32> to vector<16xf32>
          %swap3A_311 = arith.index_cast %scan3A_289 : i32 to index
          %swap3A_312 = arith.constant 32 : index
          %swap3A_313 = tpu.vector_load %arg13[%swap3A_311, %swap3A_312] {strides = array<i32>} : memref<64x64xf32, #tpu.memory_space<vmem>>, vector<1x16xf32>,
          %swap3A_314 = vector.shape_cast %swap3A_313 : vector<1x16xf32> to vector<16xf32>
          %swap3A_315 = vector.shape_cast %get3A_310 : vector<16xf32> to vector<1x16xf32>
          tpu.vector_store %arg13[%swap3A_311, %swap3A_312], %swap3A_315 {strides = array<i32>} : memref<64x64xf32, #tpu.memory_space<vmem>>, vector<1x16xf32>,
          %get3A_316 = arith.index_cast %scan3A_289 : i32 to index
          %get3A_317 = arith.constant 48 : index
          %get3A_318 = tpu.vector_load %arg9[%get3A_316, %get3A_317] {strides = array<i32>} : memref<64x128xf32, #tpu.memory_space<vmem>>, vector<1x16xf32>,
          %get3A_319 = vector.shape_cast %get3A_318 : vector<1x16xf32> to vector<16xf32>
          %swap3A_320 = arith.index_cast %scan3A_289 : i32 to index
          %swap3A_321 = arith.constant 48 : index
          %swap3A_322 = tpu.vector_load %arg13[%swap3A_320, %swap3A_321] {strides = array<i32>} : memref<64x64xf32, #tpu.memory_space<vmem>>, vector<1x16xf32>,
          %swap3A_323 = vector.shape_cast %swap3A_322 : vector<1x16xf32> to vector<16xf32>
          %swap3A_324 = vector.shape_cast %get3A_319 : vector<16xf32> to vector<1x16xf32>
          tpu.vector_store %arg13[%swap3A_320, %swap3A_321], %swap3A_324 {strides = array<i32>} : memref<64x64xf32, #tpu.memory_space<vmem>>, vector<1x16xf32>,
          %scan3A_325 = arith.constant 0 : i32
          scf.yield %scan3A_325 : i32
        }
        %scan3A_201 = arith.constant 64 : i32
        %add3A_202 = arith.constant 4 : i32
        %add3A_203 = arith.addi %add3A_187, %add3A_202 : i32
        %dma_start3A_204 = arith.constant 0 : i32
        %dma_start3A_205 = tpu.memref_slice %arg7[%add3A_203, %dma_start3A_204] : memref<40x64xi32, #tpu.memory_space<vmem>> -> memref<1x64xi32, #tpu.memory_space<vmem>>
        %dma_start3A_206 = tpu.memref_squeeze %dma_start3A_205 : memref<1x64xi32, #tpu.memory_space<vmem>> -> memref<64xi32, #tpu.memory_space<vmem>>
        %dma_start3A_207 = arith.constant 0 : i32
        %dma_start3A_208 = arith.constant 0 : i32
        %dma_start3A_209 = tpu.memref_slice %arg4[%dma_start3A_207, %dma_start3A_208] : memref<10000x128xf32, #tpu.memory_space<hbm>> -> memref<10000x128xf32, #tpu.memory_space<hbm>>
        tpu.enqueue_indirect_dma source(%dma_start3A_209 : memref<10000x128xf32, #tpu.memory_space<hbm>>) target(%arg9 : memref<64x128xf32, #tpu.memory_space<vmem>>) offsets(%dma_start3A_206 : memref<64xi32, #tpu.memory_space<vmem>>) semaphore(%arg15 : memref<!tpu.dma_semaphore, #tpu.memory_space<semaphore_mem>>)
        "tpu.region"() ({
          %run_scoped3A_289 = tpu.sem_alloc : memref<!tpu.dma_semaphore, #tpu.memory_space<semaphore_mem>>
          %dma_start3A_290 = arith.constant 0 : i32
          %dma_start3A_291 = tpu.memref_slice %arg8[%add3A_187, %dma_start3A_290] : memref<40x64xi32, #tpu.memory_space<vmem>> -> memref<1x64xi32, #tpu.memory_space<vmem>>
          %dma_start3A_292 = tpu.memref_squeeze %dma_start3A_291 : memref<1x64xi32, #tpu.memory_space<vmem>> -> memref<64xi32, #tpu.memory_space<vmem>>
          %dma_start3A_293 = arith.constant 0 : i32
          %dma_start3A_294 = arith.constant 0 : i32
          %dma_start3A_295 = tpu.memref_slice %arg6[%dma_start3A_293, %dma_start3A_294] : memref<10240x64xf32, #tpu.memory_space<vmem_shared>> -> memref<10240x64xf32, #tpu.memory_space<vmem_shared>>
          tpu.enqueue_indirect_dma source(%arg13 : memref<64x64xf32, #tpu.memory_space<vmem>>) target(%dma_start3A_295 : memref<10240x64xf32, #tpu.memory_space<vmem_shared>>) offsets(%dma_start3A_292 : memref<64xi32, #tpu.memory_space<vmem>>) semaphore(%run_scoped3A_289 : memref<!tpu.dma_semaphore, #tpu.memory_space<semaphore_mem>>) {add = true}
          %dma_wait3A_296 = arith.constant 0 : i32
          %dma_wait3A_297 = tpu.memref_slice %arg8[%add3A_187, %dma_wait3A_296] : memref<40x64xi32, #tpu.memory_space<vmem>> -> memref<1x64xi32, #tpu.memory_space<vmem>>
          %dma_wait3A_298 = tpu.memref_squeeze %dma_wait3A_297 : memref<1x64xi32, #tpu.memory_space<vmem>> -> memref<64xi32, #tpu.memory_space<vmem>>
          %dma_wait3A_299 = arith.constant 0 : i32
          %dma_wait3A_300 = arith.constant 0 : i32
          %dma_wait3A_301 = tpu.memref_slice %arg6[%dma_wait3A_299, %dma_wait3A_300] : memref<10240x64xf32, #tpu.memory_space<vmem_shared>> -> memref<10240x64xf32, #tpu.memory_space<vmem_shared>>
          tpu.wait_indirect_dma semaphore(%run_scoped3A_289 : memref<!tpu.dma_semaphore, #tpu.memory_space<semaphore_mem>>) src(%arg13 : memref<64x64xf32, #tpu.memory_space<vmem>>) dst(%dma_wait3A_301 : memref<10240x64xf32, #tpu.memory_space<vmem_shared>>)
          tpu.yield
        }) : () -> ()
        %mul3A_210 = arith.constant 4 : i32
        %mul3A_211 = arith.muli %mul3A_210, %scan3A_182 : i32
        %add3A_212 = arith.constant 1 : i32
        %add3A_213 = arith.addi %mul3A_211, %add3A_212 : i32
        %dma_wait3A_214 = arith.constant 0 : i32
        %dma_wait3A_215 = arith.constant 0 : i32
        %dma_wait3A_216 = tpu.memref_slice %arg7[%dma_wait3A_214, %dma_wait3A_215] : memref<40x64xi32, #tpu.memory_space<vmem>> -> memref<1x64xi32, #tpu.memory_space<vmem>>
        %dma_wait3A_217 = tpu.memref_squeeze %dma_wait3A_216 : memref<1x64xi32, #tpu.memory_space<vmem>> -> memref<64xi32, #tpu.memory_space<vmem>>
        %dma_wait3A_218 = arith.constant 0 : i32
        %dma_wait3A_219 = arith.constant 0 : i32
        %dma_wait3A_220 = tpu.memref_slice %arg4[%dma_wait3A_218, %dma_wait3A_219] : memref<10000x128xf32, #tpu.memory_space<hbm>> -> memref<10000x128xf32, #tpu.memory_space<hbm>>
        tpu.wait_indirect_dma semaphore(%arg16 : memref<!tpu.dma_semaphore, #tpu.memory_space<semaphore_mem>>) src(%dma_wait3A_220 : memref<10000x128xf32, #tpu.memory_space<hbm>>) dst(%arg10 : memref<64x128xf32, #tpu.memory_space<vmem>>)
        %scan3A_221 = arith.constant 0 : i32
        %scan3A_222 = arith.constant 0 : i32
        %scan3A_223 = arith.constant 64 : i32
        %scan3A_224 = arith.addi %scan3A_222, %scan3A_223 : i32
        %scan3A_225 = arith.constant 1 : i32
        %scan3A_226 = scf.for %scan3A_289 = %scan3A_222 to %scan3A_224 step %scan3A_225 iter_args(%scan3A_290 = %scan3A_221) -> (i32)  : i32 {
          %get3A = arith.index_cast %scan3A_289 : i32 to index
          %get3A_291 = arith.constant 0 : index
          %get3A_292 = tpu.vector_load %arg10[%get3A, %get3A_291] {strides = array<i32>} : memref<64x128xf32, #tpu.memory_space<vmem>>, vector<1x16xf32>,
          %get3A_293 = vector.shape_cast %get3A_292 : vector<1x16xf32> to vector<16xf32>
          %swap3A = arith.index_cast %scan3A_289 : i32 to index
          %swap3A_294 = arith.constant 0 : index
          %swap3A_295 = tpu.vector_load %arg14[%swap3A, %swap3A_294] {strides = array<i32>} : memref<64x64xf32, #tpu.memory_space<vmem>>, vector<1x16xf32>,
          %swap3A_296 = vector.shape_cast %swap3A_295 : vector<1x16xf32> to vector<16xf32>
          %swap3A_297 = vector.shape_cast %get3A_293 : vector<16xf32> to vector<1x16xf32>
          tpu.vector_store %arg14[%swap3A, %swap3A_294], %swap3A_297 {strides = array<i32>} : memref<64x64xf32, #tpu.memory_space<vmem>>, vector<1x16xf32>,
          %get3A_298 = arith.index_cast %scan3A_289 : i32 to index
          %get3A_299 = arith.constant 16 : index
          %get3A_300 = tpu.vector_load %arg10[%get3A_298, %get3A_299] {strides = array<i32>} : memref<64x128xf32, #tpu.memory_space<vmem>>, vector<1x16xf32>,
          %get3A_301 = vector.shape_cast %get3A_300 : vector<1x16xf32> to vector<16xf32>
          %swap3A_302 = arith.index_cast %scan3A_289 : i32 to index
          %swap3A_303 = arith.constant 16 : index
          %swap3A_304 = tpu.vector_load %arg14[%swap3A_302, %swap3A_303] {strides = array<i32>} : memref<64x64xf32, #tpu.memory_space<vmem>>, vector<1x16xf32>,
          %swap3A_305 = vector.shape_cast %swap3A_304 : vector<1x16xf32> to vector<16xf32>
          %swap3A_306 = vector.shape_cast %get3A_301 : vector<16xf32> to vector<1x16xf32>
          tpu.vector_store %arg14[%swap3A_302, %swap3A_303], %swap3A_306 {strides = array<i32>} : memref<64x64xf32, #tpu.memory_space<vmem>>, vector<1x16xf32>,
          %get3A_307 = arith.index_cast %scan3A_289 : i32 to index
          %get3A_308 = arith.constant 32 : index
          %get3A_309 = tpu.vector_load %arg10[%get3A_307, %get3A_308] {strides = array<i32>} : memref<64x128xf32, #tpu.memory_space<vmem>>, vector<1x16xf32>,
          %get3A_310 = vector.shape_cast %get3A_309 : vector<1x16xf32> to vector<16xf32>
          %swap3A_311 = arith.index_cast %scan3A_289 : i32 to index
          %swap3A_312 = arith.constant 32 : index
          %swap3A_313 = tpu.vector_load %arg14[%swap3A_311, %swap3A_312] {strides = array<i32>} : memref<64x64xf32, #tpu.memory_space<vmem>>, vector<1x16xf32>,
          %swap3A_314 = vector.shape_cast %swap3A_313 : vector<1x16xf32> to vector<16xf32>
          %swap3A_315 = vector.shape_cast %get3A_310 : vector<16xf32> to vector<1x16xf32>
          tpu.vector_store %arg14[%swap3A_311, %swap3A_312], %swap3A_315 {strides = array<i32>} : memref<64x64xf32, #tpu.memory_space<vmem>>, vector<1x16xf32>,
          %get3A_316 = arith.index_cast %scan3A_289 : i32 to index
          %get3A_317 = arith.constant 48 : index
          %get3A_318 = tpu.vector_load %arg10[%get3A_316, %get3A_317] {strides = array<i32>} : memref<64x128xf32, #tpu.memory_space<vmem>>, vector<1x16xf32>,
          %get3A_319 = vector.shape_cast %get3A_318 : vector<1x16xf32> to vector<16xf32>
          %swap3A_320 = arith.index_cast %scan3A_289 : i32 to index
          %swap3A_321 = arith.constant 48 : index
          %swap3A_322 = tpu.vector_load %arg14[%swap3A_320, %swap3A_321] {strides = array<i32>} : memref<64x64xf32, #tpu.memory_space<vmem>>, vector<1x16xf32>,
          %swap3A_323 = vector.shape_cast %swap3A_322 : vector<1x16xf32> to vector<16xf32>
          %swap3A_324 = vector.shape_cast %get3A_319 : vector<16xf32> to vector<1x16xf32>
          tpu.vector_store %arg14[%swap3A_320, %swap3A_321], %swap3A_324 {strides = array<i32>} : memref<64x64xf32, #tpu.memory_space<vmem>>, vector<1x16xf32>,
          %scan3A_325 = arith.constant 0 : i32
          scf.yield %scan3A_325 : i32
        }
        %scan3A_227 = arith.constant 64 : i32
        %add3A_228 = arith.constant 4 : i32
        %add3A_229 = arith.addi %add3A_213, %add3A_228 : i32
        %dma_start3A_230 = arith.constant 0 : i32
        %dma_start3A_231 = tpu.memref_slice %arg7[%add3A_229, %dma_start3A_230] : memref<40x64xi32, #tpu.memory_space<vmem>> -> memref<1x64xi32, #tpu.memory_space<vmem>>
        %dma_start3A_232 = tpu.memref_squeeze %dma_start3A_231 : memref<1x64xi32, #tpu.memory_space<vmem>> -> memref<64xi32, #tpu.memory_space<vmem>>
        %dma_start3A_233 = arith.constant 0 : i32
        %dma_start3A_234 = arith.constant 0 : i32
        %dma_start3A_235 = tpu.memref_slice %arg4[%dma_start3A_233, %dma_start3A_234] : memref<10000x128xf32, #tpu.memory_space<hbm>> -> memref<10000x128xf32, #tpu.memory_space<hbm>>
        tpu.enqueue_indirect_dma source(%dma_start3A_235 : memref<10000x128xf32, #tpu.memory_space<hbm>>) target(%arg10 : memref<64x128xf32, #tpu.memory_space<vmem>>) offsets(%dma_start3A_232 : memref<64xi32, #tpu.memory_space<vmem>>) semaphore(%arg16 : memref<!tpu.dma_semaphore, #tpu.memory_space<semaphore_mem>>)
        "tpu.region"() ({
          %run_scoped3A_289 = tpu.sem_alloc : memref<!tpu.dma_semaphore, #tpu.memory_space<semaphore_mem>>
          %dma_start3A_290 = arith.constant 0 : i32
          %dma_start3A_291 = tpu.memref_slice %arg8[%add3A_213, %dma_start3A_290] : memref<40x64xi32, #tpu.memory_space<vmem>> -> memref<1x64xi32, #tpu.memory_space<vmem>>
          %dma_start3A_292 = tpu.memref_squeeze %dma_start3A_291 : memref<1x64xi32, #tpu.memory_space<vmem>> -> memref<64xi32, #tpu.memory_space<vmem>>
          %dma_start3A_293 = arith.constant 0 : i32
          %dma_start3A_294 = arith.constant 0 : i32
          %dma_start3A_295 = tpu.memref_slice %arg6[%dma_start3A_293, %dma_start3A_294] : memref<10240x64xf32, #tpu.memory_space<vmem_shared>> -> memref<10240x64xf32, #tpu.memory_space<vmem_shared>>
          tpu.enqueue_indirect_dma source(%arg14 : memref<64x64xf32, #tpu.memory_space<vmem>>) target(%dma_start3A_295 : memref<10240x64xf32, #tpu.memory_space<vmem_shared>>) offsets(%dma_start3A_292 : memref<64xi32, #tpu.memory_space<vmem>>) semaphore(%run_scoped3A_289 : memref<!tpu.dma_semaphore, #tpu.memory_space<semaphore_mem>>) {add = true}
          %dma_wait3A_296 = arith.constant 0 : i32
          %dma_wait3A_297 = tpu.memref_slice %arg8[%add3A_213, %dma_wait3A_296] : memref<40x64xi32, #tpu.memory_space<vmem>> -> memref<1x64xi32, #tpu.memory_space<vmem>>
          %dma_wait3A_298 = tpu.memref_squeeze %dma_wait3A_297 : memref<1x64xi32, #tpu.memory_space<vmem>> -> memref<64xi32, #tpu.memory_space<vmem>>
          %dma_wait3A_299 = arith.constant 0 : i32
          %dma_wait3A_300 = arith.constant 0 : i32
          %dma_wait3A_301 = tpu.memref_slice %arg6[%dma_wait3A_299, %dma_wait3A_300] : memref<10240x64xf32, #tpu.memory_space<vmem_shared>> -> memref<10240x64xf32, #tpu.memory_space<vmem_shared>>
          tpu.wait_indirect_dma semaphore(%run_scoped3A_289 : memref<!tpu.dma_semaphore, #tpu.memory_space<semaphore_mem>>) src(%arg14 : memref<64x64xf32, #tpu.memory_space<vmem>>) dst(%dma_wait3A_301 : memref<10240x64xf32, #tpu.memory_space<vmem_shared>>)
          tpu.yield
        }) : () -> ()
        %mul3A_236 = arith.constant 4 : i32
        %mul3A_237 = arith.muli %mul3A_236, %scan3A_182 : i32
        %add3A_238 = arith.constant 2 : i32
        %add3A_239 = arith.addi %mul3A_237, %add3A_238 : i32
        %dma_wait3A_240 = arith.constant 0 : i32
        %dma_wait3A_241 = arith.constant 0 : i32
        %dma_wait3A_242 = tpu.memref_slice %arg7[%dma_wait3A_240, %dma_wait3A_241] : memref<40x64xi32, #tpu.memory_space<vmem>> -> memref<1x64xi32, #tpu.memory_space<vmem>>
        %dma_wait3A_243 = tpu.memref_squeeze %dma_wait3A_242 : memref<1x64xi32, #tpu.memory_space<vmem>> -> memref<64xi32, #tpu.memory_space<vmem>>
        %dma_wait3A_244 = arith.constant 0 : i32
        %dma_wait3A_245 = arith.constant 0 : i32
        %dma_wait3A_246 = tpu.memref_slice %arg4[%dma_wait3A_244, %dma_wait3A_245] : memref<10000x128xf32, #tpu.memory_space<hbm>> -> memref<10000x128xf32, #tpu.memory_space<hbm>>
        tpu.wait_indirect_dma semaphore(%arg17 : memref<!tpu.dma_semaphore, #tpu.memory_space<semaphore_mem>>) src(%dma_wait3A_246 : memref<10000x128xf32, #tpu.memory_space<hbm>>) dst(%arg11 : memref<64x128xf32, #tpu.memory_space<vmem>>)
        %scan3A_247 = arith.constant 0 : i32
        %scan3A_248 = arith.constant 0 : i32
        %scan3A_249 = arith.constant 64 : i32
        %scan3A_250 = arith.addi %scan3A_248, %scan3A_249 : i32
        %scan3A_251 = arith.constant 1 : i32
        %scan3A_252 = scf.for %scan3A_289 = %scan3A_248 to %scan3A_250 step %scan3A_251 iter_args(%scan3A_290 = %scan3A_247) -> (i32)  : i32 {
          %get3A = arith.index_cast %scan3A_289 : i32 to index
          %get3A_291 = arith.constant 0 : index
          %get3A_292 = tpu.vector_load %arg11[%get3A, %get3A_291] {strides = array<i32>} : memref<64x128xf32, #tpu.memory_space<vmem>>, vector<1x16xf32>,
          %get3A_293 = vector.shape_cast %get3A_292 : vector<1x16xf32> to vector<16xf32>
          %swap3A = arith.index_cast %scan3A_289 : i32 to index
          %swap3A_294 = arith.constant 0 : index
          %swap3A_295 = tpu.vector_load %arg13[%swap3A, %swap3A_294] {strides = array<i32>} : memref<64x64xf32, #tpu.memory_space<vmem>>, vector<1x16xf32>,
          %swap3A_296 = vector.shape_cast %swap3A_295 : vector<1x16xf32> to vector<16xf32>
          %swap3A_297 = vector.shape_cast %get3A_293 : vector<16xf32> to vector<1x16xf32>
          tpu.vector_store %arg13[%swap3A, %swap3A_294], %swap3A_297 {strides = array<i32>} : memref<64x64xf32, #tpu.memory_space<vmem>>, vector<1x16xf32>,
          %get3A_298 = arith.index_cast %scan3A_289 : i32 to index
          %get3A_299 = arith.constant 16 : index
          %get3A_300 = tpu.vector_load %arg11[%get3A_298, %get3A_299] {strides = array<i32>} : memref<64x128xf32, #tpu.memory_space<vmem>>, vector<1x16xf32>,
          %get3A_301 = vector.shape_cast %get3A_300 : vector<1x16xf32> to vector<16xf32>
          %swap3A_302 = arith.index_cast %scan3A_289 : i32 to index
          %swap3A_303 = arith.constant 16 : index
          %swap3A_304 = tpu.vector_load %arg13[%swap3A_302, %swap3A_303] {strides = array<i32>} : memref<64x64xf32, #tpu.memory_space<vmem>>, vector<1x16xf32>,
          %swap3A_305 = vector.shape_cast %swap3A_304 : vector<1x16xf32> to vector<16xf32>
          %swap3A_306 = vector.shape_cast %get3A_301 : vector<16xf32> to vector<1x16xf32>
          tpu.vector_store %arg13[%swap3A_302, %swap3A_303], %swap3A_306 {strides = array<i32>} : memref<64x64xf32, #tpu.memory_space<vmem>>, vector<1x16xf32>,
          %get3A_307 = arith.index_cast %scan3A_289 : i32 to index
          %get3A_308 = arith.constant 32 : index
          %get3A_309 = tpu.vector_load %arg11[%get3A_307, %get3A_308] {strides = array<i32>} : memref<64x128xf32, #tpu.memory_space<vmem>>, vector<1x16xf32>,
          %get3A_310 = vector.shape_cast %get3A_309 : vector<1x16xf32> to vector<16xf32>
          %swap3A_311 = arith.index_cast %scan3A_289 : i32 to index
          %swap3A_312 = arith.constant 32 : index
          %swap3A_313 = tpu.vector_load %arg13[%swap3A_311, %swap3A_312] {strides = array<i32>} : memref<64x64xf32, #tpu.memory_space<vmem>>, vector<1x16xf32>,
          %swap3A_314 = vector.shape_cast %swap3A_313 : vector<1x16xf32> to vector<16xf32>
          %swap3A_315 = vector.shape_cast %get3A_310 : vector<16xf32> to vector<1x16xf32>
          tpu.vector_store %arg13[%swap3A_311, %swap3A_312], %swap3A_315 {strides = array<i32>} : memref<64x64xf32, #tpu.memory_space<vmem>>, vector<1x16xf32>,
          %get3A_316 = arith.index_cast %scan3A_289 : i32 to index
          %get3A_317 = arith.constant 48 : index
          %get3A_318 = tpu.vector_load %arg11[%get3A_316, %get3A_317] {strides = array<i32>} : memref<64x128xf32, #tpu.memory_space<vmem>>, vector<1x16xf32>,
          %get3A_319 = vector.shape_cast %get3A_318 : vector<1x16xf32> to vector<16xf32>
          %swap3A_320 = arith.index_cast %scan3A_289 : i32 to index
          %swap3A_321 = arith.constant 48 : index
          %swap3A_322 = tpu.vector_load %arg13[%swap3A_320, %swap3A_321] {strides = array<i32>} : memref<64x64xf32, #tpu.memory_space<vmem>>, vector<1x16xf32>,
          %swap3A_323 = vector.shape_cast %swap3A_322 : vector<1x16xf32> to vector<16xf32>
          %swap3A_324 = vector.shape_cast %get3A_319 : vector<16xf32> to vector<1x16xf32>
          tpu.vector_store %arg13[%swap3A_320, %swap3A_321], %swap3A_324 {strides = array<i32>} : memref<64x64xf32, #tpu.memory_space<vmem>>, vector<1x16xf32>,
          %scan3A_325 = arith.constant 0 : i32
          scf.yield %scan3A_325 : i32
        }
        %scan3A_253 = arith.constant 64 : i32
        %add3A_254 = arith.constant 4 : i32
        %add3A_255 = arith.addi %add3A_239, %add3A_254 : i32
        %dma_start3A_256 = arith.constant 0 : i32
        %dma_start3A_257 = tpu.memref_slice %arg7[%add3A_255, %dma_start3A_256] : memref<40x64xi32, #tpu.memory_space<vmem>> -> memref<1x64xi32, #tpu.memory_space<vmem>>
        %dma_start3A_258 = tpu.memref_squeeze %dma_start3A_257 : memref<1x64xi32, #tpu.memory_space<vmem>> -> memref<64xi32, #tpu.memory_space<vmem>>
        %dma_start3A_259 = arith.constant 0 : i32
        %dma_start3A_260 = arith.constant 0 : i32
        %dma_start3A_261 = tpu.memref_slice %arg4[%dma_start3A_259, %dma_start3A_260] : memref<10000x128xf32, #tpu.memory_space<hbm>> -> memref<10000x128xf32, #tpu.memory_space<hbm>>
        tpu.enqueue_indirect_dma source(%dma_start3A_261 : memref<10000x128xf32, #tpu.memory_space<hbm>>) target(%arg11 : memref<64x128xf32, #tpu.memory_space<vmem>>) offsets(%dma_start3A_258 : memref<64xi32, #tpu.memory_space<vmem>>) semaphore(%arg17 : memref<!tpu.dma_semaphore, #tpu.memory_space<semaphore_mem>>)
        "tpu.region"() ({
          %run_scoped3A_289 = tpu.sem_alloc : memref<!tpu.dma_semaphore, #tpu.memory_space<semaphore_mem>>
          %dma_start3A_290 = arith.constant 0 : i32
          %dma_start3A_291 = tpu.memref_slice %arg8[%add3A_239, %dma_start3A_290] : memref<40x64xi32, #tpu.memory_space<vmem>> -> memref<1x64xi32, #tpu.memory_space<vmem>>
          %dma_start3A_292 = tpu.memref_squeeze %dma_start3A_291 : memref<1x64xi32, #tpu.memory_space<vmem>> -> memref<64xi32, #tpu.memory_space<vmem>>
          %dma_start3A_293 = arith.constant 0 : i32
          %dma_start3A_294 = arith.constant 0 : i32
          %dma_start3A_295 = tpu.memref_slice %arg6[%dma_start3A_293, %dma_start3A_294] : memref<10240x64xf32, #tpu.memory_space<vmem_shared>> -> memref<10240x64xf32, #tpu.memory_space<vmem_shared>>
          tpu.enqueue_indirect_dma source(%arg13 : memref<64x64xf32, #tpu.memory_space<vmem>>) target(%dma_start3A_295 : memref<10240x64xf32, #tpu.memory_space<vmem_shared>>) offsets(%dma_start3A_292 : memref<64xi32, #tpu.memory_space<vmem>>) semaphore(%run_scoped3A_289 : memref<!tpu.dma_semaphore, #tpu.memory_space<semaphore_mem>>) {add = true}
          %dma_wait3A_296 = arith.constant 0 : i32
          %dma_wait3A_297 = tpu.memref_slice %arg8[%add3A_239, %dma_wait3A_296] : memref<40x64xi32, #tpu.memory_space<vmem>> -> memref<1x64xi32, #tpu.memory_space<vmem>>
          %dma_wait3A_298 = tpu.memref_squeeze %dma_wait3A_297 : memref<1x64xi32, #tpu.memory_space<vmem>> -> memref<64xi32, #tpu.memory_space<vmem>>
          %dma_wait3A_299 = arith.constant 0 : i32
          %dma_wait3A_300 = arith.constant 0 : i32
          %dma_wait3A_301 = tpu.memref_slice %arg6[%dma_wait3A_299, %dma_wait3A_300] : memref<10240x64xf32, #tpu.memory_space<vmem_shared>> -> memref<10240x64xf32, #tpu.memory_space<vmem_shared>>
          tpu.wait_indirect_dma semaphore(%run_scoped3A_289 : memref<!tpu.dma_semaphore, #tpu.memory_space<semaphore_mem>>) src(%arg13 : memref<64x64xf32, #tpu.memory_space<vmem>>) dst(%dma_wait3A_301 : memref<10240x64xf32, #tpu.memory_space<vmem_shared>>)
          tpu.yield
        }) : () -> ()
        %mul3A_262 = arith.constant 4 : i32
        %mul3A_263 = arith.muli %mul3A_262, %scan3A_182 : i32
        %add3A_264 = arith.constant 3 : i32
        %add3A_265 = arith.addi %mul3A_263, %add3A_264 : i32
        %dma_wait3A_266 = arith.constant 0 : i32
        %dma_wait3A_267 = arith.constant 0 : i32
        %dma_wait3A_268 = tpu.memref_slice %arg7[%dma_wait3A_266, %dma_wait3A_267] : memref<40x64xi32, #tpu.memory_space<vmem>> -> memref<1x64xi32, #tpu.memory_space<vmem>>
        %dma_wait3A_269 = tpu.memref_squeeze %dma_wait3A_268 : memref<1x64xi32, #tpu.memory_space<vmem>> -> memref<64xi32, #tpu.memory_space<vmem>>
        %dma_wait3A_270 = arith.constant 0 : i32
        %dma_wait3A_271 = arith.constant 0 : i32
        %dma_wait3A_272 = tpu.memref_slice %arg4[%dma_wait3A_270, %dma_wait3A_271] : memref<10000x128xf32, #tpu.memory_space<hbm>> -> memref<10000x128xf32, #tpu.memory_space<hbm>>
        tpu.wait_indirect_dma semaphore(%arg18 : memref<!tpu.dma_semaphore, #tpu.memory_space<semaphore_mem>>) src(%dma_wait3A_272 : memref<10000x128xf32, #tpu.memory_space<hbm>>) dst(%arg12 : memref<64x128xf32, #tpu.memory_space<vmem>>)
        %scan3A_273 = arith.constant 0 : i32
        %scan3A_274 = arith.constant 0 : i32
        %scan3A_275 = arith.constant 64 : i32
        %scan3A_276 = arith.addi %scan3A_274, %scan3A_275 : i32
        %scan3A_277 = arith.constant 1 : i32
        %scan3A_278 = scf.for %scan3A_289 = %scan3A_274 to %scan3A_276 step %scan3A_277 iter_args(%scan3A_290 = %scan3A_273) -> (i32)  : i32 {
          %get3A = arith.index_cast %scan3A_289 : i32 to index
          %get3A_291 = arith.constant 0 : index
          %get3A_292 = tpu.vector_load %arg12[%get3A, %get3A_291] {strides = array<i32>} : memref<64x128xf32, #tpu.memory_space<vmem>>, vector<1x16xf32>,
          %get3A_293 = vector.shape_cast %get3A_292 : vector<1x16xf32> to vector<16xf32>
          %swap3A = arith.index_cast %scan3A_289 : i32 to index
          %swap3A_294 = arith.constant 0 : index
          %swap3A_295 = tpu.vector_load %arg14[%swap3A, %swap3A_294] {strides = array<i32>} : memref<64x64xf32, #tpu.memory_space<vmem>>, vector<1x16xf32>,
          %swap3A_296 = vector.shape_cast %swap3A_295 : vector<1x16xf32> to vector<16xf32>
          %swap3A_297 = vector.shape_cast %get3A_293 : vector<16xf32> to vector<1x16xf32>
          tpu.vector_store %arg14[%swap3A, %swap3A_294], %swap3A_297 {strides = array<i32>} : memref<64x64xf32, #tpu.memory_space<vmem>>, vector<1x16xf32>,
          %get3A_298 = arith.index_cast %scan3A_289 : i32 to index
          %get3A_299 = arith.constant 16 : index
          %get3A_300 = tpu.vector_load %arg12[%get3A_298, %get3A_299] {strides = array<i32>} : memref<64x128xf32, #tpu.memory_space<vmem>>, vector<1x16xf32>,
          %get3A_301 = vector.shape_cast %get3A_300 : vector<1x16xf32> to vector<16xf32>
          %swap3A_302 = arith.index_cast %scan3A_289 : i32 to index
          %swap3A_303 = arith.constant 16 : index
          %swap3A_304 = tpu.vector_load %arg14[%swap3A_302, %swap3A_303] {strides = array<i32>} : memref<64x64xf32, #tpu.memory_space<vmem>>, vector<1x16xf32>,
          %swap3A_305 = vector.shape_cast %swap3A_304 : vector<1x16xf32> to vector<16xf32>
          %swap3A_306 = vector.shape_cast %get3A_301 : vector<16xf32> to vector<1x16xf32>
          tpu.vector_store %arg14[%swap3A_302, %swap3A_303], %swap3A_306 {strides = array<i32>} : memref<64x64xf32, #tpu.memory_space<vmem>>, vector<1x16xf32>,
          %get3A_307 = arith.index_cast %scan3A_289 : i32 to index
          %get3A_308 = arith.constant 32 : index
          %get3A_309 = tpu.vector_load %arg12[%get3A_307, %get3A_308] {strides = array<i32>} : memref<64x128xf32, #tpu.memory_space<vmem>>, vector<1x16xf32>,
          %get3A_310 = vector.shape_cast %get3A_309 : vector<1x16xf32> to vector<16xf32>
          %swap3A_311 = arith.index_cast %scan3A_289 : i32 to index
          %swap3A_312 = arith.constant 32 : index
          %swap3A_313 = tpu.vector_load %arg14[%swap3A_311, %swap3A_312] {strides = array<i32>} : memref<64x64xf32, #tpu.memory_space<vmem>>, vector<1x16xf32>,
          %swap3A_314 = vector.shape_cast %swap3A_313 : vector<1x16xf32> to vector<16xf32>
          %swap3A_315 = vector.shape_cast %get3A_310 : vector<16xf32> to vector<1x16xf32>
          tpu.vector_store %arg14[%swap3A_311, %swap3A_312], %swap3A_315 {strides = array<i32>} : memref<64x64xf32, #tpu.memory_space<vmem>>, vector<1x16xf32>,
          %get3A_316 = arith.index_cast %scan3A_289 : i32 to index
          %get3A_317 = arith.constant 48 : index
          %get3A_318 = tpu.vector_load %arg12[%get3A_316, %get3A_317] {strides = array<i32>} : memref<64x128xf32, #tpu.memory_space<vmem>>, vector<1x16xf32>,
          %get3A_319 = vector.shape_cast %get3A_318 : vector<1x16xf32> to vector<16xf32>
          %swap3A_320 = arith.index_cast %scan3A_289 : i32 to index
          %swap3A_321 = arith.constant 48 : index
          %swap3A_322 = tpu.vector_load %arg14[%swap3A_320, %swap3A_321] {strides = array<i32>} : memref<64x64xf32, #tpu.memory_space<vmem>>, vector<1x16xf32>,
          %swap3A_323 = vector.shape_cast %swap3A_322 : vector<1x16xf32> to vector<16xf32>
          %swap3A_324 = vector.shape_cast %get3A_319 : vector<16xf32> to vector<1x16xf32>
          tpu.vector_store %arg14[%swap3A_320, %swap3A_321], %swap3A_324 {strides = array<i32>} : memref<64x64xf32, #tpu.memory_space<vmem>>, vector<1x16xf32>,
          %scan3A_325 = arith.constant 0 : i32
          scf.yield %scan3A_325 : i32
        }
        %scan3A_279 = arith.constant 64 : i32
        %add3A_280 = arith.constant 4 : i32
        %add3A_281 = arith.addi %add3A_265, %add3A_280 : i32
        %dma_start3A_282 = arith.constant 0 : i32
        %dma_start3A_283 = tpu.memref_slice %arg7[%add3A_281, %dma_start3A_282] : memref<40x64xi32, #tpu.memory_space<vmem>> -> memref<1x64xi32, #tpu.memory_space<vmem>>
        %dma_start3A_284 = tpu.memref_squeeze %dma_start3A_283 : memref<1x64xi32, #tpu.memory_space<vmem>> -> memref<64xi32, #tpu.memory_space<vmem>>
        %dma_start3A_285 = arith.constant 0 : i32
        %dma_start3A_286 = arith.constant 0 : i32
        %dma_start3A_287 = tpu.memref_slice %arg4[%dma_start3A_285, %dma_start3A_286] : memref<10000x128xf32, #tpu.memory_space<hbm>> -> memref<10000x128xf32, #tpu.memory_space<hbm>>
        tpu.enqueue_indirect_dma source(%dma_start3A_287 : memref<10000x128xf32, #tpu.memory_space<hbm>>) target(%arg12 : memref<64x128xf32, #tpu.memory_space<vmem>>) offsets(%dma_start3A_284 : memref<64xi32, #tpu.memory_space<vmem>>) semaphore(%arg18 : memref<!tpu.dma_semaphore, #tpu.memory_space<semaphore_mem>>)
        "tpu.region"() ({
          %run_scoped3A_289 = tpu.sem_alloc : memref<!tpu.dma_semaphore, #tpu.memory_space<semaphore_mem>>
          %dma_start3A_290 = arith.constant 0 : i32
          %dma_start3A_291 = tpu.memref_slice %arg8[%add3A_265, %dma_start3A_290] : memref<40x64xi32, #tpu.memory_space<vmem>> -> memref<1x64xi32, #tpu.memory_space<vmem>>
          %dma_start3A_292 = tpu.memref_squeeze %dma_start3A_291 : memref<1x64xi32, #tpu.memory_space<vmem>> -> memref<64xi32, #tpu.memory_space<vmem>>
          %dma_start3A_293 = arith.constant 0 : i32
          %dma_start3A_294 = arith.constant 0 : i32
          %dma_start3A_295 = tpu.memref_slice %arg6[%dma_start3A_293, %dma_start3A_294] : memref<10240x64xf32, #tpu.memory_space<vmem_shared>> -> memref<10240x64xf32, #tpu.memory_space<vmem_shared>>
          tpu.enqueue_indirect_dma source(%arg14 : memref<64x64xf32, #tpu.memory_space<vmem>>) target(%dma_start3A_295 : memref<10240x64xf32, #tpu.memory_space<vmem_shared>>) offsets(%dma_start3A_292 : memref<64xi32, #tpu.memory_space<vmem>>) semaphore(%run_scoped3A_289 : memref<!tpu.dma_semaphore, #tpu.memory_space<semaphore_mem>>) {add = true}
          %dma_wait3A_296 = arith.constant 0 : i32
          %dma_wait3A_297 = tpu.memref_slice %arg8[%add3A_265, %dma_wait3A_296] : memref<40x64xi32, #tpu.memory_space<vmem>> -> memref<1x64xi32, #tpu.memory_space<vmem>>
          %dma_wait3A_298 = tpu.memref_squeeze %dma_wait3A_297 : memref<1x64xi32, #tpu.memory_space<vmem>> -> memref<64xi32, #tpu.memory_space<vmem>>
          %dma_wait3A_299 = arith.constant 0 : i32
          %dma_wait3A_300 = arith.constant 0 : i32
          %dma_wait3A_301 = tpu.memref_slice %arg6[%dma_wait3A_299, %dma_wait3A_300] : memref<10240x64xf32, #tpu.memory_space<vmem_shared>> -> memref<10240x64xf32, #tpu.memory_space<vmem_shared>>
          tpu.wait_indirect_dma semaphore(%run_scoped3A_289 : memref<!tpu.dma_semaphore, #tpu.memory_space<semaphore_mem>>) src(%arg14 : memref<64x64xf32, #tpu.memory_space<vmem>>) dst(%dma_wait3A_301 : memref<10240x64xf32, #tpu.memory_space<vmem_shared>>)
          tpu.yield
        }) : () -> ()
        %scan3A_288 = arith.constant 0 : i32
        scf.yield %scan3A_288 : i32
      }
      %scan3A_122 = arith.constant 9 : i32
      %dma_wait3A = arith.constant 0 : i32
      %dma_wait3A_123 = arith.constant 0 : i32
      %dma_wait3A_124 = tpu.memref_slice %arg7[%dma_wait3A, %dma_wait3A_123] : memref<40x64xi32, #tpu.memory_space<vmem>> -> memref<1x64xi32, #tpu.memory_space<vmem>>
      %dma_wait3A_125 = tpu.memref_squeeze %dma_wait3A_124 : memref<1x64xi32, #tpu.memory_space<vmem>> -> memref<64xi32, #tpu.memory_space<vmem>>
      %dma_wait3A_126 = arith.constant 0 : i32
      %dma_wait3A_127 = arith.constant 0 : i32
      %dma_wait3A_128 = tpu.memref_slice %arg4[%dma_wait3A_126, %dma_wait3A_127] : memref<10000x128xf32, #tpu.memory_space<hbm>> -> memref<10000x128xf32, #tpu.memory_space<hbm>>
      tpu.wait_indirect_dma semaphore(%arg15 : memref<!tpu.dma_semaphore, #tpu.memory_space<semaphore_mem>>) src(%dma_wait3A_128 : memref<10000x128xf32, #tpu.memory_space<hbm>>) dst(%arg9 : memref<64x128xf32, #tpu.memory_space<vmem>>)
      %scan3A_129 = arith.constant 0 : i32
      %scan3A_130 = arith.constant 0 : i32
      %scan3A_131 = arith.constant 64 : i32
      %scan3A_132 = arith.addi %scan3A_130, %scan3A_131 : i32
      %scan3A_133 = arith.constant 1 : i32
      %scan3A_134 = scf.for %scan3A_182 = %scan3A_130 to %scan3A_132 step %scan3A_133 iter_args(%scan3A_183 = %scan3A_129) -> (i32)  : i32 {
        %get3A = arith.index_cast %scan3A_182 : i32 to index
        %get3A_184 = arith.constant 0 : index
        %get3A_185 = tpu.vector_load %arg9[%get3A, %get3A_184] {strides = array<i32>} : memref<64x128xf32, #tpu.memory_space<vmem>>, vector<1x16xf32>,
        %get3A_186 = vector.shape_cast %get3A_185 : vector<1x16xf32> to vector<16xf32>
        %swap3A = arith.index_cast %scan3A_182 : i32 to index
        %swap3A_187 = arith.constant 0 : index
        %swap3A_188 = tpu.vector_load %arg13[%swap3A, %swap3A_187] {strides = array<i32>} : memref<64x64xf32, #tpu.memory_space<vmem>>, vector<1x16xf32>,
        %swap3A_189 = vector.shape_cast %swap3A_188 : vector<1x16xf32> to vector<16xf32>
        %swap3A_190 = vector.shape_cast %get3A_186 : vector<16xf32> to vector<1x16xf32>
        tpu.vector_store %arg13[%swap3A, %swap3A_187], %swap3A_190 {strides = array<i32>} : memref<64x64xf32, #tpu.memory_space<vmem>>, vector<1x16xf32>,
        %get3A_191 = arith.index_cast %scan3A_182 : i32 to index
        %get3A_192 = arith.constant 16 : index
        %get3A_193 = tpu.vector_load %arg9[%get3A_191, %get3A_192] {strides = array<i32>} : memref<64x128xf32, #tpu.memory_space<vmem>>, vector<1x16xf32>,
        %get3A_194 = vector.shape_cast %get3A_193 : vector<1x16xf32> to vector<16xf32>
        %swap3A_195 = arith.index_cast %scan3A_182 : i32 to index
        %swap3A_196 = arith.constant 16 : index
        %swap3A_197 = tpu.vector_load %arg13[%swap3A_195, %swap3A_196] {strides = array<i32>} : memref<64x64xf32, #tpu.memory_space<vmem>>, vector<1x16xf32>,
        %swap3A_198 = vector.shape_cast %swap3A_197 : vector<1x16xf32> to vector<16xf32>
        %swap3A_199 = vector.shape_cast %get3A_194 : vector<16xf32> to vector<1x16xf32>
        tpu.vector_store %arg13[%swap3A_195, %swap3A_196], %swap3A_199 {strides = array<i32>} : memref<64x64xf32, #tpu.memory_space<vmem>>, vector<1x16xf32>,
        %get3A_200 = arith.index_cast %scan3A_182 : i32 to index
        %get3A_201 = arith.constant 32 : index
        %get3A_202 = tpu.vector_load %arg9[%get3A_200, %get3A_201] {strides = array<i32>} : memref<64x128xf32, #tpu.memory_space<vmem>>, vector<1x16xf32>,
        %get3A_203 = vector.shape_cast %get3A_202 : vector<1x16xf32> to vector<16xf32>
        %swap3A_204 = arith.index_cast %scan3A_182 : i32 to index
        %swap3A_205 = arith.constant 32 : index
        %swap3A_206 = tpu.vector_load %arg13[%swap3A_204, %swap3A_205] {strides = array<i32>} : memref<64x64xf32, #tpu.memory_space<vmem>>, vector<1x16xf32>,
        %swap3A_207 = vector.shape_cast %swap3A_206 : vector<1x16xf32> to vector<16xf32>
        %swap3A_208 = vector.shape_cast %get3A_203 : vector<16xf32> to vector<1x16xf32>
        tpu.vector_store %arg13[%swap3A_204, %swap3A_205], %swap3A_208 {strides = array<i32>} : memref<64x64xf32, #tpu.memory_space<vmem>>, vector<1x16xf32>,
        %get3A_209 = arith.index_cast %scan3A_182 : i32 to index
        %get3A_210 = arith.constant 48 : index
        %get3A_211 = tpu.vector_load %arg9[%get3A_209, %get3A_210] {strides = array<i32>} : memref<64x128xf32, #tpu.memory_space<vmem>>, vector<1x16xf32>,
        %get3A_212 = vector.shape_cast %get3A_211 : vector<1x16xf32> to vector<16xf32>
        %swap3A_213 = arith.index_cast %scan3A_182 : i32 to index
        %swap3A_214 = arith.constant 48 : index
        %swap3A_215 = tpu.vector_load %arg13[%swap3A_213, %swap3A_214] {strides = array<i32>} : memref<64x64xf32, #tpu.memory_space<vmem>>, vector<1x16xf32>,
        %swap3A_216 = vector.shape_cast %swap3A_215 : vector<1x16xf32> to vector<16xf32>
        %swap3A_217 = vector.shape_cast %get3A_212 : vector<16xf32> to vector<1x16xf32>
        tpu.vector_store %arg13[%swap3A_213, %swap3A_214], %swap3A_217 {strides = array<i32>} : memref<64x64xf32, #tpu.memory_space<vmem>>, vector<1x16xf32>,
        %scan3A_218 = arith.constant 0 : i32
        scf.yield %scan3A_218 : i32
      }
      %scan3A_135 = arith.constant 64 : i32
      %run_scoped3A = arith.constant 36 : i32
      "tpu.region"() ({
        %run_scoped3A_182 = tpu.sem_alloc : memref<!tpu.dma_semaphore, #tpu.memory_space<semaphore_mem>>
        %dma_start3A_183 = arith.constant 0 : i32
        %dma_start3A_184 = tpu.memref_slice %arg8[%run_scoped3A, %dma_start3A_183] : memref<40x64xi32, #tpu.memory_space<vmem>> -> memref<1x64xi32, #tpu.memory_space<vmem>>
        %dma_start3A_185 = tpu.memref_squeeze %dma_start3A_184 : memref<1x64xi32, #tpu.memory_space<vmem>> -> memref<64xi32, #tpu.memory_space<vmem>>
        %dma_start3A_186 = arith.constant 0 : i32
        %dma_start3A_187 = arith.constant 0 : i32
        %dma_start3A_188 = tpu.memref_slice %arg6[%dma_start3A_186, %dma_start3A_187] : memref<10240x64xf32, #tpu.memory_space<vmem_shared>> -> memref<10240x64xf32, #tpu.memory_space<vmem_shared>>
        tpu.enqueue_indirect_dma source(%arg13 : memref<64x64xf32, #tpu.memory_space<vmem>>) target(%dma_start3A_188 : memref<10240x64xf32, #tpu.memory_space<vmem_shared>>) offsets(%dma_start3A_185 : memref<64xi32, #tpu.memory_space<vmem>>) semaphore(%run_scoped3A_182 : memref<!tpu.dma_semaphore, #tpu.memory_space<semaphore_mem>>) {add = true}
        %dma_wait3A_189 = arith.constant 0 : i32
        %dma_wait3A_190 = tpu.memref_slice %arg8[%run_scoped3A, %dma_wait3A_189] : memref<40x64xi32, #tpu.memory_space<vmem>> -> memref<1x64xi32, #tpu.memory_space<vmem>>
        %dma_wait3A_191 = tpu.memref_squeeze %dma_wait3A_190 : memref<1x64xi32, #tpu.memory_space<vmem>> -> memref<64xi32, #tpu.memory_space<vmem>>
        %dma_wait3A_192 = arith.constant 0 : i32
        %dma_wait3A_193 = arith.constant 0 : i32
        %dma_wait3A_194 = tpu.memref_slice %arg6[%dma_wait3A_192, %dma_wait3A_193] : memref<10240x64xf32, #tpu.memory_space<vmem_shared>> -> memref<10240x64xf32, #tpu.memory_space<vmem_shared>>
        tpu.wait_indirect_dma semaphore(%run_scoped3A_182 : memref<!tpu.dma_semaphore, #tpu.memory_space<semaphore_mem>>) src(%arg13 : memref<64x64xf32, #tpu.memory_space<vmem>>) dst(%dma_wait3A_194 : memref<10240x64xf32, #tpu.memory_space<vmem_shared>>)
        tpu.yield
      }) : () -> ()
      %dma_wait3A_136 = arith.constant 0 : i32
      %dma_wait3A_137 = arith.constant 0 : i32
      %dma_wait3A_138 = tpu.memref_slice %arg7[%dma_wait3A_136, %dma_wait3A_137] : memref<40x64xi32, #tpu.memory_space<vmem>> -> memref<1x64xi32, #tpu.memory_space<vmem>>
      %dma_wait3A_139 = tpu.memref_squeeze %dma_wait3A_138 : memref<1x64xi32, #tpu.memory_space<vmem>> -> memref<64xi32, #tpu.memory_space<vmem>>
      %dma_wait3A_140 = arith.constant 0 : i32
      %dma_wait3A_141 = arith.constant 0 : i32
      %dma_wait3A_142 = tpu.memref_slice %arg4[%dma_wait3A_140, %dma_wait3A_141] : memref<10000x128xf32, #tpu.memory_space<hbm>> -> memref<10000x128xf32, #tpu.memory_space<hbm>>
      tpu.wait_indirect_dma semaphore(%arg16 : memref<!tpu.dma_semaphore, #tpu.memory_space<semaphore_mem>>) src(%dma_wait3A_142 : memref<10000x128xf32, #tpu.memory_space<hbm>>) dst(%arg10 : memref<64x128xf32, #tpu.memory_space<vmem>>)
      %scan3A_143 = arith.constant 0 : i32
      %scan3A_144 = arith.constant 0 : i32
      %scan3A_145 = arith.constant 64 : i32
      %scan3A_146 = arith.addi %scan3A_144, %scan3A_145 : i32
      %scan3A_147 = arith.constant 1 : i32
      %scan3A_148 = scf.for %scan3A_182 = %scan3A_144 to %scan3A_146 step %scan3A_147 iter_args(%scan3A_183 = %scan3A_143) -> (i32)  : i32 {
        %get3A = arith.index_cast %scan3A_182 : i32 to index
        %get3A_184 = arith.constant 0 : index
        %get3A_185 = tpu.vector_load %arg10[%get3A, %get3A_184] {strides = array<i32>} : memref<64x128xf32, #tpu.memory_space<vmem>>, vector<1x16xf32>,
        %get3A_186 = vector.shape_cast %get3A_185 : vector<1x16xf32> to vector<16xf32>
        %swap3A = arith.index_cast %scan3A_182 : i32 to index
        %swap3A_187 = arith.constant 0 : index
        %swap3A_188 = tpu.vector_load %arg14[%swap3A, %swap3A_187] {strides = array<i32>} : memref<64x64xf32, #tpu.memory_space<vmem>>, vector<1x16xf32>,
        %swap3A_189 = vector.shape_cast %swap3A_188 : vector<1x16xf32> to vector<16xf32>
        %swap3A_190 = vector.shape_cast %get3A_186 : vector<16xf32> to vector<1x16xf32>
        tpu.vector_store %arg14[%swap3A, %swap3A_187], %swap3A_190 {strides = array<i32>} : memref<64x64xf32, #tpu.memory_space<vmem>>, vector<1x16xf32>,
        %get3A_191 = arith.index_cast %scan3A_182 : i32 to index
        %get3A_192 = arith.constant 16 : index
        %get3A_193 = tpu.vector_load %arg10[%get3A_191, %get3A_192] {strides = array<i32>} : memref<64x128xf32, #tpu.memory_space<vmem>>, vector<1x16xf32>,
        %get3A_194 = vector.shape_cast %get3A_193 : vector<1x16xf32> to vector<16xf32>
        %swap3A_195 = arith.index_cast %scan3A_182 : i32 to index
        %swap3A_196 = arith.constant 16 : index
        %swap3A_197 = tpu.vector_load %arg14[%swap3A_195, %swap3A_196] {strides = array<i32>} : memref<64x64xf32, #tpu.memory_space<vmem>>, vector<1x16xf32>,
        %swap3A_198 = vector.shape_cast %swap3A_197 : vector<1x16xf32> to vector<16xf32>
        %swap3A_199 = vector.shape_cast %get3A_194 : vector<16xf32> to vector<1x16xf32>
        tpu.vector_store %arg14[%swap3A_195, %swap3A_196], %swap3A_199 {strides = array<i32>} : memref<64x64xf32, #tpu.memory_space<vmem>>, vector<1x16xf32>,
        %get3A_200 = arith.index_cast %scan3A_182 : i32 to index
        %get3A_201 = arith.constant 32 : index
        %get3A_202 = tpu.vector_load %arg10[%get3A_200, %get3A_201] {strides = array<i32>} : memref<64x128xf32, #tpu.memory_space<vmem>>, vector<1x16xf32>,
        %get3A_203 = vector.shape_cast %get3A_202 : vector<1x16xf32> to vector<16xf32>
        %swap3A_204 = arith.index_cast %scan3A_182 : i32 to index
        %swap3A_205 = arith.constant 32 : index
        %swap3A_206 = tpu.vector_load %arg14[%swap3A_204, %swap3A_205] {strides = array<i32>} : memref<64x64xf32, #tpu.memory_space<vmem>>, vector<1x16xf32>,
        %swap3A_207 = vector.shape_cast %swap3A_206 : vector<1x16xf32> to vector<16xf32>
        %swap3A_208 = vector.shape_cast %get3A_203 : vector<16xf32> to vector<1x16xf32>
        tpu.vector_store %arg14[%swap3A_204, %swap3A_205], %swap3A_208 {strides = array<i32>} : memref<64x64xf32, #tpu.memory_space<vmem>>, vector<1x16xf32>,
        %get3A_209 = arith.index_cast %scan3A_182 : i32 to index
        %get3A_210 = arith.constant 48 : index
        %get3A_211 = tpu.vector_load %arg10[%get3A_209, %get3A_210] {strides = array<i32>} : memref<64x128xf32, #tpu.memory_space<vmem>>, vector<1x16xf32>,
        %get3A_212 = vector.shape_cast %get3A_211 : vector<1x16xf32> to vector<16xf32>
        %swap3A_213 = arith.index_cast %scan3A_182 : i32 to index
        %swap3A_214 = arith.constant 48 : index
        %swap3A_215 = tpu.vector_load %arg14[%swap3A_213, %swap3A_214] {strides = array<i32>} : memref<64x64xf32, #tpu.memory_space<vmem>>, vector<1x16xf32>,
        %swap3A_216 = vector.shape_cast %swap3A_215 : vector<1x16xf32> to vector<16xf32>
        %swap3A_217 = vector.shape_cast %get3A_212 : vector<16xf32> to vector<1x16xf32>
        tpu.vector_store %arg14[%swap3A_213, %swap3A_214], %swap3A_217 {strides = array<i32>} : memref<64x64xf32, #tpu.memory_space<vmem>>, vector<1x16xf32>,
        %scan3A_218 = arith.constant 0 : i32
        scf.yield %scan3A_218 : i32
      }
      %scan3A_149 = arith.constant 64 : i32
      %run_scoped3A_150 = arith.constant 37 : i32
      "tpu.region"() ({
        %run_scoped3A_182 = tpu.sem_alloc : memref<!tpu.dma_semaphore, #tpu.memory_space<semaphore_mem>>
        %dma_start3A_183 = arith.constant 0 : i32
        %dma_start3A_184 = tpu.memref_slice %arg8[%run_scoped3A_150, %dma_start3A_183] : memref<40x64xi32, #tpu.memory_space<vmem>> -> memref<1x64xi32, #tpu.memory_space<vmem>>
        %dma_start3A_185 = tpu.memref_squeeze %dma_start3A_184 : memref<1x64xi32, #tpu.memory_space<vmem>> -> memref<64xi32, #tpu.memory_space<vmem>>
        %dma_start3A_186 = arith.constant 0 : i32
        %dma_start3A_187 = arith.constant 0 : i32
        %dma_start3A_188 = tpu.memref_slice %arg6[%dma_start3A_186, %dma_start3A_187] : memref<10240x64xf32, #tpu.memory_space<vmem_shared>> -> memref<10240x64xf32, #tpu.memory_space<vmem_shared>>
        tpu.enqueue_indirect_dma source(%arg14 : memref<64x64xf32, #tpu.memory_space<vmem>>) target(%dma_start3A_188 : memref<10240x64xf32, #tpu.memory_space<vmem_shared>>) offsets(%dma_start3A_185 : memref<64xi32, #tpu.memory_space<vmem>>) semaphore(%run_scoped3A_182 : memref<!tpu.dma_semaphore, #tpu.memory_space<semaphore_mem>>) {add = true}
        %dma_wait3A_189 = arith.constant 0 : i32
        %dma_wait3A_190 = tpu.memref_slice %arg8[%run_scoped3A_150, %dma_wait3A_189] : memref<40x64xi32, #tpu.memory_space<vmem>> -> memref<1x64xi32, #tpu.memory_space<vmem>>
        %dma_wait3A_191 = tpu.memref_squeeze %dma_wait3A_190 : memref<1x64xi32, #tpu.memory_space<vmem>> -> memref<64xi32, #tpu.memory_space<vmem>>
        %dma_wait3A_192 = arith.constant 0 : i32
        %dma_wait3A_193 = arith.constant 0 : i32
        %dma_wait3A_194 = tpu.memref_slice %arg6[%dma_wait3A_192, %dma_wait3A_193] : memref<10240x64xf32, #tpu.memory_space<vmem_shared>> -> memref<10240x64xf32, #tpu.memory_space<vmem_shared>>
        tpu.wait_indirect_dma semaphore(%run_scoped3A_182 : memref<!tpu.dma_semaphore, #tpu.memory_space<semaphore_mem>>) src(%arg14 : memref<64x64xf32, #tpu.memory_space<vmem>>) dst(%dma_wait3A_194 : memref<10240x64xf32, #tpu.memory_space<vmem_shared>>)
        tpu.yield
      }) : () -> ()
      %dma_wait3A_151 = arith.constant 0 : i32
      %dma_wait3A_152 = arith.constant 0 : i32
      %dma_wait3A_153 = tpu.memref_slice %arg7[%dma_wait3A_151, %dma_wait3A_152] : memref<40x64xi32, #tpu.memory_space<vmem>> -> memref<1x64xi32, #tpu.memory_space<vmem>>
      %dma_wait3A_154 = tpu.memref_squeeze %dma_wait3A_153 : memref<1x64xi32, #tpu.memory_space<vmem>> -> memref<64xi32, #tpu.memory_space<vmem>>
      %dma_wait3A_155 = arith.constant 0 : i32
      %dma_wait3A_156 = arith.constant 0 : i32
      %dma_wait3A_157 = tpu.memref_slice %arg4[%dma_wait3A_155, %dma_wait3A_156] : memref<10000x128xf32, #tpu.memory_space<hbm>> -> memref<10000x128xf32, #tpu.memory_space<hbm>>
      tpu.wait_indirect_dma semaphore(%arg17 : memref<!tpu.dma_semaphore, #tpu.memory_space<semaphore_mem>>) src(%dma_wait3A_157 : memref<10000x128xf32, #tpu.memory_space<hbm>>) dst(%arg11 : memref<64x128xf32, #tpu.memory_space<vmem>>)
      %scan3A_158 = arith.constant 0 : i32
      %scan3A_159 = arith.constant 0 : i32
      %scan3A_160 = arith.constant 64 : i32
      %scan3A_161 = arith.addi %scan3A_159, %scan3A_160 : i32
      %scan3A_162 = arith.constant 1 : i32
      %scan3A_163 = scf.for %scan3A_182 = %scan3A_159 to %scan3A_161 step %scan3A_162 iter_args(%scan3A_183 = %scan3A_158) -> (i32)  : i32 {
        %get3A = arith.index_cast %scan3A_182 : i32 to index
        %get3A_184 = arith.constant 0 : index
        %get3A_185 = tpu.vector_load %arg11[%get3A, %get3A_184] {strides = array<i32>} : memref<64x128xf32, #tpu.memory_space<vmem>>, vector<1x16xf32>,
        %get3A_186 = vector.shape_cast %get3A_185 : vector<1x16xf32> to vector<16xf32>
        %swap3A = arith.index_cast %scan3A_182 : i32 to index
        %swap3A_187 = arith.constant 0 : index
        %swap3A_188 = tpu.vector_load %arg13[%swap3A, %swap3A_187] {strides = array<i32>} : memref<64x64xf32, #tpu.memory_space<vmem>>, vector<1x16xf32>,
        %swap3A_189 = vector.shape_cast %swap3A_188 : vector<1x16xf32> to vector<16xf32>
        %swap3A_190 = vector.shape_cast %get3A_186 : vector<16xf32> to vector<1x16xf32>
        tpu.vector_store %arg13[%swap3A, %swap3A_187], %swap3A_190 {strides = array<i32>} : memref<64x64xf32, #tpu.memory_space<vmem>>, vector<1x16xf32>,
        %get3A_191 = arith.index_cast %scan3A_182 : i32 to index
        %get3A_192 = arith.constant 16 : index
        %get3A_193 = tpu.vector_load %arg11[%get3A_191, %get3A_192] {strides = array<i32>} : memref<64x128xf32, #tpu.memory_space<vmem>>, vector<1x16xf32>,
        %get3A_194 = vector.shape_cast %get3A_193 : vector<1x16xf32> to vector<16xf32>
        %swap3A_195 = arith.index_cast %scan3A_182 : i32 to index
        %swap3A_196 = arith.constant 16 : index
        %swap3A_197 = tpu.vector_load %arg13[%swap3A_195, %swap3A_196] {strides = array<i32>} : memref<64x64xf32, #tpu.memory_space<vmem>>, vector<1x16xf32>,
        %swap3A_198 = vector.shape_cast %swap3A_197 : vector<1x16xf32> to vector<16xf32>
        %swap3A_199 = vector.shape_cast %get3A_194 : vector<16xf32> to vector<1x16xf32>
        tpu.vector_store %arg13[%swap3A_195, %swap3A_196], %swap3A_199 {strides = array<i32>} : memref<64x64xf32, #tpu.memory_space<vmem>>, vector<1x16xf32>,
        %get3A_200 = arith.index_cast %scan3A_182 : i32 to index
        %get3A_201 = arith.constant 32 : index
        %get3A_202 = tpu.vector_load %arg11[%get3A_200, %get3A_201] {strides = array<i32>} : memref<64x128xf32, #tpu.memory_space<vmem>>, vector<1x16xf32>,
        %get3A_203 = vector.shape_cast %get3A_202 : vector<1x16xf32> to vector<16xf32>
        %swap3A_204 = arith.index_cast %scan3A_182 : i32 to index
        %swap3A_205 = arith.constant 32 : index
        %swap3A_206 = tpu.vector_load %arg13[%swap3A_204, %swap3A_205] {strides = array<i32>} : memref<64x64xf32, #tpu.memory_space<vmem>>, vector<1x16xf32>,
        %swap3A_207 = vector.shape_cast %swap3A_206 : vector<1x16xf32> to vector<16xf32>
        %swap3A_208 = vector.shape_cast %get3A_203 : vector<16xf32> to vector<1x16xf32>
        tpu.vector_store %arg13[%swap3A_204, %swap3A_205], %swap3A_208 {strides = array<i32>} : memref<64x64xf32, #tpu.memory_space<vmem>>, vector<1x16xf32>,
        %get3A_209 = arith.index_cast %scan3A_182 : i32 to index
        %get3A_210 = arith.constant 48 : index
        %get3A_211 = tpu.vector_load %arg11[%get3A_209, %get3A_210] {strides = array<i32>} : memref<64x128xf32, #tpu.memory_space<vmem>>, vector<1x16xf32>,
        %get3A_212 = vector.shape_cast %get3A_211 : vector<1x16xf32> to vector<16xf32>
        %swap3A_213 = arith.index_cast %scan3A_182 : i32 to index
        %swap3A_214 = arith.constant 48 : index
        %swap3A_215 = tpu.vector_load %arg13[%swap3A_213, %swap3A_214] {strides = array<i32>} : memref<64x64xf32, #tpu.memory_space<vmem>>, vector<1x16xf32>,
        %swap3A_216 = vector.shape_cast %swap3A_215 : vector<1x16xf32> to vector<16xf32>
        %swap3A_217 = vector.shape_cast %get3A_212 : vector<16xf32> to vector<1x16xf32>
        tpu.vector_store %arg13[%swap3A_213, %swap3A_214], %swap3A_217 {strides = array<i32>} : memref<64x64xf32, #tpu.memory_space<vmem>>, vector<1x16xf32>,
        %scan3A_218 = arith.constant 0 : i32
        scf.yield %scan3A_218 : i32
      }
      %scan3A_164 = arith.constant 64 : i32
      %run_scoped3A_165 = arith.constant 38 : i32
      "tpu.region"() ({
        %run_scoped3A_182 = tpu.sem_alloc : memref<!tpu.dma_semaphore, #tpu.memory_space<semaphore_mem>>
        %dma_start3A_183 = arith.constant 0 : i32
        %dma_start3A_184 = tpu.memref_slice %arg8[%run_scoped3A_165, %dma_start3A_183] : memref<40x64xi32, #tpu.memory_space<vmem>> -> memref<1x64xi32, #tpu.memory_space<vmem>>
        %dma_start3A_185 = tpu.memref_squeeze %dma_start3A_184 : memref<1x64xi32, #tpu.memory_space<vmem>> -> memref<64xi32, #tpu.memory_space<vmem>>
        %dma_start3A_186 = arith.constant 0 : i32
        %dma_start3A_187 = arith.constant 0 : i32
        %dma_start3A_188 = tpu.memref_slice %arg6[%dma_start3A_186, %dma_start3A_187] : memref<10240x64xf32, #tpu.memory_space<vmem_shared>> -> memref<10240x64xf32, #tpu.memory_space<vmem_shared>>
        tpu.enqueue_indirect_dma source(%arg13 : memref<64x64xf32, #tpu.memory_space<vmem>>) target(%dma_start3A_188 : memref<10240x64xf32, #tpu.memory_space<vmem_shared>>) offsets(%dma_start3A_185 : memref<64xi32, #tpu.memory_space<vmem>>) semaphore(%run_scoped3A_182 : memref<!tpu.dma_semaphore, #tpu.memory_space<semaphore_mem>>) {add = true}
        %dma_wait3A_189 = arith.constant 0 : i32
        %dma_wait3A_190 = tpu.memref_slice %arg8[%run_scoped3A_165, %dma_wait3A_189] : memref<40x64xi32, #tpu.memory_space<vmem>> -> memref<1x64xi32, #tpu.memory_space<vmem>>
        %dma_wait3A_191 = tpu.memref_squeeze %dma_wait3A_190 : memref<1x64xi32, #tpu.memory_space<vmem>> -> memref<64xi32, #tpu.memory_space<vmem>>
        %dma_wait3A_192 = arith.constant 0 : i32
        %dma_wait3A_193 = arith.constant 0 : i32
        %dma_wait3A_194 = tpu.memref_slice %arg6[%dma_wait3A_192, %dma_wait3A_193] : memref<10240x64xf32, #tpu.memory_space<vmem_shared>> -> memref<10240x64xf32, #tpu.memory_space<vmem_shared>>
        tpu.wait_indirect_dma semaphore(%run_scoped3A_182 : memref<!tpu.dma_semaphore, #tpu.memory_space<semaphore_mem>>) src(%arg13 : memref<64x64xf32, #tpu.memory_space<vmem>>) dst(%dma_wait3A_194 : memref<10240x64xf32, #tpu.memory_space<vmem_shared>>)
        tpu.yield
      }) : () -> ()
      %dma_wait3A_166 = arith.constant 0 : i32
      %dma_wait3A_167 = arith.constant 0 : i32
      %dma_wait3A_168 = tpu.memref_slice %arg7[%dma_wait3A_166, %dma_wait3A_167] : memref<40x64xi32, #tpu.memory_space<vmem>> -> memref<1x64xi32, #tpu.memory_space<vmem>>
      %dma_wait3A_169 = tpu.memref_squeeze %dma_wait3A_168 : memref<1x64xi32, #tpu.memory_space<vmem>> -> memref<64xi32, #tpu.memory_space<vmem>>
      %dma_wait3A_170 = arith.constant 0 : i32
      %dma_wait3A_171 = arith.constant 0 : i32
      %dma_wait3A_172 = tpu.memref_slice %arg4[%dma_wait3A_170, %dma_wait3A_171] : memref<10000x128xf32, #tpu.memory_space<hbm>> -> memref<10000x128xf32, #tpu.memory_space<hbm>>
      tpu.wait_indirect_dma semaphore(%arg18 : memref<!tpu.dma_semaphore, #tpu.memory_space<semaphore_mem>>) src(%dma_wait3A_172 : memref<10000x128xf32, #tpu.memory_space<hbm>>) dst(%arg12 : memref<64x128xf32, #tpu.memory_space<vmem>>)
      %scan3A_173 = arith.constant 0 : i32
      %scan3A_174 = arith.constant 0 : i32
      %scan3A_175 = arith.constant 64 : i32
      %scan3A_176 = arith.addi %scan3A_174, %scan3A_175 : i32
      %scan3A_177 = arith.constant 1 : i32
      %scan3A_178 = scf.for %scan3A_182 = %scan3A_174 to %scan3A_176 step %scan3A_177 iter_args(%scan3A_183 = %scan3A_173) -> (i32)  : i32 {
        %get3A = arith.index_cast %scan3A_182 : i32 to index
        %get3A_184 = arith.constant 0 : index
        %get3A_185 = tpu.vector_load %arg12[%get3A, %get3A_184] {strides = array<i32>} : memref<64x128xf32, #tpu.memory_space<vmem>>, vector<1x16xf32>,
        %get3A_186 = vector.shape_cast %get3A_185 : vector<1x16xf32> to vector<16xf32>
        %swap3A = arith.index_cast %scan3A_182 : i32 to index
        %swap3A_187 = arith.constant 0 : index
        %swap3A_188 = tpu.vector_load %arg14[%swap3A, %swap3A_187] {strides = array<i32>} : memref<64x64xf32, #tpu.memory_space<vmem>>, vector<1x16xf32>,
        %swap3A_189 = vector.shape_cast %swap3A_188 : vector<1x16xf32> to vector<16xf32>
        %swap3A_190 = vector.shape_cast %get3A_186 : vector<16xf32> to vector<1x16xf32>
        tpu.vector_store %arg14[%swap3A, %swap3A_187], %swap3A_190 {strides = array<i32>} : memref<64x64xf32, #tpu.memory_space<vmem>>, vector<1x16xf32>,
        %get3A_191 = arith.index_cast %scan3A_182 : i32 to index
        %get3A_192 = arith.constant 16 : index
        %get3A_193 = tpu.vector_load %arg12[%get3A_191, %get3A_192] {strides = array<i32>} : memref<64x128xf32, #tpu.memory_space<vmem>>, vector<1x16xf32>,
        %get3A_194 = vector.shape_cast %get3A_193 : vector<1x16xf32> to vector<16xf32>
        %swap3A_195 = arith.index_cast %scan3A_182 : i32 to index
        %swap3A_196 = arith.constant 16 : index
        %swap3A_197 = tpu.vector_load %arg14[%swap3A_195, %swap3A_196] {strides = array<i32>} : memref<64x64xf32, #tpu.memory_space<vmem>>, vector<1x16xf32>,
        %swap3A_198 = vector.shape_cast %swap3A_197 : vector<1x16xf32> to vector<16xf32>
        %swap3A_199 = vector.shape_cast %get3A_194 : vector<16xf32> to vector<1x16xf32>
        tpu.vector_store %arg14[%swap3A_195, %swap3A_196], %swap3A_199 {strides = array<i32>} : memref<64x64xf32, #tpu.memory_space<vmem>>, vector<1x16xf32>,
        %get3A_200 = arith.index_cast %scan3A_182 : i32 to index
        %get3A_201 = arith.constant 32 : index
        %get3A_202 = tpu.vector_load %arg12[%get3A_200, %get3A_201] {strides = array<i32>} : memref<64x128xf32, #tpu.memory_space<vmem>>, vector<1x16xf32>,
        %get3A_203 = vector.shape_cast %get3A_202 : vector<1x16xf32> to vector<16xf32>
        %swap3A_204 = arith.index_cast %scan3A_182 : i32 to index
        %swap3A_205 = arith.constant 32 : index
        %swap3A_206 = tpu.vector_load %arg14[%swap3A_204, %swap3A_205] {strides = array<i32>} : memref<64x64xf32, #tpu.memory_space<vmem>>, vector<1x16xf32>,
        %swap3A_207 = vector.shape_cast %swap3A_206 : vector<1x16xf32> to vector<16xf32>
        %swap3A_208 = vector.shape_cast %get3A_203 : vector<16xf32> to vector<1x16xf32>
        tpu.vector_store %arg14[%swap3A_204, %swap3A_205], %swap3A_208 {strides = array<i32>} : memref<64x64xf32, #tpu.memory_space<vmem>>, vector<1x16xf32>,
        %get3A_209 = arith.index_cast %scan3A_182 : i32 to index
        %get3A_210 = arith.constant 48 : index
        %get3A_211 = tpu.vector_load %arg12[%get3A_209, %get3A_210] {strides = array<i32>} : memref<64x128xf32, #tpu.memory_space<vmem>>, vector<1x16xf32>,
        %get3A_212 = vector.shape_cast %get3A_211 : vector<1x16xf32> to vector<16xf32>
        %swap3A_213 = arith.index_cast %scan3A_182 : i32 to index
        %swap3A_214 = arith.constant 48 : index
        %swap3A_215 = tpu.vector_load %arg14[%swap3A_213, %swap3A_214] {strides = array<i32>} : memref<64x64xf32, #tpu.memory_space<vmem>>, vector<1x16xf32>,
        %swap3A_216 = vector.shape_cast %swap3A_215 : vector<1x16xf32> to vector<16xf32>
        %swap3A_217 = vector.shape_cast %get3A_212 : vector<16xf32> to vector<1x16xf32>
        tpu.vector_store %arg14[%swap3A_213, %swap3A_214], %swap3A_217 {strides = array<i32>} : memref<64x64xf32, #tpu.memory_space<vmem>>, vector<1x16xf32>,
        %scan3A_218 = arith.constant 0 : i32
        scf.yield %scan3A_218 : i32
      }
      %scan3A_179 = arith.constant 64 : i32
      %run_scoped3A_180 = arith.constant 39 : i32
      "tpu.region"() ({
        %run_scoped3A_182 = tpu.sem_alloc : memref<!tpu.dma_semaphore, #tpu.memory_space<semaphore_mem>>
        %dma_start3A_183 = arith.constant 0 : i32
        %dma_start3A_184 = tpu.memref_slice %arg8[%run_scoped3A_180, %dma_start3A_183] : memref<40x64xi32, #tpu.memory_space<vmem>> -> memref<1x64xi32, #tpu.memory_space<vmem>>
        %dma_start3A_185 = tpu.memref_squeeze %dma_start3A_184 : memref<1x64xi32, #tpu.memory_space<vmem>> -> memref<64xi32, #tpu.memory_space<vmem>>
        %dma_start3A_186 = arith.constant 0 : i32
        %dma_start3A_187 = arith.constant 0 : i32
        %dma_start3A_188 = tpu.memref_slice %arg6[%dma_start3A_186, %dma_start3A_187] : memref<10240x64xf32, #tpu.memory_space<vmem_shared>> -> memref<10240x64xf32, #tpu.memory_space<vmem_shared>>
        tpu.enqueue_indirect_dma source(%arg14 : memref<64x64xf32, #tpu.memory_space<vmem>>) target(%dma_start3A_188 : memref<10240x64xf32, #tpu.memory_space<vmem_shared>>) offsets(%dma_start3A_185 : memref<64xi32, #tpu.memory_space<vmem>>) semaphore(%run_scoped3A_182 : memref<!tpu.dma_semaphore, #tpu.memory_space<semaphore_mem>>) {add = true}
        %dma_wait3A_189 = arith.constant 0 : i32
        %dma_wait3A_190 = tpu.memref_slice %arg8[%run_scoped3A_180, %dma_wait3A_189] : memref<40x64xi32, #tpu.memory_space<vmem>> -> memref<1x64xi32, #tpu.memory_space<vmem>>
        %dma_wait3A_191 = tpu.memref_squeeze %dma_wait3A_190 : memref<1x64xi32, #tpu.memory_space<vmem>> -> memref<64xi32, #tpu.memory_space<vmem>>
        %dma_wait3A_192 = arith.constant 0 : i32
        %dma_wait3A_193 = arith.constant 0 : i32
        %dma_wait3A_194 = tpu.memref_slice %arg6[%dma_wait3A_192, %dma_wait3A_193] : memref<10240x64xf32, #tpu.memory_space<vmem_shared>> -> memref<10240x64xf32, #tpu.memory_space<vmem_shared>>
        tpu.wait_indirect_dma semaphore(%run_scoped3A_182 : memref<!tpu.dma_semaphore, #tpu.memory_space<semaphore_mem>>) src(%arg14 : memref<64x64xf32, #tpu.memory_space<vmem>>) dst(%dma_wait3A_194 : memref<10240x64xf32, #tpu.memory_space<vmem_shared>>)
        tpu.yield
      }) : () -> ()
      %scan3A_181 = arith.constant 0 : i32
      scf.yield %scan3A_181 : i32
    }
    %scan3A_76 = arith.constant 2 : i32
    %barrier3A_77 = arith.constant 0 : index
    tpu.barrier barrier_id(%barrier3A_77)
    %mul3A_78 = arith.constant 632 : i32
    %mul3A_79 = arith.muli %arg1, %mul3A_78 : i32
    %min3A = arith.constant 9368 : i32
    %min3A_80 = arith.minsi %mul3A_79, %min3A : i32
    %multiple_of3A = tpu.assume_multiple %min3A_80, 8 : i32
    %mul3A_81 = arith.constant 10000 : i32
    %mul3A_82 = arith.muli %arg0, %mul3A_81 : i32
    %add3A_83 = arith.addi %mul3A_82, %multiple_of3A : i32
    "tpu.region"() ({
      %run_scoped3A = tpu.sem_alloc : memref<!tpu.dma_semaphore, #tpu.memory_space<semaphore_mem>>
      %dma_start3A = arith.constant 0 : i32
      %dma_start3A_84 = tpu.memref_slice %arg5[%add3A_83, %dma_start3A] : memref<20000x64xf32, #tpu.memory_space<hbm>> -> memref<632x64xf32, #tpu.memory_space<hbm>>
      %dma_start3A_85 = arith.constant 0 : i32
      %dma_start3A_86 = tpu.memref_slice %arg6[%multiple_of3A, %dma_start3A_85] : memref<10240x64xf32, #tpu.memory_space<vmem_shared>> -> memref<632x64xf32, #tpu.memory_space<vmem_shared>>
      tpu.enqueue_dma source(%dma_start3A_86 : memref<632x64xf32, #tpu.memory_space<vmem_shared>>) target(%dma_start3A_84 : memref<632x64xf32, #tpu.memory_space<hbm>>) target_semaphore(%run_scoped3A : memref<!tpu.dma_semaphore, #tpu.memory_space<semaphore_mem>>)
      %dma_wait3A = arith.constant 0 : i32
      %dma_wait3A_87 = tpu.memref_slice %arg5[%add3A_83, %dma_wait3A] : memref<20000x64xf32, #tpu.memory_space<hbm>> -> memref<632x64xf32, #tpu.memory_space<hbm>>
      %dma_wait3A_88 = arith.constant 0 : i32
      %dma_wait3A_89 = tpu.memref_slice %arg6[%multiple_of3A, %dma_wait3A_88] : memref<10240x64xf32, #tpu.memory_space<vmem_shared>> -> memref<632x64xf32, #tpu.memory_space<vmem_shared>>
      tpu.wait_dma2 semaphore(%run_scoped3A : memref<!tpu.dma_semaphore, #tpu.memory_space<semaphore_mem>>) src(%dma_wait3A_89 : memref<632x64xf32, #tpu.memory_space<vmem_shared>>) dst(%dma_wait3A_87 : memref<632x64xf32, #tpu.memory_space<hbm>>)
      tpu.yield
    }) : () -> ()
    return
  }
}

#map = affine_map<(d0, d1) -> (0, 0)>
#map1 = affine_map<(d0, d1) -> (0)>
module attributes {stable_mosaic.version = 14 : i64} {
  func.func @body(%arg0: i32, %arg1: i32, %arg2: memref<2560x64xi32, #tpu.memory_space<hbm>>, %arg3: memref<20480xf32, #tpu.memory_space<hbm>>, %arg4: memref<10240xf32, #tpu.memory_space<vmem_shared>>, %arg5: memref<80x64xi32, #tpu.memory_space<vmem>>, %arg6: memref<64xf32, #tpu.memory_space<vmem>>, %arg7: memref<1x320xf32, #tpu.memory_space<vmem>>) attributes {dimension_semantics = [#tpu.dimension_semantics<core_parallel>, #tpu.dimension_semantics<subcore_parallel>], iteration_bounds = array<i64: 2, 16>, scalar_prefetch = 0 : i64, scratch_operands = 4 : i64, tpu.core_type = #tpu.core_type<sc_vector_subcore>, window_params = [{transform_indices = #map}, {transform_indices = #map1}]} {
    %mul3A = arith.constant 2 : i32
    %mul3A_0 = arith.muli %arg1, %mul3A : i32
    %add3A = arith.addi %mul3A_0, %arg0 : i32
    %broadcast_in_dim3A = arith.constant 0.000000e+00 : f32
    %broadcast_in_dim3A_1 = vector.broadcast %broadcast_in_dim3A : f32 to vector<16xf32>
    %scan3A = arith.constant 0 : i32
    %scan3A_2 = arith.constant 0 : i32
    %swap3A = arith.index_cast %scan3A_2 : i32 to index
    %swap3A_3 = arith.constant 0 : index
    %swap3A_4 = tpu.vector_load %arg7[%swap3A, %swap3A_3] {strides = array<i32>} : memref<1x320xf32, #tpu.memory_space<vmem>>, vector<1x16xf32>,
    %swap3A_5 = vector.shape_cast %swap3A_4 : vector<1x16xf32> to vector<16xf32>
    %swap3A_6 = vector.shape_cast %broadcast_in_dim3A_1 : vector<16xf32> to vector<1x16xf32>
    tpu.vector_store %arg7[%swap3A, %swap3A_3], %swap3A_6 {strides = array<i32>} : memref<1x320xf32, #tpu.memory_space<vmem>>, vector<1x16xf32>,
    %swap3A_7 = arith.index_cast %scan3A_2 : i32 to index
    %swap3A_8 = arith.constant 16 : index
    %swap3A_9 = tpu.vector_load %arg7[%swap3A_7, %swap3A_8] {strides = array<i32>} : memref<1x320xf32, #tpu.memory_space<vmem>>, vector<1x16xf32>,
    %swap3A_10 = vector.shape_cast %swap3A_9 : vector<1x16xf32> to vector<16xf32>
    %swap3A_11 = vector.shape_cast %broadcast_in_dim3A_1 : vector<16xf32> to vector<1x16xf32>
    tpu.vector_store %arg7[%swap3A_7, %swap3A_8], %swap3A_11 {strides = array<i32>} : memref<1x320xf32, #tpu.memory_space<vmem>>, vector<1x16xf32>,
    %swap3A_12 = arith.index_cast %scan3A_2 : i32 to index
    %swap3A_13 = arith.constant 32 : index
    %swap3A_14 = tpu.vector_load %arg7[%swap3A_12, %swap3A_13] {strides = array<i32>} : memref<1x320xf32, #tpu.memory_space<vmem>>, vector<1x16xf32>,
    %swap3A_15 = vector.shape_cast %swap3A_14 : vector<1x16xf32> to vector<16xf32>
    %swap3A_16 = vector.shape_cast %broadcast_in_dim3A_1 : vector<16xf32> to vector<1x16xf32>
    tpu.vector_store %arg7[%swap3A_12, %swap3A_13], %swap3A_16 {strides = array<i32>} : memref<1x320xf32, #tpu.memory_space<vmem>>, vector<1x16xf32>,
    %swap3A_17 = arith.index_cast %scan3A_2 : i32 to index
    %swap3A_18 = arith.constant 48 : index
    %swap3A_19 = tpu.vector_load %arg7[%swap3A_17, %swap3A_18] {strides = array<i32>} : memref<1x320xf32, #tpu.memory_space<vmem>>, vector<1x16xf32>,
    %swap3A_20 = vector.shape_cast %swap3A_19 : vector<1x16xf32> to vector<16xf32>
    %swap3A_21 = vector.shape_cast %broadcast_in_dim3A_1 : vector<16xf32> to vector<1x16xf32>
    tpu.vector_store %arg7[%swap3A_17, %swap3A_18], %swap3A_21 {strides = array<i32>} : memref<1x320xf32, #tpu.memory_space<vmem>>, vector<1x16xf32>,
    %swap3A_22 = arith.index_cast %scan3A_2 : i32 to index
    %swap3A_23 = arith.constant 64 : index
    %swap3A_24 = tpu.vector_load %arg7[%swap3A_22, %swap3A_23] {strides = array<i32>} : memref<1x320xf32, #tpu.memory_space<vmem>>, vector<1x16xf32>,
    %swap3A_25 = vector.shape_cast %swap3A_24 : vector<1x16xf32> to vector<16xf32>
    %swap3A_26 = vector.shape_cast %broadcast_in_dim3A_1 : vector<16xf32> to vector<1x16xf32>
    tpu.vector_store %arg7[%swap3A_22, %swap3A_23], %swap3A_26 {strides = array<i32>} : memref<1x320xf32, #tpu.memory_space<vmem>>, vector<1x16xf32>,
    %swap3A_27 = arith.index_cast %scan3A_2 : i32 to index
    %swap3A_28 = arith.constant 80 : index
    %swap3A_29 = tpu.vector_load %arg7[%swap3A_27, %swap3A_28] {strides = array<i32>} : memref<1x320xf32, #tpu.memory_space<vmem>>, vector<1x16xf32>,
    %swap3A_30 = vector.shape_cast %swap3A_29 : vector<1x16xf32> to vector<16xf32>
    %swap3A_31 = vector.shape_cast %broadcast_in_dim3A_1 : vector<16xf32> to vector<1x16xf32>
    tpu.vector_store %arg7[%swap3A_27, %swap3A_28], %swap3A_31 {strides = array<i32>} : memref<1x320xf32, #tpu.memory_space<vmem>>, vector<1x16xf32>,
    %swap3A_32 = arith.index_cast %scan3A_2 : i32 to index
    %swap3A_33 = arith.constant 96 : index
    %swap3A_34 = tpu.vector_load %arg7[%swap3A_32, %swap3A_33] {strides = array<i32>} : memref<1x320xf32, #tpu.memory_space<vmem>>, vector<1x16xf32>,
    %swap3A_35 = vector.shape_cast %swap3A_34 : vector<1x16xf32> to vector<16xf32>
    %swap3A_36 = vector.shape_cast %broadcast_in_dim3A_1 : vector<16xf32> to vector<1x16xf32>
    tpu.vector_store %arg7[%swap3A_32, %swap3A_33], %swap3A_36 {strides = array<i32>} : memref<1x320xf32, #tpu.memory_space<vmem>>, vector<1x16xf32>,
    %swap3A_37 = arith.index_cast %scan3A_2 : i32 to index
    %swap3A_38 = arith.constant 112 : index
    %swap3A_39 = tpu.vector_load %arg7[%swap3A_37, %swap3A_38] {strides = array<i32>} : memref<1x320xf32, #tpu.memory_space<vmem>>, vector<1x16xf32>,
    %swap3A_40 = vector.shape_cast %swap3A_39 : vector<1x16xf32> to vector<16xf32>
    %swap3A_41 = vector.shape_cast %broadcast_in_dim3A_1 : vector<16xf32> to vector<1x16xf32>
    tpu.vector_store %arg7[%swap3A_37, %swap3A_38], %swap3A_41 {strides = array<i32>} : memref<1x320xf32, #tpu.memory_space<vmem>>, vector<1x16xf32>,
    %swap3A_42 = arith.index_cast %scan3A_2 : i32 to index
    %swap3A_43 = arith.constant 128 : index
    %swap3A_44 = tpu.vector_load %arg7[%swap3A_42, %swap3A_43] {strides = array<i32>} : memref<1x320xf32, #tpu.memory_space<vmem>>, vector<1x16xf32>,
    %swap3A_45 = vector.shape_cast %swap3A_44 : vector<1x16xf32> to vector<16xf32>
    %swap3A_46 = vector.shape_cast %broadcast_in_dim3A_1 : vector<16xf32> to vector<1x16xf32>
    tpu.vector_store %arg7[%swap3A_42, %swap3A_43], %swap3A_46 {strides = array<i32>} : memref<1x320xf32, #tpu.memory_space<vmem>>, vector<1x16xf32>,
    %swap3A_47 = arith.index_cast %scan3A_2 : i32 to index
    %swap3A_48 = arith.constant 144 : index
    %swap3A_49 = tpu.vector_load %arg7[%swap3A_47, %swap3A_48] {strides = array<i32>} : memref<1x320xf32, #tpu.memory_space<vmem>>, vector<1x16xf32>,
    %swap3A_50 = vector.shape_cast %swap3A_49 : vector<1x16xf32> to vector<16xf32>
    %swap3A_51 = vector.shape_cast %broadcast_in_dim3A_1 : vector<16xf32> to vector<1x16xf32>
    tpu.vector_store %arg7[%swap3A_47, %swap3A_48], %swap3A_51 {strides = array<i32>} : memref<1x320xf32, #tpu.memory_space<vmem>>, vector<1x16xf32>,
    %swap3A_52 = arith.index_cast %scan3A_2 : i32 to index
    %swap3A_53 = arith.constant 160 : index
    %swap3A_54 = tpu.vector_load %arg7[%swap3A_52, %swap3A_53] {strides = array<i32>} : memref<1x320xf32, #tpu.memory_space<vmem>>, vector<1x16xf32>,
    %swap3A_55 = vector.shape_cast %swap3A_54 : vector<1x16xf32> to vector<16xf32>
    %swap3A_56 = vector.shape_cast %broadcast_in_dim3A_1 : vector<16xf32> to vector<1x16xf32>
    tpu.vector_store %arg7[%swap3A_52, %swap3A_53], %swap3A_56 {strides = array<i32>} : memref<1x320xf32, #tpu.memory_space<vmem>>, vector<1x16xf32>,
    %swap3A_57 = arith.index_cast %scan3A_2 : i32 to index
    %swap3A_58 = arith.constant 176 : index
    %swap3A_59 = tpu.vector_load %arg7[%swap3A_57, %swap3A_58] {strides = array<i32>} : memref<1x320xf32, #tpu.memory_space<vmem>>, vector<1x16xf32>,
    %swap3A_60 = vector.shape_cast %swap3A_59 : vector<1x16xf32> to vector<16xf32>
    %swap3A_61 = vector.shape_cast %broadcast_in_dim3A_1 : vector<16xf32> to vector<1x16xf32>
    tpu.vector_store %arg7[%swap3A_57, %swap3A_58], %swap3A_61 {strides = array<i32>} : memref<1x320xf32, #tpu.memory_space<vmem>>, vector<1x16xf32>,
    %swap3A_62 = arith.index_cast %scan3A_2 : i32 to index
    %swap3A_63 = arith.constant 192 : index
    %swap3A_64 = tpu.vector_load %arg7[%swap3A_62, %swap3A_63] {strides = array<i32>} : memref<1x320xf32, #tpu.memory_space<vmem>>, vector<1x16xf32>,
    %swap3A_65 = vector.shape_cast %swap3A_64 : vector<1x16xf32> to vector<16xf32>
    %swap3A_66 = vector.shape_cast %broadcast_in_dim3A_1 : vector<16xf32> to vector<1x16xf32>
    tpu.vector_store %arg7[%swap3A_62, %swap3A_63], %swap3A_66 {strides = array<i32>} : memref<1x320xf32, #tpu.memory_space<vmem>>, vector<1x16xf32>,
    %swap3A_67 = arith.index_cast %scan3A_2 : i32 to index
    %swap3A_68 = arith.constant 208 : index
    %swap3A_69 = tpu.vector_load %arg7[%swap3A_67, %swap3A_68] {strides = array<i32>} : memref<1x320xf32, #tpu.memory_space<vmem>>, vector<1x16xf32>,
    %swap3A_70 = vector.shape_cast %swap3A_69 : vector<1x16xf32> to vector<16xf32>
    %swap3A_71 = vector.shape_cast %broadcast_in_dim3A_1 : vector<16xf32> to vector<1x16xf32>
    tpu.vector_store %arg7[%swap3A_67, %swap3A_68], %swap3A_71 {strides = array<i32>} : memref<1x320xf32, #tpu.memory_space<vmem>>, vector<1x16xf32>,
    %swap3A_72 = arith.index_cast %scan3A_2 : i32 to index
    %swap3A_73 = arith.constant 224 : index
    %swap3A_74 = tpu.vector_load %arg7[%swap3A_72, %swap3A_73] {strides = array<i32>} : memref<1x320xf32, #tpu.memory_space<vmem>>, vector<1x16xf32>,
    %swap3A_75 = vector.shape_cast %swap3A_74 : vector<1x16xf32> to vector<16xf32>
    %swap3A_76 = vector.shape_cast %broadcast_in_dim3A_1 : vector<16xf32> to vector<1x16xf32>
    tpu.vector_store %arg7[%swap3A_72, %swap3A_73], %swap3A_76 {strides = array<i32>} : memref<1x320xf32, #tpu.memory_space<vmem>>, vector<1x16xf32>,
    %swap3A_77 = arith.index_cast %scan3A_2 : i32 to index
    %swap3A_78 = arith.constant 240 : index
    %swap3A_79 = tpu.vector_load %arg7[%swap3A_77, %swap3A_78] {strides = array<i32>} : memref<1x320xf32, #tpu.memory_space<vmem>>, vector<1x16xf32>,
    %swap3A_80 = vector.shape_cast %swap3A_79 : vector<1x16xf32> to vector<16xf32>
    %swap3A_81 = vector.shape_cast %broadcast_in_dim3A_1 : vector<16xf32> to vector<1x16xf32>
    tpu.vector_store %arg7[%swap3A_77, %swap3A_78], %swap3A_81 {strides = array<i32>} : memref<1x320xf32, #tpu.memory_space<vmem>>, vector<1x16xf32>,
    %swap3A_82 = arith.index_cast %scan3A_2 : i32 to index
    %swap3A_83 = arith.constant 256 : index
    %swap3A_84 = tpu.vector_load %arg7[%swap3A_82, %swap3A_83] {strides = array<i32>} : memref<1x320xf32, #tpu.memory_space<vmem>>, vector<1x16xf32>,
    %swap3A_85 = vector.shape_cast %swap3A_84 : vector<1x16xf32> to vector<16xf32>
    %swap3A_86 = vector.shape_cast %broadcast_in_dim3A_1 : vector<16xf32> to vector<1x16xf32>
    tpu.vector_store %arg7[%swap3A_82, %swap3A_83], %swap3A_86 {strides = array<i32>} : memref<1x320xf32, #tpu.memory_space<vmem>>, vector<1x16xf32>,
    %swap3A_87 = arith.index_cast %scan3A_2 : i32 to index
    %swap3A_88 = arith.constant 272 : index
    %swap3A_89 = tpu.vector_load %arg7[%swap3A_87, %swap3A_88] {strides = array<i32>} : memref<1x320xf32, #tpu.memory_space<vmem>>, vector<1x16xf32>,
    %swap3A_90 = vector.shape_cast %swap3A_89 : vector<1x16xf32> to vector<16xf32>
    %swap3A_91 = vector.shape_cast %broadcast_in_dim3A_1 : vector<16xf32> to vector<1x16xf32>
    tpu.vector_store %arg7[%swap3A_87, %swap3A_88], %swap3A_91 {strides = array<i32>} : memref<1x320xf32, #tpu.memory_space<vmem>>, vector<1x16xf32>,
    %swap3A_92 = arith.index_cast %scan3A_2 : i32 to index
    %swap3A_93 = arith.constant 288 : index
    %swap3A_94 = tpu.vector_load %arg7[%swap3A_92, %swap3A_93] {strides = array<i32>} : memref<1x320xf32, #tpu.memory_space<vmem>>, vector<1x16xf32>,
    %swap3A_95 = vector.shape_cast %swap3A_94 : vector<1x16xf32> to vector<16xf32>
    %swap3A_96 = vector.shape_cast %broadcast_in_dim3A_1 : vector<16xf32> to vector<1x16xf32>
    tpu.vector_store %arg7[%swap3A_92, %swap3A_93], %swap3A_96 {strides = array<i32>} : memref<1x320xf32, #tpu.memory_space<vmem>>, vector<1x16xf32>,
    %swap3A_97 = arith.index_cast %scan3A_2 : i32 to index
    %swap3A_98 = arith.constant 304 : index
    %swap3A_99 = tpu.vector_load %arg7[%swap3A_97, %swap3A_98] {strides = array<i32>} : memref<1x320xf32, #tpu.memory_space<vmem>>, vector<1x16xf32>,
    %swap3A_100 = vector.shape_cast %swap3A_99 : vector<1x16xf32> to vector<16xf32>
    %swap3A_101 = vector.shape_cast %broadcast_in_dim3A_1 : vector<16xf32> to vector<1x16xf32>
    tpu.vector_store %arg7[%swap3A_97, %swap3A_98], %swap3A_101 {strides = array<i32>} : memref<1x320xf32, #tpu.memory_space<vmem>>, vector<1x16xf32>,
    %scan3A_102 = arith.constant 0 : i32
    %scan3A_103 = arith.constant 1 : i32
    %broadcast_in_dim3A_104 = arith.constant 1.000000e+00 : f32
    %broadcast_in_dim3A_105 = vector.broadcast %broadcast_in_dim3A_104 : f32 to vector<16xf32>
    %swap3A_106 = arith.constant 0 : index
    %swap3A_107 = tpu.vector_load %arg6[%swap3A_106] {strides = array<i32>} : memref<64xf32, #tpu.memory_space<vmem>>, vector<16xf32>,
    %swap3A_108 = vector.shape_cast %swap3A_107 : vector<16xf32> to vector<16xf32>
    %swap3A_109 = vector.shape_cast %broadcast_in_dim3A_105 : vector<16xf32> to vector<16xf32>
    tpu.vector_store %arg6[%swap3A_106], %swap3A_109 {strides = array<i32>} : memref<64xf32, #tpu.memory_space<vmem>>, vector<16xf32>,
    %swap3A_110 = arith.constant 16 : index
    %swap3A_111 = tpu.vector_load %arg6[%swap3A_110] {strides = array<i32>} : memref<64xf32, #tpu.memory_space<vmem>>, vector<16xf32>,
    %swap3A_112 = vector.shape_cast %swap3A_111 : vector<16xf32> to vector<16xf32>
    %swap3A_113 = vector.shape_cast %broadcast_in_dim3A_105 : vector<16xf32> to vector<16xf32>
    tpu.vector_store %arg6[%swap3A_110], %swap3A_113 {strides = array<i32>} : memref<64xf32, #tpu.memory_space<vmem>>, vector<16xf32>,
    %swap3A_114 = arith.constant 32 : index
    %swap3A_115 = tpu.vector_load %arg6[%swap3A_114] {strides = array<i32>} : memref<64xf32, #tpu.memory_space<vmem>>, vector<16xf32>,
    %swap3A_116 = vector.shape_cast %swap3A_115 : vector<16xf32> to vector<16xf32>
    %swap3A_117 = vector.shape_cast %broadcast_in_dim3A_105 : vector<16xf32> to vector<16xf32>
    tpu.vector_store %arg6[%swap3A_114], %swap3A_117 {strides = array<i32>} : memref<64xf32, #tpu.memory_space<vmem>>, vector<16xf32>,
    %swap3A_118 = arith.constant 48 : index
    %swap3A_119 = tpu.vector_load %arg6[%swap3A_118] {strides = array<i32>} : memref<64xf32, #tpu.memory_space<vmem>>, vector<16xf32>,
    %swap3A_120 = vector.shape_cast %swap3A_119 : vector<16xf32> to vector<16xf32>
    %swap3A_121 = vector.shape_cast %broadcast_in_dim3A_105 : vector<16xf32> to vector<16xf32>
    tpu.vector_store %arg6[%swap3A_118], %swap3A_121 {strides = array<i32>} : memref<64xf32, #tpu.memory_space<vmem>>, vector<16xf32>,
    %mul3A_122 = arith.constant 320 : i32
    %mul3A_123 = arith.muli %add3A, %mul3A_122 : i32
    %run_scoped3A = arith.constant 0 : i32
    "tpu.region"() ({
      %run_scoped3A_141 = tpu.sem_alloc : memref<!tpu.dma_semaphore, #tpu.memory_space<semaphore_mem>>
      %dma_start3A = arith.constant 0 : i32
      %dma_start3A_142 = tpu.memref_slice %arg7[%run_scoped3A, %dma_start3A] : memref<1x320xf32, #tpu.memory_space<vmem>> -> memref<1x320xf32, #tpu.memory_space<vmem>>
      %dma_start3A_143 = tpu.memref_squeeze %dma_start3A_142 : memref<1x320xf32, #tpu.memory_space<vmem>> -> memref<320xf32, #tpu.memory_space<vmem>>
      %dma_start3A_144 = tpu.memref_slice %arg4[%mul3A_123] : memref<10240xf32, #tpu.memory_space<vmem_shared>> -> memref<320xf32, #tpu.memory_space<vmem_shared>>
      %dma_start3A_145 = tpu.memref_slice %arg4[%mul3A_123] : memref<10240xf32, #tpu.memory_space<vmem_shared>> -> memref<320xf32, #tpu.memory_space<vmem_shared>>
      %dma_start3A_146 = arith.constant 0 : i32
      %dma_start3A_147 = tpu.memref_slice %arg7[%run_scoped3A, %dma_start3A_146] : memref<1x320xf32, #tpu.memory_space<vmem>> -> memref<1x320xf32, #tpu.memory_space<vmem>>
      %dma_start3A_148 = tpu.memref_squeeze %dma_start3A_147 : memref<1x320xf32, #tpu.memory_space<vmem>> -> memref<320xf32, #tpu.memory_space<vmem>>
      tpu.enqueue_dma source(%dma_start3A_148 : memref<320xf32, #tpu.memory_space<vmem>>) target(%dma_start3A_145 : memref<320xf32, #tpu.memory_space<vmem_shared>>) target_semaphore(%run_scoped3A_141 : memref<!tpu.dma_semaphore, #tpu.memory_space<semaphore_mem>>)
      %dma_wait3A = arith.constant 0 : i32
      %dma_wait3A_149 = tpu.memref_slice %arg7[%run_scoped3A, %dma_wait3A] : memref<1x320xf32, #tpu.memory_space<vmem>> -> memref<1x320xf32, #tpu.memory_space<vmem>>
      %dma_wait3A_150 = tpu.memref_squeeze %dma_wait3A_149 : memref<1x320xf32, #tpu.memory_space<vmem>> -> memref<320xf32, #tpu.memory_space<vmem>>
      %dma_wait3A_151 = tpu.memref_slice %arg4[%mul3A_123] : memref<10240xf32, #tpu.memory_space<vmem_shared>> -> memref<320xf32, #tpu.memory_space<vmem_shared>>
      %dma_wait3A_152 = tpu.memref_slice %arg4[%mul3A_123] : memref<10240xf32, #tpu.memory_space<vmem_shared>> -> memref<320xf32, #tpu.memory_space<vmem_shared>>
      %dma_wait3A_153 = arith.constant 0 : i32
      %dma_wait3A_154 = tpu.memref_slice %arg7[%run_scoped3A, %dma_wait3A_153] : memref<1x320xf32, #tpu.memory_space<vmem>> -> memref<1x320xf32, #tpu.memory_space<vmem>>
      %dma_wait3A_155 = tpu.memref_squeeze %dma_wait3A_154 : memref<1x320xf32, #tpu.memory_space<vmem>> -> memref<320xf32, #tpu.memory_space<vmem>>
      tpu.wait_dma2 semaphore(%run_scoped3A_141 : memref<!tpu.dma_semaphore, #tpu.memory_space<semaphore_mem>>) src(%dma_wait3A_155 : memref<320xf32, #tpu.memory_space<vmem>>) dst(%dma_wait3A_152 : memref<320xf32, #tpu.memory_space<vmem_shared>>)
      tpu.yield
    }) : () -> ()
    %barrier3A = arith.constant 0 : index
    tpu.barrier barrier_id(%barrier3A)
    %mul3A_124 = arith.constant 80 : i32
    %mul3A_125 = arith.muli %add3A, %mul3A_124 : i32
    "tpu.region"() ({
      %run_scoped3A_141 = tpu.sem_alloc : memref<!tpu.dma_semaphore, #tpu.memory_space<semaphore_mem>>
      %dma_start3A = arith.constant 0 : i32
      %dma_start3A_142 = tpu.memref_slice %arg2[%mul3A_125, %dma_start3A] : memref<2560x64xi32, #tpu.memory_space<hbm>> -> memref<80x64xi32, #tpu.memory_space<hbm>>
      %dma_start3A_143 = arith.constant 0 : i32
      %dma_start3A_144 = tpu.memref_slice %arg2[%mul3A_125, %dma_start3A_143] : memref<2560x64xi32, #tpu.memory_space<hbm>> -> memref<80x64xi32, #tpu.memory_space<hbm>>
      tpu.enqueue_dma source(%dma_start3A_144 : memref<80x64xi32, #tpu.memory_space<hbm>>) target(%arg5 : memref<80x64xi32, #tpu.memory_space<vmem>>) target_semaphore(%run_scoped3A_141 : memref<!tpu.dma_semaphore, #tpu.memory_space<semaphore_mem>>)
      %dma_wait3A = arith.constant 0 : i32
      %dma_wait3A_145 = tpu.memref_slice %arg2[%mul3A_125, %dma_wait3A] : memref<2560x64xi32, #tpu.memory_space<hbm>> -> memref<80x64xi32, #tpu.memory_space<hbm>>
      %dma_wait3A_146 = arith.constant 0 : i32
      %dma_wait3A_147 = tpu.memref_slice %arg2[%mul3A_125, %dma_wait3A_146] : memref<2560x64xi32, #tpu.memory_space<hbm>> -> memref<80x64xi32, #tpu.memory_space<hbm>>
      tpu.wait_dma2 semaphore(%run_scoped3A_141 : memref<!tpu.dma_semaphore, #tpu.memory_space<semaphore_mem>>) src(%dma_wait3A_147 : memref<80x64xi32, #tpu.memory_space<hbm>>) dst(%arg5 : memref<80x64xi32, #tpu.memory_space<vmem>>)
      tpu.yield
    }) : () -> ()
    %scan3A_126 = arith.constant 0 : i32
    %scan3A_127 = arith.constant 0 : i32
    %scan3A_128 = arith.constant 80 : i32
    %scan3A_129 = arith.addi %scan3A_127, %scan3A_128 : i32
    %scan3A_130 = arith.constant 1 : i32
    %scan3A_131 = scf.for %scan3A_141 = %scan3A_127 to %scan3A_129 step %scan3A_130 iter_args(%scan3A_142 = %scan3A_126) -> (i32)  : i32 {
      "tpu.region"() ({
        %run_scoped3A_144 = tpu.sem_alloc : memref<!tpu.dma_semaphore, #tpu.memory_space<semaphore_mem>>
        %dma_start3A = arith.constant 0 : i32
        %dma_start3A_145 = tpu.memref_slice %arg5[%scan3A_141, %dma_start3A] : memref<80x64xi32, #tpu.memory_space<vmem>> -> memref<1x64xi32, #tpu.memory_space<vmem>>
        %dma_start3A_146 = tpu.memref_squeeze %dma_start3A_145 : memref<1x64xi32, #tpu.memory_space<vmem>> -> memref<64xi32, #tpu.memory_space<vmem>>
        %dma_start3A_147 = arith.constant 0 : i32
        %dma_start3A_148 = tpu.memref_slice %arg4[%dma_start3A_147] : memref<10240xf32, #tpu.memory_space<vmem_shared>> -> memref<10240xf32, #tpu.memory_space<vmem_shared>>
        tpu.enqueue_indirect_dma source(%arg6 : memref<64xf32, #tpu.memory_space<vmem>>) target(%dma_start3A_148 : memref<10240xf32, #tpu.memory_space<vmem_shared>>) offsets(%dma_start3A_146 : memref<64xi32, #tpu.memory_space<vmem>>) semaphore(%run_scoped3A_144 : memref<!tpu.dma_semaphore, #tpu.memory_space<semaphore_mem>>) {add = true}
        %dma_wait3A = arith.constant 0 : i32
        %dma_wait3A_149 = tpu.memref_slice %arg5[%scan3A_141, %dma_wait3A] : memref<80x64xi32, #tpu.memory_space<vmem>> -> memref<1x64xi32, #tpu.memory_space<vmem>>
        %dma_wait3A_150 = tpu.memref_squeeze %dma_wait3A_149 : memref<1x64xi32, #tpu.memory_space<vmem>> -> memref<64xi32, #tpu.memory_space<vmem>>
        %dma_wait3A_151 = arith.constant 0 : i32
        %dma_wait3A_152 = tpu.memref_slice %arg4[%dma_wait3A_151] : memref<10240xf32, #tpu.memory_space<vmem_shared>> -> memref<10240xf32, #tpu.memory_space<vmem_shared>>
        tpu.wait_indirect_dma semaphore(%run_scoped3A_144 : memref<!tpu.dma_semaphore, #tpu.memory_space<semaphore_mem>>) src(%arg6 : memref<64xf32, #tpu.memory_space<vmem>>) dst(%dma_wait3A_152 : memref<10240xf32, #tpu.memory_space<vmem_shared>>)
        tpu.yield
      }) : () -> ()
      %scan3A_143 = arith.constant 0 : i32
      scf.yield %scan3A_143 : i32
    }
    %scan3A_132 = arith.constant 80 : i32
    %barrier3A_133 = arith.constant 0 : index
    tpu.barrier barrier_id(%barrier3A_133)
    %mul3A_134 = arith.constant 640 : i32
    %mul3A_135 = arith.muli %arg1, %mul3A_134 : i32
    %mul3A_136 = arith.constant 10240 : i32
    %mul3A_137 = arith.muli %arg0, %mul3A_136 : i32
    %mul3A_138 = arith.constant 640 : i32
    %mul3A_139 = arith.muli %arg1, %mul3A_138 : i32
    %add3A_140 = arith.addi %mul3A_137, %mul3A_139 : i32
    "tpu.region"() ({
      %run_scoped3A_141 = tpu.sem_alloc : memref<!tpu.dma_semaphore, #tpu.memory_space<semaphore_mem>>
      %dma_start3A = tpu.memref_slice %arg3[%add3A_140] : memref<20480xf32, #tpu.memory_space<hbm>> -> memref<640xf32, #tpu.memory_space<hbm>>
      %dma_start3A_142 = tpu.memref_slice %arg4[%mul3A_135] : memref<10240xf32, #tpu.memory_space<vmem_shared>> -> memref<640xf32, #tpu.memory_space<vmem_shared>>
      tpu.enqueue_dma source(%dma_start3A_142 : memref<640xf32, #tpu.memory_space<vmem_shared>>) target(%dma_start3A : memref<640xf32, #tpu.memory_space<hbm>>) target_semaphore(%run_scoped3A_141 : memref<!tpu.dma_semaphore, #tpu.memory_space<semaphore_mem>>)
      %dma_wait3A = tpu.memref_slice %arg3[%add3A_140] : memref<20480xf32, #tpu.memory_space<hbm>> -> memref<640xf32, #tpu.memory_space<hbm>>
      %dma_wait3A_143 = tpu.memref_slice %arg4[%mul3A_135] : memref<10240xf32, #tpu.memory_space<vmem_shared>> -> memref<640xf32, #tpu.memory_space<vmem_shared>>
      tpu.wait_dma2 semaphore(%run_scoped3A_141 : memref<!tpu.dma_semaphore, #tpu.memory_space<semaphore_mem>>) src(%dma_wait3A_143 : memref<640xf32, #tpu.memory_space<vmem_shared>>) dst(%dma_wait3A : memref<640xf32, #tpu.memory_space<hbm>>)
      tpu.yield
    }) : () -> ()
    return
  }
}

#map = affine_map<(d0, d1) -> (0, 0)>
module attributes {stable_mosaic.version = 14 : i64} {
  func.func @body(%arg0: i32, %arg1: i32, %arg2: memref<2560x64xi32, #tpu.memory_space<hbm>>, %arg3: memref<2560x64xi32, #tpu.memory_space<hbm>>, %arg4: memref<20000x128xf32, #tpu.memory_space<hbm>>, %arg5: memref<20000x128xf32, #tpu.memory_space<hbm>>, %arg6: memref<10240x128xf32, #tpu.memory_space<vmem_shared>>, %arg7: memref<40x64xi32, #tpu.memory_space<vmem>>, %arg8: memref<40x64xi32, #tpu.memory_space<vmem>>, %arg9: memref<64x128xf32, #tpu.memory_space<vmem>>, %arg10: memref<64x128xf32, #tpu.memory_space<vmem>>, %arg11: memref<64x128xf32, #tpu.memory_space<vmem>>, %arg12: memref<64x128xf32, #tpu.memory_space<vmem>>, %arg13: memref<!tpu.dma_semaphore, #tpu.memory_space<semaphore_mem>>, %arg14: memref<!tpu.dma_semaphore, #tpu.memory_space<semaphore_mem>>, %arg15: memref<!tpu.dma_semaphore, #tpu.memory_space<semaphore_mem>>, %arg16: memref<!tpu.dma_semaphore, #tpu.memory_space<semaphore_mem>>) attributes {dimension_semantics = [#tpu.dimension_semantics<core_parallel>, #tpu.dimension_semantics<subcore_parallel>], iteration_bounds = array<i64: 2, 16>, scalar_prefetch = 0 : i64, scratch_operands = 11 : i64, tpu.core_type = #tpu.core_type<sc_vector_subcore>, window_params = [{transform_indices = #map}, {transform_indices = #map}, {transform_indices = #map}, {transform_indices = #map}]} {
    %mul3A = arith.constant 160 : i32
    %mul3A_0 = arith.muli %arg1, %mul3A : i32
    %broadcast_in_dim3A = arith.constant 0.000000e+00 : f32
    %broadcast_in_dim3A_1 = vector.broadcast %broadcast_in_dim3A : f32 to vector<16xf32>
    %scan3A = arith.constant 0 : i32
    %scan3A_2 = arith.constant 0 : i32
    %scan3A_3 = arith.constant 64 : i32
    %scan3A_4 = arith.addi %scan3A_2, %scan3A_3 : i32
    %scan3A_5 = arith.constant 1 : i32
    %scan3A_6 = scf.for %scan3A_81 = %scan3A_2 to %scan3A_4 step %scan3A_5 iter_args(%scan3A_82 = %scan3A) -> (i32)  : i32 {
      %swap3A = arith.index_cast %scan3A_81 : i32 to index
      %swap3A_83 = arith.constant 0 : index
      %swap3A_84 = tpu.vector_load %arg9[%swap3A, %swap3A_83] {strides = array<i32>} : memref<64x128xf32, #tpu.memory_space<vmem>>, vector<1x16xf32>,
      %swap3A_85 = vector.shape_cast %swap3A_84 : vector<1x16xf32> to vector<16xf32>
      %swap3A_86 = vector.shape_cast %broadcast_in_dim3A_1 : vector<16xf32> to vector<1x16xf32>
      tpu.vector_store %arg9[%swap3A, %swap3A_83], %swap3A_86 {strides = array<i32>} : memref<64x128xf32, #tpu.memory_space<vmem>>, vector<1x16xf32>,
      %swap3A_87 = arith.index_cast %scan3A_81 : i32 to index
      %swap3A_88 = arith.constant 16 : index
      %swap3A_89 = tpu.vector_load %arg9[%swap3A_87, %swap3A_88] {strides = array<i32>} : memref<64x128xf32, #tpu.memory_space<vmem>>, vector<1x16xf32>,
      %swap3A_90 = vector.shape_cast %swap3A_89 : vector<1x16xf32> to vector<16xf32>
      %swap3A_91 = vector.shape_cast %broadcast_in_dim3A_1 : vector<16xf32> to vector<1x16xf32>
      tpu.vector_store %arg9[%swap3A_87, %swap3A_88], %swap3A_91 {strides = array<i32>} : memref<64x128xf32, #tpu.memory_space<vmem>>, vector<1x16xf32>,
      %swap3A_92 = arith.index_cast %scan3A_81 : i32 to index
      %swap3A_93 = arith.constant 32 : index
      %swap3A_94 = tpu.vector_load %arg9[%swap3A_92, %swap3A_93] {strides = array<i32>} : memref<64x128xf32, #tpu.memory_space<vmem>>, vector<1x16xf32>,
      %swap3A_95 = vector.shape_cast %swap3A_94 : vector<1x16xf32> to vector<16xf32>
      %swap3A_96 = vector.shape_cast %broadcast_in_dim3A_1 : vector<16xf32> to vector<1x16xf32>
      tpu.vector_store %arg9[%swap3A_92, %swap3A_93], %swap3A_96 {strides = array<i32>} : memref<64x128xf32, #tpu.memory_space<vmem>>, vector<1x16xf32>,
      %swap3A_97 = arith.index_cast %scan3A_81 : i32 to index
      %swap3A_98 = arith.constant 48 : index
      %swap3A_99 = tpu.vector_load %arg9[%swap3A_97, %swap3A_98] {strides = array<i32>} : memref<64x128xf32, #tpu.memory_space<vmem>>, vector<1x16xf32>,
      %swap3A_100 = vector.shape_cast %swap3A_99 : vector<1x16xf32> to vector<16xf32>
      %swap3A_101 = vector.shape_cast %broadcast_in_dim3A_1 : vector<16xf32> to vector<1x16xf32>
      tpu.vector_store %arg9[%swap3A_97, %swap3A_98], %swap3A_101 {strides = array<i32>} : memref<64x128xf32, #tpu.memory_space<vmem>>, vector<1x16xf32>,
      %swap3A_102 = arith.index_cast %scan3A_81 : i32 to index
      %swap3A_103 = arith.constant 64 : index
      %swap3A_104 = tpu.vector_load %arg9[%swap3A_102, %swap3A_103] {strides = array<i32>} : memref<64x128xf32, #tpu.memory_space<vmem>>, vector<1x16xf32>,
      %swap3A_105 = vector.shape_cast %swap3A_104 : vector<1x16xf32> to vector<16xf32>
      %swap3A_106 = vector.shape_cast %broadcast_in_dim3A_1 : vector<16xf32> to vector<1x16xf32>
      tpu.vector_store %arg9[%swap3A_102, %swap3A_103], %swap3A_106 {strides = array<i32>} : memref<64x128xf32, #tpu.memory_space<vmem>>, vector<1x16xf32>,
      %swap3A_107 = arith.index_cast %scan3A_81 : i32 to index
      %swap3A_108 = arith.constant 80 : index
      %swap3A_109 = tpu.vector_load %arg9[%swap3A_107, %swap3A_108] {strides = array<i32>} : memref<64x128xf32, #tpu.memory_space<vmem>>, vector<1x16xf32>,
      %swap3A_110 = vector.shape_cast %swap3A_109 : vector<1x16xf32> to vector<16xf32>
      %swap3A_111 = vector.shape_cast %broadcast_in_dim3A_1 : vector<16xf32> to vector<1x16xf32>
      tpu.vector_store %arg9[%swap3A_107, %swap3A_108], %swap3A_111 {strides = array<i32>} : memref<64x128xf32, #tpu.memory_space<vmem>>, vector<1x16xf32>,
      %swap3A_112 = arith.index_cast %scan3A_81 : i32 to index
      %swap3A_113 = arith.constant 96 : index
      %swap3A_114 = tpu.vector_load %arg9[%swap3A_112, %swap3A_113] {strides = array<i32>} : memref<64x128xf32, #tpu.memory_space<vmem>>, vector<1x16xf32>,
      %swap3A_115 = vector.shape_cast %swap3A_114 : vector<1x16xf32> to vector<16xf32>
      %swap3A_116 = vector.shape_cast %broadcast_in_dim3A_1 : vector<16xf32> to vector<1x16xf32>
      tpu.vector_store %arg9[%swap3A_112, %swap3A_113], %swap3A_116 {strides = array<i32>} : memref<64x128xf32, #tpu.memory_space<vmem>>, vector<1x16xf32>,
      %swap3A_117 = arith.index_cast %scan3A_81 : i32 to index
      %swap3A_118 = arith.constant 112 : index
      %swap3A_119 = tpu.vector_load %arg9[%swap3A_117, %swap3A_118] {strides = array<i32>} : memref<64x128xf32, #tpu.memory_space<vmem>>, vector<1x16xf32>,
      %swap3A_120 = vector.shape_cast %swap3A_119 : vector<1x16xf32> to vector<16xf32>
      %swap3A_121 = vector.shape_cast %broadcast_in_dim3A_1 : vector<16xf32> to vector<1x16xf32>
      tpu.vector_store %arg9[%swap3A_117, %swap3A_118], %swap3A_121 {strides = array<i32>} : memref<64x128xf32, #tpu.memory_space<vmem>>, vector<1x16xf32>,
      %scan3A_122 = arith.constant 0 : i32
      scf.yield %scan3A_122 : i32
    }
    %scan3A_7 = arith.constant 64 : i32
    %mul3A_8 = arith.constant 10 : i32
    %mul3A_9 = arith.muli %arg1, %mul3A_8 : i32
    %mul3A_10 = arith.constant 64 : i32
    %mul3A_11 = arith.muli %mul3A_9, %mul3A_10 : i32
    %add3A = arith.constant 0 : i32
    %add3A_12 = arith.addi %mul3A_11, %add3A : i32
    "tpu.region"() ({
      %run_scoped3A = tpu.sem_alloc : memref<!tpu.dma_semaphore, #tpu.memory_space<semaphore_mem>>
      %dma_start3A = arith.constant 0 : i32
      %dma_start3A_81 = tpu.memref_slice %arg6[%add3A_12, %dma_start3A] : memref<10240x128xf32, #tpu.memory_space<vmem_shared>> -> memref<64x128xf32, #tpu.memory_space<vmem_shared>>
      %dma_start3A_82 = arith.constant 0 : i32
      %dma_start3A_83 = tpu.memref_slice %arg6[%add3A_12, %dma_start3A_82] : memref<10240x128xf32, #tpu.memory_space<vmem_shared>> -> memref<64x128xf32, #tpu.memory_space<vmem_shared>>
      tpu.enqueue_dma source(%arg9 : memref<64x128xf32, #tpu.memory_space<vmem>>) target(%dma_start3A_83 : memref<64x128xf32, #tpu.memory_space<vmem_shared>>) target_semaphore(%run_scoped3A : memref<!tpu.dma_semaphore, #tpu.memory_space<semaphore_mem>>)
      %dma_wait3A = arith.constant 0 : i32
      %dma_wait3A_84 = tpu.memref_slice %arg6[%add3A_12, %dma_wait3A] : memref<10240x128xf32, #tpu.memory_space<vmem_shared>> -> memref<64x128xf32, #tpu.memory_space<vmem_shared>>
      %dma_wait3A_85 = arith.constant 0 : i32
      %dma_wait3A_86 = tpu.memref_slice %arg6[%add3A_12, %dma_wait3A_85] : memref<10240x128xf32, #tpu.memory_space<vmem_shared>> -> memref<64x128xf32, #tpu.memory_space<vmem_shared>>
      tpu.wait_dma2 semaphore(%run_scoped3A : memref<!tpu.dma_semaphore, #tpu.memory_space<semaphore_mem>>) src(%arg9 : memref<64x128xf32, #tpu.memory_space<vmem>>) dst(%dma_wait3A_86 : memref<64x128xf32, #tpu.memory_space<vmem_shared>>)
      tpu.yield
    }) : () -> ()
    %mul3A_13 = arith.constant 10 : i32
    %mul3A_14 = arith.muli %arg1, %mul3A_13 : i32
    %mul3A_15 = arith.constant 64 : i32
    %mul3A_16 = arith.muli %mul3A_14, %mul3A_15 : i32
    %add3A_17 = arith.constant 64 : i32
    %add3A_18 = arith.addi %mul3A_16, %add3A_17 : i32
    "tpu.region"() ({
      %run_scoped3A = tpu.sem_alloc : memref<!tpu.dma_semaphore, #tpu.memory_space<semaphore_mem>>
      %dma_start3A = arith.constant 0 : i32
      %dma_start3A_81 = tpu.memref_slice %arg6[%add3A_18, %dma_start3A] : memref<10240x128xf32, #tpu.memory_space<vmem_shared>> -> memref<64x128xf32, #tpu.memory_space<vmem_shared>>
      %dma_start3A_82 = arith.constant 0 : i32
      %dma_start3A_83 = tpu.memref_slice %arg6[%add3A_18, %dma_start3A_82] : memref<10240x128xf32, #tpu.memory_space<vmem_shared>> -> memref<64x128xf32, #tpu.memory_space<vmem_shared>>
      tpu.enqueue_dma source(%arg9 : memref<64x128xf32, #tpu.memory_space<vmem>>) target(%dma_start3A_83 : memref<64x128xf32, #tpu.memory_space<vmem_shared>>) target_semaphore(%run_scoped3A : memref<!tpu.dma_semaphore, #tpu.memory_space<semaphore_mem>>)
      %dma_wait3A = arith.constant 0 : i32
      %dma_wait3A_84 = tpu.memref_slice %arg6[%add3A_18, %dma_wait3A] : memref<10240x128xf32, #tpu.memory_space<vmem_shared>> -> memref<64x128xf32, #tpu.memory_space<vmem_shared>>
      %dma_wait3A_85 = arith.constant 0 : i32
      %dma_wait3A_86 = tpu.memref_slice %arg6[%add3A_18, %dma_wait3A_85] : memref<10240x128xf32, #tpu.memory_space<vmem_shared>> -> memref<64x128xf32, #tpu.memory_space<vmem_shared>>
      tpu.wait_dma2 semaphore(%run_scoped3A : memref<!tpu.dma_semaphore, #tpu.memory_space<semaphore_mem>>) src(%arg9 : memref<64x128xf32, #tpu.memory_space<vmem>>) dst(%dma_wait3A_86 : memref<64x128xf32, #tpu.memory_space<vmem_shared>>)
      tpu.yield
    }) : () -> ()
    %mul3A_19 = arith.constant 10 : i32
    %mul3A_20 = arith.muli %arg1, %mul3A_19 : i32
    %mul3A_21 = arith.constant 64 : i32
    %mul3A_22 = arith.muli %mul3A_20, %mul3A_21 : i32
    %add3A_23 = arith.constant 128 : i32
    %add3A_24 = arith.addi %mul3A_22, %add3A_23 : i32
    "tpu.region"() ({
      %run_scoped3A = tpu.sem_alloc : memref<!tpu.dma_semaphore, #tpu.memory_space<semaphore_mem>>
      %dma_start3A = arith.constant 0 : i32
      %dma_start3A_81 = tpu.memref_slice %arg6[%add3A_24, %dma_start3A] : memref<10240x128xf32, #tpu.memory_space<vmem_shared>> -> memref<64x128xf32, #tpu.memory_space<vmem_shared>>
      %dma_start3A_82 = arith.constant 0 : i32
      %dma_start3A_83 = tpu.memref_slice %arg6[%add3A_24, %dma_start3A_82] : memref<10240x128xf32, #tpu.memory_space<vmem_shared>> -> memref<64x128xf32, #tpu.memory_space<vmem_shared>>
      tpu.enqueue_dma source(%arg9 : memref<64x128xf32, #tpu.memory_space<vmem>>) target(%dma_start3A_83 : memref<64x128xf32, #tpu.memory_space<vmem_shared>>) target_semaphore(%run_scoped3A : memref<!tpu.dma_semaphore, #tpu.memory_space<semaphore_mem>>)
      %dma_wait3A = arith.constant 0 : i32
      %dma_wait3A_84 = tpu.memref_slice %arg6[%add3A_24, %dma_wait3A] : memref<10240x128xf32, #tpu.memory_space<vmem_shared>> -> memref<64x128xf32, #tpu.memory_space<vmem_shared>>
      %dma_wait3A_85 = arith.constant 0 : i32
      %dma_wait3A_86 = tpu.memref_slice %arg6[%add3A_24, %dma_wait3A_85] : memref<10240x128xf32, #tpu.memory_space<vmem_shared>> -> memref<64x128xf32, #tpu.memory_space<vmem_shared>>
      tpu.wait_dma2 semaphore(%run_scoped3A : memref<!tpu.dma_semaphore, #tpu.memory_space<semaphore_mem>>) src(%arg9 : memref<64x128xf32, #tpu.memory_space<vmem>>) dst(%dma_wait3A_86 : memref<64x128xf32, #tpu.memory_space<vmem_shared>>)
      tpu.yield
    }) : () -> ()
    %mul3A_25 = arith.constant 10 : i32
    %mul3A_26 = arith.muli %arg1, %mul3A_25 : i32
    %mul3A_27 = arith.constant 64 : i32
    %mul3A_28 = arith.muli %mul3A_26, %mul3A_27 : i32
    %add3A_29 = arith.constant 192 : i32
    %add3A_30 = arith.addi %mul3A_28, %add3A_29 : i32
    "tpu.region"() ({
      %run_scoped3A = tpu.sem_alloc : memref<!tpu.dma_semaphore, #tpu.memory_space<semaphore_mem>>
      %dma_start3A = arith.constant 0 : i32
      %dma_start3A_81 = tpu.memref_slice %arg6[%add3A_30, %dma_start3A] : memref<10240x128xf32, #tpu.memory_space<vmem_shared>> -> memref<64x128xf32, #tpu.memory_space<vmem_shared>>
      %dma_start3A_82 = arith.constant 0 : i32
      %dma_start3A_83 = tpu.memref_slice %arg6[%add3A_30, %dma_start3A_82] : memref<10240x128xf32, #tpu.memory_space<vmem_shared>> -> memref<64x128xf32, #tpu.memory_space<vmem_shared>>
      tpu.enqueue_dma source(%arg9 : memref<64x128xf32, #tpu.memory_space<vmem>>) target(%dma_start3A_83 : memref<64x128xf32, #tpu.memory_space<vmem_shared>>) target_semaphore(%run_scoped3A : memref<!tpu.dma_semaphore, #tpu.memory_space<semaphore_mem>>)
      %dma_wait3A = arith.constant 0 : i32
      %dma_wait3A_84 = tpu.memref_slice %arg6[%add3A_30, %dma_wait3A] : memref<10240x128xf32, #tpu.memory_space<vmem_shared>> -> memref<64x128xf32, #tpu.memory_space<vmem_shared>>
      %dma_wait3A_85 = arith.constant 0 : i32
      %dma_wait3A_86 = tpu.memref_slice %arg6[%add3A_30, %dma_wait3A_85] : memref<10240x128xf32, #tpu.memory_space<vmem_shared>> -> memref<64x128xf32, #tpu.memory_space<vmem_shared>>
      tpu.wait_dma2 semaphore(%run_scoped3A : memref<!tpu.dma_semaphore, #tpu.memory_space<semaphore_mem>>) src(%arg9 : memref<64x128xf32, #tpu.memory_space<vmem>>) dst(%dma_wait3A_86 : memref<64x128xf32, #tpu.memory_space<vmem_shared>>)
      tpu.yield
    }) : () -> ()
    %mul3A_31 = arith.constant 10 : i32
    %mul3A_32 = arith.muli %arg1, %mul3A_31 : i32
    %mul3A_33 = arith.constant 64 : i32
    %mul3A_34 = arith.muli %mul3A_32, %mul3A_33 : i32
    %add3A_35 = arith.constant 256 : i32
    %add3A_36 = arith.addi %mul3A_34, %add3A_35 : i32
    "tpu.region"() ({
      %run_scoped3A = tpu.sem_alloc : memref<!tpu.dma_semaphore, #tpu.memory_space<semaphore_mem>>
      %dma_start3A = arith.constant 0 : i32
      %dma_start3A_81 = tpu.memref_slice %arg6[%add3A_36, %dma_start3A] : memref<10240x128xf32, #tpu.memory_space<vmem_shared>> -> memref<64x128xf32, #tpu.memory_space<vmem_shared>>
      %dma_start3A_82 = arith.constant 0 : i32
      %dma_start3A_83 = tpu.memref_slice %arg6[%add3A_36, %dma_start3A_82] : memref<10240x128xf32, #tpu.memory_space<vmem_shared>> -> memref<64x128xf32, #tpu.memory_space<vmem_shared>>
      tpu.enqueue_dma source(%arg9 : memref<64x128xf32, #tpu.memory_space<vmem>>) target(%dma_start3A_83 : memref<64x128xf32, #tpu.memory_space<vmem_shared>>) target_semaphore(%run_scoped3A : memref<!tpu.dma_semaphore, #tpu.memory_space<semaphore_mem>>)
      %dma_wait3A = arith.constant 0 : i32
      %dma_wait3A_84 = tpu.memref_slice %arg6[%add3A_36, %dma_wait3A] : memref<10240x128xf32, #tpu.memory_space<vmem_shared>> -> memref<64x128xf32, #tpu.memory_space<vmem_shared>>
      %dma_wait3A_85 = arith.constant 0 : i32
      %dma_wait3A_86 = tpu.memref_slice %arg6[%add3A_36, %dma_wait3A_85] : memref<10240x128xf32, #tpu.memory_space<vmem_shared>> -> memref<64x128xf32, #tpu.memory_space<vmem_shared>>
      tpu.wait_dma2 semaphore(%run_scoped3A : memref<!tpu.dma_semaphore, #tpu.memory_space<semaphore_mem>>) src(%arg9 : memref<64x128xf32, #tpu.memory_space<vmem>>) dst(%dma_wait3A_86 : memref<64x128xf32, #tpu.memory_space<vmem_shared>>)
      tpu.yield
    }) : () -> ()
    %mul3A_37 = arith.constant 10 : i32
    %mul3A_38 = arith.muli %arg1, %mul3A_37 : i32
    %mul3A_39 = arith.constant 64 : i32
    %mul3A_40 = arith.muli %mul3A_38, %mul3A_39 : i32
    %add3A_41 = arith.constant 320 : i32
    %add3A_42 = arith.addi %mul3A_40, %add3A_41 : i32
    "tpu.region"() ({
      %run_scoped3A = tpu.sem_alloc : memref<!tpu.dma_semaphore, #tpu.memory_space<semaphore_mem>>
      %dma_start3A = arith.constant 0 : i32
      %dma_start3A_81 = tpu.memref_slice %arg6[%add3A_42, %dma_start3A] : memref<10240x128xf32, #tpu.memory_space<vmem_shared>> -> memref<64x128xf32, #tpu.memory_space<vmem_shared>>
      %dma_start3A_82 = arith.constant 0 : i32
      %dma_start3A_83 = tpu.memref_slice %arg6[%add3A_42, %dma_start3A_82] : memref<10240x128xf32, #tpu.memory_space<vmem_shared>> -> memref<64x128xf32, #tpu.memory_space<vmem_shared>>
      tpu.enqueue_dma source(%arg9 : memref<64x128xf32, #tpu.memory_space<vmem>>) target(%dma_start3A_83 : memref<64x128xf32, #tpu.memory_space<vmem_shared>>) target_semaphore(%run_scoped3A : memref<!tpu.dma_semaphore, #tpu.memory_space<semaphore_mem>>)
      %dma_wait3A = arith.constant 0 : i32
      %dma_wait3A_84 = tpu.memref_slice %arg6[%add3A_42, %dma_wait3A] : memref<10240x128xf32, #tpu.memory_space<vmem_shared>> -> memref<64x128xf32, #tpu.memory_space<vmem_shared>>
      %dma_wait3A_85 = arith.constant 0 : i32
      %dma_wait3A_86 = tpu.memref_slice %arg6[%add3A_42, %dma_wait3A_85] : memref<10240x128xf32, #tpu.memory_space<vmem_shared>> -> memref<64x128xf32, #tpu.memory_space<vmem_shared>>
      tpu.wait_dma2 semaphore(%run_scoped3A : memref<!tpu.dma_semaphore, #tpu.memory_space<semaphore_mem>>) src(%arg9 : memref<64x128xf32, #tpu.memory_space<vmem>>) dst(%dma_wait3A_86 : memref<64x128xf32, #tpu.memory_space<vmem_shared>>)
      tpu.yield
    }) : () -> ()
    %mul3A_43 = arith.constant 10 : i32
    %mul3A_44 = arith.muli %arg1, %mul3A_43 : i32
    %mul3A_45 = arith.constant 64 : i32
    %mul3A_46 = arith.muli %mul3A_44, %mul3A_45 : i32
    %add3A_47 = arith.constant 384 : i32
    %add3A_48 = arith.addi %mul3A_46, %add3A_47 : i32
    "tpu.region"() ({
      %run_scoped3A = tpu.sem_alloc : memref<!tpu.dma_semaphore, #tpu.memory_space<semaphore_mem>>
      %dma_start3A = arith.constant 0 : i32
      %dma_start3A_81 = tpu.memref_slice %arg6[%add3A_48, %dma_start3A] : memref<10240x128xf32, #tpu.memory_space<vmem_shared>> -> memref<64x128xf32, #tpu.memory_space<vmem_shared>>
      %dma_start3A_82 = arith.constant 0 : i32
      %dma_start3A_83 = tpu.memref_slice %arg6[%add3A_48, %dma_start3A_82] : memref<10240x128xf32, #tpu.memory_space<vmem_shared>> -> memref<64x128xf32, #tpu.memory_space<vmem_shared>>
      tpu.enqueue_dma source(%arg9 : memref<64x128xf32, #tpu.memory_space<vmem>>) target(%dma_start3A_83 : memref<64x128xf32, #tpu.memory_space<vmem_shared>>) target_semaphore(%run_scoped3A : memref<!tpu.dma_semaphore, #tpu.memory_space<semaphore_mem>>)
      %dma_wait3A = arith.constant 0 : i32
      %dma_wait3A_84 = tpu.memref_slice %arg6[%add3A_48, %dma_wait3A] : memref<10240x128xf32, #tpu.memory_space<vmem_shared>> -> memref<64x128xf32, #tpu.memory_space<vmem_shared>>
      %dma_wait3A_85 = arith.constant 0 : i32
      %dma_wait3A_86 = tpu.memref_slice %arg6[%add3A_48, %dma_wait3A_85] : memref<10240x128xf32, #tpu.memory_space<vmem_shared>> -> memref<64x128xf32, #tpu.memory_space<vmem_shared>>
      tpu.wait_dma2 semaphore(%run_scoped3A : memref<!tpu.dma_semaphore, #tpu.memory_space<semaphore_mem>>) src(%arg9 : memref<64x128xf32, #tpu.memory_space<vmem>>) dst(%dma_wait3A_86 : memref<64x128xf32, #tpu.memory_space<vmem_shared>>)
      tpu.yield
    }) : () -> ()
    %mul3A_49 = arith.constant 10 : i32
    %mul3A_50 = arith.muli %arg1, %mul3A_49 : i32
    %mul3A_51 = arith.constant 64 : i32
    %mul3A_52 = arith.muli %mul3A_50, %mul3A_51 : i32
    %add3A_53 = arith.constant 448 : i32
    %add3A_54 = arith.addi %mul3A_52, %add3A_53 : i32
    "tpu.region"() ({
      %run_scoped3A = tpu.sem_alloc : memref<!tpu.dma_semaphore, #tpu.memory_space<semaphore_mem>>
      %dma_start3A = arith.constant 0 : i32
      %dma_start3A_81 = tpu.memref_slice %arg6[%add3A_54, %dma_start3A] : memref<10240x128xf32, #tpu.memory_space<vmem_shared>> -> memref<64x128xf32, #tpu.memory_space<vmem_shared>>
      %dma_start3A_82 = arith.constant 0 : i32
      %dma_start3A_83 = tpu.memref_slice %arg6[%add3A_54, %dma_start3A_82] : memref<10240x128xf32, #tpu.memory_space<vmem_shared>> -> memref<64x128xf32, #tpu.memory_space<vmem_shared>>
      tpu.enqueue_dma source(%arg9 : memref<64x128xf32, #tpu.memory_space<vmem>>) target(%dma_start3A_83 : memref<64x128xf32, #tpu.memory_space<vmem_shared>>) target_semaphore(%run_scoped3A : memref<!tpu.dma_semaphore, #tpu.memory_space<semaphore_mem>>)
      %dma_wait3A = arith.constant 0 : i32
      %dma_wait3A_84 = tpu.memref_slice %arg6[%add3A_54, %dma_wait3A] : memref<10240x128xf32, #tpu.memory_space<vmem_shared>> -> memref<64x128xf32, #tpu.memory_space<vmem_shared>>
      %dma_wait3A_85 = arith.constant 0 : i32
      %dma_wait3A_86 = tpu.memref_slice %arg6[%add3A_54, %dma_wait3A_85] : memref<10240x128xf32, #tpu.memory_space<vmem_shared>> -> memref<64x128xf32, #tpu.memory_space<vmem_shared>>
      tpu.wait_dma2 semaphore(%run_scoped3A : memref<!tpu.dma_semaphore, #tpu.memory_space<semaphore_mem>>) src(%arg9 : memref<64x128xf32, #tpu.memory_space<vmem>>) dst(%dma_wait3A_86 : memref<64x128xf32, #tpu.memory_space<vmem_shared>>)
      tpu.yield
    }) : () -> ()
    %mul3A_55 = arith.constant 10 : i32
    %mul3A_56 = arith.muli %arg1, %mul3A_55 : i32
    %mul3A_57 = arith.constant 64 : i32
    %mul3A_58 = arith.muli %mul3A_56, %mul3A_57 : i32
    %add3A_59 = arith.constant 512 : i32
    %add3A_60 = arith.addi %mul3A_58, %add3A_59 : i32
    "tpu.region"() ({
      %run_scoped3A = tpu.sem_alloc : memref<!tpu.dma_semaphore, #tpu.memory_space<semaphore_mem>>
      %dma_start3A = arith.constant 0 : i32
      %dma_start3A_81 = tpu.memref_slice %arg6[%add3A_60, %dma_start3A] : memref<10240x128xf32, #tpu.memory_space<vmem_shared>> -> memref<64x128xf32, #tpu.memory_space<vmem_shared>>
      %dma_start3A_82 = arith.constant 0 : i32
      %dma_start3A_83 = tpu.memref_slice %arg6[%add3A_60, %dma_start3A_82] : memref<10240x128xf32, #tpu.memory_space<vmem_shared>> -> memref<64x128xf32, #tpu.memory_space<vmem_shared>>
      tpu.enqueue_dma source(%arg9 : memref<64x128xf32, #tpu.memory_space<vmem>>) target(%dma_start3A_83 : memref<64x128xf32, #tpu.memory_space<vmem_shared>>) target_semaphore(%run_scoped3A : memref<!tpu.dma_semaphore, #tpu.memory_space<semaphore_mem>>)
      %dma_wait3A = arith.constant 0 : i32
      %dma_wait3A_84 = tpu.memref_slice %arg6[%add3A_60, %dma_wait3A] : memref<10240x128xf32, #tpu.memory_space<vmem_shared>> -> memref<64x128xf32, #tpu.memory_space<vmem_shared>>
      %dma_wait3A_85 = arith.constant 0 : i32
      %dma_wait3A_86 = tpu.memref_slice %arg6[%add3A_60, %dma_wait3A_85] : memref<10240x128xf32, #tpu.memory_space<vmem_shared>> -> memref<64x128xf32, #tpu.memory_space<vmem_shared>>
      tpu.wait_dma2 semaphore(%run_scoped3A : memref<!tpu.dma_semaphore, #tpu.memory_space<semaphore_mem>>) src(%arg9 : memref<64x128xf32, #tpu.memory_space<vmem>>) dst(%dma_wait3A_86 : memref<64x128xf32, #tpu.memory_space<vmem_shared>>)
      tpu.yield
    }) : () -> ()
    %mul3A_61 = arith.constant 10 : i32
    %mul3A_62 = arith.muli %arg1, %mul3A_61 : i32
    %mul3A_63 = arith.constant 64 : i32
    %mul3A_64 = arith.muli %mul3A_62, %mul3A_63 : i32
    %add3A_65 = arith.constant 576 : i32
    %add3A_66 = arith.addi %mul3A_64, %add3A_65 : i32
    "tpu.region"() ({
      %run_scoped3A = tpu.sem_alloc : memref<!tpu.dma_semaphore, #tpu.memory_space<semaphore_mem>>
      %dma_start3A = arith.constant 0 : i32
      %dma_start3A_81 = tpu.memref_slice %arg6[%add3A_66, %dma_start3A] : memref<10240x128xf32, #tpu.memory_space<vmem_shared>> -> memref<64x128xf32, #tpu.memory_space<vmem_shared>>
      %dma_start3A_82 = arith.constant 0 : i32
      %dma_start3A_83 = tpu.memref_slice %arg6[%add3A_66, %dma_start3A_82] : memref<10240x128xf32, #tpu.memory_space<vmem_shared>> -> memref<64x128xf32, #tpu.memory_space<vmem_shared>>
      tpu.enqueue_dma source(%arg9 : memref<64x128xf32, #tpu.memory_space<vmem>>) target(%dma_start3A_83 : memref<64x128xf32, #tpu.memory_space<vmem_shared>>) target_semaphore(%run_scoped3A : memref<!tpu.dma_semaphore, #tpu.memory_space<semaphore_mem>>)
      %dma_wait3A = arith.constant 0 : i32
      %dma_wait3A_84 = tpu.memref_slice %arg6[%add3A_66, %dma_wait3A] : memref<10240x128xf32, #tpu.memory_space<vmem_shared>> -> memref<64x128xf32, #tpu.memory_space<vmem_shared>>
      %dma_wait3A_85 = arith.constant 0 : i32
      %dma_wait3A_86 = tpu.memref_slice %arg6[%add3A_66, %dma_wait3A_85] : memref<10240x128xf32, #tpu.memory_space<vmem_shared>> -> memref<64x128xf32, #tpu.memory_space<vmem_shared>>
      tpu.wait_dma2 semaphore(%run_scoped3A : memref<!tpu.dma_semaphore, #tpu.memory_space<semaphore_mem>>) src(%arg9 : memref<64x128xf32, #tpu.memory_space<vmem>>) dst(%dma_wait3A_86 : memref<64x128xf32, #tpu.memory_space<vmem_shared>>)
      tpu.yield
    }) : () -> ()
    %barrier3A = arith.constant 0 : index
    tpu.barrier barrier_id(%barrier3A)
    %scan3A_67 = arith.constant 0 : i32
    %scan3A_68 = arith.constant 0 : i32
    %scan3A_69 = arith.constant 4 : i32
    %scan3A_70 = arith.addi %scan3A_68, %scan3A_69 : i32
    %scan3A_71 = arith.constant 1 : i32
    %scan3A_72 = scf.for %scan3A_81 = %scan3A_68 to %scan3A_70 step %scan3A_71 iter_args(%scan3A_82 = %scan3A_67) -> (i32)  : i32 {
      %mul3A_83 = arith.constant 40 : i32
      %mul3A_84 = arith.muli %scan3A_81, %mul3A_83 : i32
      %add3A_85 = arith.addi %mul3A_0, %mul3A_84 : i32
      "tpu.region"() ({
        %run_scoped3A_160 = tpu.sem_alloc : memref<!tpu.dma_semaphore, #tpu.memory_space<semaphore_mem>>
        %dma_start3A_161 = arith.constant 0 : i32
        %dma_start3A_162 = tpu.memref_slice %arg2[%add3A_85, %dma_start3A_161] : memref<2560x64xi32, #tpu.memory_space<hbm>> -> memref<40x64xi32, #tpu.memory_space<hbm>>
        %dma_start3A_163 = arith.constant 0 : i32
        %dma_start3A_164 = tpu.memref_slice %arg2[%add3A_85, %dma_start3A_163] : memref<2560x64xi32, #tpu.memory_space<hbm>> -> memref<40x64xi32, #tpu.memory_space<hbm>>
        tpu.enqueue_dma source(%dma_start3A_164 : memref<40x64xi32, #tpu.memory_space<hbm>>) target(%arg7 : memref<40x64xi32, #tpu.memory_space<vmem>>) target_semaphore(%run_scoped3A_160 : memref<!tpu.dma_semaphore, #tpu.memory_space<semaphore_mem>>)
        %dma_wait3A_165 = arith.constant 0 : i32
        %dma_wait3A_166 = tpu.memref_slice %arg2[%add3A_85, %dma_wait3A_165] : memref<2560x64xi32, #tpu.memory_space<hbm>> -> memref<40x64xi32, #tpu.memory_space<hbm>>
        %dma_wait3A_167 = arith.constant 0 : i32
        %dma_wait3A_168 = tpu.memref_slice %arg2[%add3A_85, %dma_wait3A_167] : memref<2560x64xi32, #tpu.memory_space<hbm>> -> memref<40x64xi32, #tpu.memory_space<hbm>>
        tpu.wait_dma2 semaphore(%run_scoped3A_160 : memref<!tpu.dma_semaphore, #tpu.memory_space<semaphore_mem>>) src(%dma_wait3A_168 : memref<40x64xi32, #tpu.memory_space<hbm>>) dst(%arg7 : memref<40x64xi32, #tpu.memory_space<vmem>>)
        tpu.yield
      }) : () -> ()
      "tpu.region"() ({
        %run_scoped3A_160 = tpu.sem_alloc : memref<!tpu.dma_semaphore, #tpu.memory_space<semaphore_mem>>
        %dma_start3A_161 = arith.constant 0 : i32
        %dma_start3A_162 = tpu.memref_slice %arg3[%add3A_85, %dma_start3A_161] : memref<2560x64xi32, #tpu.memory_space<hbm>> -> memref<40x64xi32, #tpu.memory_space<hbm>>
        %dma_start3A_163 = arith.constant 0 : i32
        %dma_start3A_164 = tpu.memref_slice %arg3[%add3A_85, %dma_start3A_163] : memref<2560x64xi32, #tpu.memory_space<hbm>> -> memref<40x64xi32, #tpu.memory_space<hbm>>
        tpu.enqueue_dma source(%dma_start3A_164 : memref<40x64xi32, #tpu.memory_space<hbm>>) target(%arg8 : memref<40x64xi32, #tpu.memory_space<vmem>>) target_semaphore(%run_scoped3A_160 : memref<!tpu.dma_semaphore, #tpu.memory_space<semaphore_mem>>)
        %dma_wait3A_165 = arith.constant 0 : i32
        %dma_wait3A_166 = tpu.memref_slice %arg3[%add3A_85, %dma_wait3A_165] : memref<2560x64xi32, #tpu.memory_space<hbm>> -> memref<40x64xi32, #tpu.memory_space<hbm>>
        %dma_wait3A_167 = arith.constant 0 : i32
        %dma_wait3A_168 = tpu.memref_slice %arg3[%add3A_85, %dma_wait3A_167] : memref<2560x64xi32, #tpu.memory_space<hbm>> -> memref<40x64xi32, #tpu.memory_space<hbm>>
        tpu.wait_dma2 semaphore(%run_scoped3A_160 : memref<!tpu.dma_semaphore, #tpu.memory_space<semaphore_mem>>) src(%dma_wait3A_168 : memref<40x64xi32, #tpu.memory_space<hbm>>) dst(%arg8 : memref<40x64xi32, #tpu.memory_space<vmem>>)
        tpu.yield
      }) : () -> ()
      %mul3A_86 = arith.constant 10000 : i32
      %mul3A_87 = arith.muli %arg0, %mul3A_86 : i32
      %scan3A_88 = arith.constant 0 : i32
      %scan3A_89 = arith.constant 0 : i32
      %scan3A_90 = arith.constant 40 : i32
      %scan3A_91 = arith.addi %scan3A_89, %scan3A_90 : i32
      %scan3A_92 = arith.constant 1 : i32
      %scan3A_93 = scf.for %scan3A_160 = %scan3A_89 to %scan3A_91 step %scan3A_92 iter_args(%scan3A_161 = %scan3A_88) -> (i32)  : i32 {
        %get3A = arith.index_cast %scan3A_160 : i32 to index
        %get3A_162 = arith.constant 0 : index
        %get3A_163 = tpu.vector_load %arg7[%get3A, %get3A_162] {strides = array<i32>} : memref<40x64xi32, #tpu.memory_space<vmem>>, vector<1x16xi32>,
        %get3A_164 = vector.shape_cast %get3A_163 : vector<1x16xi32> to vector<16xi32>
        %add3A_165 = vector.broadcast %mul3A_87 : i32 to vector<16xi32>
        %add3A_166 = arith.addi %get3A_164, %add3A_165 : vector<16xi32>
        %swap3A = arith.index_cast %scan3A_160 : i32 to index
        %swap3A_167 = arith.constant 0 : index
        %swap3A_168 = tpu.vector_load %arg7[%swap3A, %swap3A_167] {strides = array<i32>} : memref<40x64xi32, #tpu.memory_space<vmem>>, vector<1x16xi32>,
        %swap3A_169 = vector.shape_cast %swap3A_168 : vector<1x16xi32> to vector<16xi32>
        %swap3A_170 = vector.shape_cast %add3A_166 : vector<16xi32> to vector<1x16xi32>
        tpu.vector_store %arg7[%swap3A, %swap3A_167], %swap3A_170 {strides = array<i32>} : memref<40x64xi32, #tpu.memory_space<vmem>>, vector<1x16xi32>,
        %get3A_171 = arith.index_cast %scan3A_160 : i32 to index
        %get3A_172 = arith.constant 16 : index
        %get3A_173 = tpu.vector_load %arg7[%get3A_171, %get3A_172] {strides = array<i32>} : memref<40x64xi32, #tpu.memory_space<vmem>>, vector<1x16xi32>,
        %get3A_174 = vector.shape_cast %get3A_173 : vector<1x16xi32> to vector<16xi32>
        %add3A_175 = vector.broadcast %mul3A_87 : i32 to vector<16xi32>
        %add3A_176 = arith.addi %get3A_174, %add3A_175 : vector<16xi32>
        %swap3A_177 = arith.index_cast %scan3A_160 : i32 to index
        %swap3A_178 = arith.constant 16 : index
        %swap3A_179 = tpu.vector_load %arg7[%swap3A_177, %swap3A_178] {strides = array<i32>} : memref<40x64xi32, #tpu.memory_space<vmem>>, vector<1x16xi32>,
        %swap3A_180 = vector.shape_cast %swap3A_179 : vector<1x16xi32> to vector<16xi32>
        %swap3A_181 = vector.shape_cast %add3A_176 : vector<16xi32> to vector<1x16xi32>
        tpu.vector_store %arg7[%swap3A_177, %swap3A_178], %swap3A_181 {strides = array<i32>} : memref<40x64xi32, #tpu.memory_space<vmem>>, vector<1x16xi32>,
        %get3A_182 = arith.index_cast %scan3A_160 : i32 to index
        %get3A_183 = arith.constant 32 : index
        %get3A_184 = tpu.vector_load %arg7[%get3A_182, %get3A_183] {strides = array<i32>} : memref<40x64xi32, #tpu.memory_space<vmem>>, vector<1x16xi32>,
        %get3A_185 = vector.shape_cast %get3A_184 : vector<1x16xi32> to vector<16xi32>
        %add3A_186 = vector.broadcast %mul3A_87 : i32 to vector<16xi32>
        %add3A_187 = arith.addi %get3A_185, %add3A_186 : vector<16xi32>
        %swap3A_188 = arith.index_cast %scan3A_160 : i32 to index
        %swap3A_189 = arith.constant 32 : index
        %swap3A_190 = tpu.vector_load %arg7[%swap3A_188, %swap3A_189] {strides = array<i32>} : memref<40x64xi32, #tpu.memory_space<vmem>>, vector<1x16xi32>,
        %swap3A_191 = vector.shape_cast %swap3A_190 : vector<1x16xi32> to vector<16xi32>
        %swap3A_192 = vector.shape_cast %add3A_187 : vector<16xi32> to vector<1x16xi32>
        tpu.vector_store %arg7[%swap3A_188, %swap3A_189], %swap3A_192 {strides = array<i32>} : memref<40x64xi32, #tpu.memory_space<vmem>>, vector<1x16xi32>,
        %get3A_193 = arith.index_cast %scan3A_160 : i32 to index
        %get3A_194 = arith.constant 48 : index
        %get3A_195 = tpu.vector_load %arg7[%get3A_193, %get3A_194] {strides = array<i32>} : memref<40x64xi32, #tpu.memory_space<vmem>>, vector<1x16xi32>,
        %get3A_196 = vector.shape_cast %get3A_195 : vector<1x16xi32> to vector<16xi32>
        %add3A_197 = vector.broadcast %mul3A_87 : i32 to vector<16xi32>
        %add3A_198 = arith.addi %get3A_196, %add3A_197 : vector<16xi32>
        %swap3A_199 = arith.index_cast %scan3A_160 : i32 to index
        %swap3A_200 = arith.constant 48 : index
        %swap3A_201 = tpu.vector_load %arg7[%swap3A_199, %swap3A_200] {strides = array<i32>} : memref<40x64xi32, #tpu.memory_space<vmem>>, vector<1x16xi32>,
        %swap3A_202 = vector.shape_cast %swap3A_201 : vector<1x16xi32> to vector<16xi32>
        %swap3A_203 = vector.shape_cast %add3A_198 : vector<16xi32> to vector<1x16xi32>
        tpu.vector_store %arg7[%swap3A_199, %swap3A_200], %swap3A_203 {strides = array<i32>} : memref<40x64xi32, #tpu.memory_space<vmem>>, vector<1x16xi32>,
        %scan3A_204 = arith.constant 0 : i32
        scf.yield %scan3A_204 : i32
      }
      %scan3A_94 = arith.constant 40 : i32
      %dma_start3A = arith.constant 0 : i32
      %dma_start3A_95 = arith.constant 0 : i32
      %dma_start3A_96 = tpu.memref_slice %arg7[%dma_start3A, %dma_start3A_95] : memref<40x64xi32, #tpu.memory_space<vmem>> -> memref<1x64xi32, #tpu.memory_space<vmem>>
      %dma_start3A_97 = tpu.memref_squeeze %dma_start3A_96 : memref<1x64xi32, #tpu.memory_space<vmem>> -> memref<64xi32, #tpu.memory_space<vmem>>
      %dma_start3A_98 = arith.constant 0 : i32
      %dma_start3A_99 = arith.constant 0 : i32
      %dma_start3A_100 = tpu.memref_slice %arg4[%dma_start3A_98, %dma_start3A_99] : memref<20000x128xf32, #tpu.memory_space<hbm>> -> memref<20000x128xf32, #tpu.memory_space<hbm>>
      tpu.enqueue_indirect_dma source(%dma_start3A_100 : memref<20000x128xf32, #tpu.memory_space<hbm>>) target(%arg9 : memref<64x128xf32, #tpu.memory_space<vmem>>) offsets(%dma_start3A_97 : memref<64xi32, #tpu.memory_space<vmem>>) semaphore(%arg13 : memref<!tpu.dma_semaphore, #tpu.memory_space<semaphore_mem>>)
      %dma_start3A_101 = arith.constant 1 : i32
      %dma_start3A_102 = arith.constant 0 : i32
      %dma_start3A_103 = tpu.memref_slice %arg7[%dma_start3A_101, %dma_start3A_102] : memref<40x64xi32, #tpu.memory_space<vmem>> -> memref<1x64xi32, #tpu.memory_space<vmem>>
      %dma_start3A_104 = tpu.memref_squeeze %dma_start3A_103 : memref<1x64xi32, #tpu.memory_space<vmem>> -> memref<64xi32, #tpu.memory_space<vmem>>
      %dma_start3A_105 = arith.constant 0 : i32
      %dma_start3A_106 = arith.constant 0 : i32
      %dma_start3A_107 = tpu.memref_slice %arg4[%dma_start3A_105, %dma_start3A_106] : memref<20000x128xf32, #tpu.memory_space<hbm>> -> memref<20000x128xf32, #tpu.memory_space<hbm>>
      tpu.enqueue_indirect_dma source(%dma_start3A_107 : memref<20000x128xf32, #tpu.memory_space<hbm>>) target(%arg10 : memref<64x128xf32, #tpu.memory_space<vmem>>) offsets(%dma_start3A_104 : memref<64xi32, #tpu.memory_space<vmem>>) semaphore(%arg14 : memref<!tpu.dma_semaphore, #tpu.memory_space<semaphore_mem>>)
      %dma_start3A_108 = arith.constant 2 : i32
      %dma_start3A_109 = arith.constant 0 : i32
      %dma_start3A_110 = tpu.memref_slice %arg7[%dma_start3A_108, %dma_start3A_109] : memref<40x64xi32, #tpu.memory_space<vmem>> -> memref<1x64xi32, #tpu.memory_space<vmem>>
      %dma_start3A_111 = tpu.memref_squeeze %dma_start3A_110 : memref<1x64xi32, #tpu.memory_space<vmem>> -> memref<64xi32, #tpu.memory_space<vmem>>
      %dma_start3A_112 = arith.constant 0 : i32
      %dma_start3A_113 = arith.constant 0 : i32
      %dma_start3A_114 = tpu.memref_slice %arg4[%dma_start3A_112, %dma_start3A_113] : memref<20000x128xf32, #tpu.memory_space<hbm>> -> memref<20000x128xf32, #tpu.memory_space<hbm>>
      tpu.enqueue_indirect_dma source(%dma_start3A_114 : memref<20000x128xf32, #tpu.memory_space<hbm>>) target(%arg11 : memref<64x128xf32, #tpu.memory_space<vmem>>) offsets(%dma_start3A_111 : memref<64xi32, #tpu.memory_space<vmem>>) semaphore(%arg15 : memref<!tpu.dma_semaphore, #tpu.memory_space<semaphore_mem>>)
      %dma_start3A_115 = arith.constant 3 : i32
      %dma_start3A_116 = arith.constant 0 : i32
      %dma_start3A_117 = tpu.memref_slice %arg7[%dma_start3A_115, %dma_start3A_116] : memref<40x64xi32, #tpu.memory_space<vmem>> -> memref<1x64xi32, #tpu.memory_space<vmem>>
      %dma_start3A_118 = tpu.memref_squeeze %dma_start3A_117 : memref<1x64xi32, #tpu.memory_space<vmem>> -> memref<64xi32, #tpu.memory_space<vmem>>
      %dma_start3A_119 = arith.constant 0 : i32
      %dma_start3A_120 = arith.constant 0 : i32
      %dma_start3A_121 = tpu.memref_slice %arg4[%dma_start3A_119, %dma_start3A_120] : memref<20000x128xf32, #tpu.memory_space<hbm>> -> memref<20000x128xf32, #tpu.memory_space<hbm>>
      tpu.enqueue_indirect_dma source(%dma_start3A_121 : memref<20000x128xf32, #tpu.memory_space<hbm>>) target(%arg12 : memref<64x128xf32, #tpu.memory_space<vmem>>) offsets(%dma_start3A_118 : memref<64xi32, #tpu.memory_space<vmem>>) semaphore(%arg16 : memref<!tpu.dma_semaphore, #tpu.memory_space<semaphore_mem>>)
      %scan3A_122 = arith.constant 0 : i32
      %scan3A_123 = arith.constant 0 : i32
      %scan3A_124 = arith.constant 9 : i32
      %scan3A_125 = arith.addi %scan3A_123, %scan3A_124 : i32
      %scan3A_126 = arith.constant 1 : i32
      %scan3A_127 = scf.for %scan3A_160 = %scan3A_123 to %scan3A_125 step %scan3A_126 iter_args(%scan3A_161 = %scan3A_122) -> (i32)  : i32 {
        %mul3A_162 = arith.constant 4 : i32
        %mul3A_163 = arith.muli %mul3A_162, %scan3A_160 : i32
        %add3A_164 = arith.constant 0 : i32
        %add3A_165 = arith.addi %mul3A_163, %add3A_164 : i32
        %dma_wait3A_166 = arith.constant 0 : i32
        %dma_wait3A_167 = arith.constant 0 : i32
        %dma_wait3A_168 = tpu.memref_slice %arg7[%dma_wait3A_166, %dma_wait3A_167] : memref<40x64xi32, #tpu.memory_space<vmem>> -> memref<1x64xi32, #tpu.memory_space<vmem>>
        %dma_wait3A_169 = tpu.memref_squeeze %dma_wait3A_168 : memref<1x64xi32, #tpu.memory_space<vmem>> -> memref<64xi32, #tpu.memory_space<vmem>>
        %dma_wait3A_170 = arith.constant 0 : i32
        %dma_wait3A_171 = arith.constant 0 : i32
        %dma_wait3A_172 = tpu.memref_slice %arg4[%dma_wait3A_170, %dma_wait3A_171] : memref<20000x128xf32, #tpu.memory_space<hbm>> -> memref<20000x128xf32, #tpu.memory_space<hbm>>
        tpu.wait_indirect_dma semaphore(%arg13 : memref<!tpu.dma_semaphore, #tpu.memory_space<semaphore_mem>>) src(%dma_wait3A_172 : memref<20000x128xf32, #tpu.memory_space<hbm>>) dst(%arg9 : memref<64x128xf32, #tpu.memory_space<vmem>>)
        "tpu.region"() ({
          %run_scoped3A_239 = tpu.sem_alloc : memref<!tpu.dma_semaphore, #tpu.memory_space<semaphore_mem>>
          %dma_start3A_240 = arith.constant 0 : i32
          %dma_start3A_241 = tpu.memref_slice %arg8[%add3A_165, %dma_start3A_240] : memref<40x64xi32, #tpu.memory_space<vmem>> -> memref<1x64xi32, #tpu.memory_space<vmem>>
          %dma_start3A_242 = tpu.memref_squeeze %dma_start3A_241 : memref<1x64xi32, #tpu.memory_space<vmem>> -> memref<64xi32, #tpu.memory_space<vmem>>
          %dma_start3A_243 = arith.constant 0 : i32
          %dma_start3A_244 = arith.constant 0 : i32
          %dma_start3A_245 = tpu.memref_slice %arg6[%dma_start3A_243, %dma_start3A_244] : memref<10240x128xf32, #tpu.memory_space<vmem_shared>> -> memref<10240x128xf32, #tpu.memory_space<vmem_shared>>
          tpu.enqueue_indirect_dma source(%arg9 : memref<64x128xf32, #tpu.memory_space<vmem>>) target(%dma_start3A_245 : memref<10240x128xf32, #tpu.memory_space<vmem_shared>>) offsets(%dma_start3A_242 : memref<64xi32, #tpu.memory_space<vmem>>) semaphore(%run_scoped3A_239 : memref<!tpu.dma_semaphore, #tpu.memory_space<semaphore_mem>>) {add = true}
          %dma_wait3A_246 = arith.constant 0 : i32
          %dma_wait3A_247 = tpu.memref_slice %arg8[%add3A_165, %dma_wait3A_246] : memref<40x64xi32, #tpu.memory_space<vmem>> -> memref<1x64xi32, #tpu.memory_space<vmem>>
          %dma_wait3A_248 = tpu.memref_squeeze %dma_wait3A_247 : memref<1x64xi32, #tpu.memory_space<vmem>> -> memref<64xi32, #tpu.memory_space<vmem>>
          %dma_wait3A_249 = arith.constant 0 : i32
          %dma_wait3A_250 = arith.constant 0 : i32
          %dma_wait3A_251 = tpu.memref_slice %arg6[%dma_wait3A_249, %dma_wait3A_250] : memref<10240x128xf32, #tpu.memory_space<vmem_shared>> -> memref<10240x128xf32, #tpu.memory_space<vmem_shared>>
          tpu.wait_indirect_dma semaphore(%run_scoped3A_239 : memref<!tpu.dma_semaphore, #tpu.memory_space<semaphore_mem>>) src(%arg9 : memref<64x128xf32, #tpu.memory_space<vmem>>) dst(%dma_wait3A_251 : memref<10240x128xf32, #tpu.memory_space<vmem_shared>>)
          tpu.yield
        }) : () -> ()
        %add3A_173 = arith.constant 4 : i32
        %add3A_174 = arith.addi %add3A_165, %add3A_173 : i32
        %dma_start3A_175 = arith.constant 0 : i32
        %dma_start3A_176 = tpu.memref_slice %arg7[%add3A_174, %dma_start3A_175] : memref<40x64xi32, #tpu.memory_space<vmem>> -> memref<1x64xi32, #tpu.memory_space<vmem>>
        %dma_start3A_177 = tpu.memref_squeeze %dma_start3A_176 : memref<1x64xi32, #tpu.memory_space<vmem>> -> memref<64xi32, #tpu.memory_space<vmem>>
        %dma_start3A_178 = arith.constant 0 : i32
        %dma_start3A_179 = arith.constant 0 : i32
        %dma_start3A_180 = tpu.memref_slice %arg4[%dma_start3A_178, %dma_start3A_179] : memref<20000x128xf32, #tpu.memory_space<hbm>> -> memref<20000x128xf32, #tpu.memory_space<hbm>>
        tpu.enqueue_indirect_dma source(%dma_start3A_180 : memref<20000x128xf32, #tpu.memory_space<hbm>>) target(%arg9 : memref<64x128xf32, #tpu.memory_space<vmem>>) offsets(%dma_start3A_177 : memref<64xi32, #tpu.memory_space<vmem>>) semaphore(%arg13 : memref<!tpu.dma_semaphore, #tpu.memory_space<semaphore_mem>>)
        %mul3A_181 = arith.constant 4 : i32
        %mul3A_182 = arith.muli %mul3A_181, %scan3A_160 : i32
        %add3A_183 = arith.constant 1 : i32
        %add3A_184 = arith.addi %mul3A_182, %add3A_183 : i32
        %dma_wait3A_185 = arith.constant 0 : i32
        %dma_wait3A_186 = arith.constant 0 : i32
        %dma_wait3A_187 = tpu.memref_slice %arg7[%dma_wait3A_185, %dma_wait3A_186] : memref<40x64xi32, #tpu.memory_space<vmem>> -> memref<1x64xi32, #tpu.memory_space<vmem>>
        %dma_wait3A_188 = tpu.memref_squeeze %dma_wait3A_187 : memref<1x64xi32, #tpu.memory_space<vmem>> -> memref<64xi32, #tpu.memory_space<vmem>>
        %dma_wait3A_189 = arith.constant 0 : i32
        %dma_wait3A_190 = arith.constant 0 : i32
        %dma_wait3A_191 = tpu.memref_slice %arg4[%dma_wait3A_189, %dma_wait3A_190] : memref<20000x128xf32, #tpu.memory_space<hbm>> -> memref<20000x128xf32, #tpu.memory_space<hbm>>
        tpu.wait_indirect_dma semaphore(%arg14 : memref<!tpu.dma_semaphore, #tpu.memory_space<semaphore_mem>>) src(%dma_wait3A_191 : memref<20000x128xf32, #tpu.memory_space<hbm>>) dst(%arg10 : memref<64x128xf32, #tpu.memory_space<vmem>>)
        "tpu.region"() ({
          %run_scoped3A_239 = tpu.sem_alloc : memref<!tpu.dma_semaphore, #tpu.memory_space<semaphore_mem>>
          %dma_start3A_240 = arith.constant 0 : i32
          %dma_start3A_241 = tpu.memref_slice %arg8[%add3A_184, %dma_start3A_240] : memref<40x64xi32, #tpu.memory_space<vmem>> -> memref<1x64xi32, #tpu.memory_space<vmem>>
          %dma_start3A_242 = tpu.memref_squeeze %dma_start3A_241 : memref<1x64xi32, #tpu.memory_space<vmem>> -> memref<64xi32, #tpu.memory_space<vmem>>
          %dma_start3A_243 = arith.constant 0 : i32
          %dma_start3A_244 = arith.constant 0 : i32
          %dma_start3A_245 = tpu.memref_slice %arg6[%dma_start3A_243, %dma_start3A_244] : memref<10240x128xf32, #tpu.memory_space<vmem_shared>> -> memref<10240x128xf32, #tpu.memory_space<vmem_shared>>
          tpu.enqueue_indirect_dma source(%arg10 : memref<64x128xf32, #tpu.memory_space<vmem>>) target(%dma_start3A_245 : memref<10240x128xf32, #tpu.memory_space<vmem_shared>>) offsets(%dma_start3A_242 : memref<64xi32, #tpu.memory_space<vmem>>) semaphore(%run_scoped3A_239 : memref<!tpu.dma_semaphore, #tpu.memory_space<semaphore_mem>>) {add = true}
          %dma_wait3A_246 = arith.constant 0 : i32
          %dma_wait3A_247 = tpu.memref_slice %arg8[%add3A_184, %dma_wait3A_246] : memref<40x64xi32, #tpu.memory_space<vmem>> -> memref<1x64xi32, #tpu.memory_space<vmem>>
          %dma_wait3A_248 = tpu.memref_squeeze %dma_wait3A_247 : memref<1x64xi32, #tpu.memory_space<vmem>> -> memref<64xi32, #tpu.memory_space<vmem>>
          %dma_wait3A_249 = arith.constant 0 : i32
          %dma_wait3A_250 = arith.constant 0 : i32
          %dma_wait3A_251 = tpu.memref_slice %arg6[%dma_wait3A_249, %dma_wait3A_250] : memref<10240x128xf32, #tpu.memory_space<vmem_shared>> -> memref<10240x128xf32, #tpu.memory_space<vmem_shared>>
          tpu.wait_indirect_dma semaphore(%run_scoped3A_239 : memref<!tpu.dma_semaphore, #tpu.memory_space<semaphore_mem>>) src(%arg10 : memref<64x128xf32, #tpu.memory_space<vmem>>) dst(%dma_wait3A_251 : memref<10240x128xf32, #tpu.memory_space<vmem_shared>>)
          tpu.yield
        }) : () -> ()
        %add3A_192 = arith.constant 4 : i32
        %add3A_193 = arith.addi %add3A_184, %add3A_192 : i32
        %dma_start3A_194 = arith.constant 0 : i32
        %dma_start3A_195 = tpu.memref_slice %arg7[%add3A_193, %dma_start3A_194] : memref<40x64xi32, #tpu.memory_space<vmem>> -> memref<1x64xi32, #tpu.memory_space<vmem>>
        %dma_start3A_196 = tpu.memref_squeeze %dma_start3A_195 : memref<1x64xi32, #tpu.memory_space<vmem>> -> memref<64xi32, #tpu.memory_space<vmem>>
        %dma_start3A_197 = arith.constant 0 : i32
        %dma_start3A_198 = arith.constant 0 : i32
        %dma_start3A_199 = tpu.memref_slice %arg4[%dma_start3A_197, %dma_start3A_198] : memref<20000x128xf32, #tpu.memory_space<hbm>> -> memref<20000x128xf32, #tpu.memory_space<hbm>>
        tpu.enqueue_indirect_dma source(%dma_start3A_199 : memref<20000x128xf32, #tpu.memory_space<hbm>>) target(%arg10 : memref<64x128xf32, #tpu.memory_space<vmem>>) offsets(%dma_start3A_196 : memref<64xi32, #tpu.memory_space<vmem>>) semaphore(%arg14 : memref<!tpu.dma_semaphore, #tpu.memory_space<semaphore_mem>>)
        %mul3A_200 = arith.constant 4 : i32
        %mul3A_201 = arith.muli %mul3A_200, %scan3A_160 : i32
        %add3A_202 = arith.constant 2 : i32
        %add3A_203 = arith.addi %mul3A_201, %add3A_202 : i32
        %dma_wait3A_204 = arith.constant 0 : i32
        %dma_wait3A_205 = arith.constant 0 : i32
        %dma_wait3A_206 = tpu.memref_slice %arg7[%dma_wait3A_204, %dma_wait3A_205] : memref<40x64xi32, #tpu.memory_space<vmem>> -> memref<1x64xi32, #tpu.memory_space<vmem>>
        %dma_wait3A_207 = tpu.memref_squeeze %dma_wait3A_206 : memref<1x64xi32, #tpu.memory_space<vmem>> -> memref<64xi32, #tpu.memory_space<vmem>>
        %dma_wait3A_208 = arith.constant 0 : i32
        %dma_wait3A_209 = arith.constant 0 : i32
        %dma_wait3A_210 = tpu.memref_slice %arg4[%dma_wait3A_208, %dma_wait3A_209] : memref<20000x128xf32, #tpu.memory_space<hbm>> -> memref<20000x128xf32, #tpu.memory_space<hbm>>
        tpu.wait_indirect_dma semaphore(%arg15 : memref<!tpu.dma_semaphore, #tpu.memory_space<semaphore_mem>>) src(%dma_wait3A_210 : memref<20000x128xf32, #tpu.memory_space<hbm>>) dst(%arg11 : memref<64x128xf32, #tpu.memory_space<vmem>>)
        "tpu.region"() ({
          %run_scoped3A_239 = tpu.sem_alloc : memref<!tpu.dma_semaphore, #tpu.memory_space<semaphore_mem>>
          %dma_start3A_240 = arith.constant 0 : i32
          %dma_start3A_241 = tpu.memref_slice %arg8[%add3A_203, %dma_start3A_240] : memref<40x64xi32, #tpu.memory_space<vmem>> -> memref<1x64xi32, #tpu.memory_space<vmem>>
          %dma_start3A_242 = tpu.memref_squeeze %dma_start3A_241 : memref<1x64xi32, #tpu.memory_space<vmem>> -> memref<64xi32, #tpu.memory_space<vmem>>
          %dma_start3A_243 = arith.constant 0 : i32
          %dma_start3A_244 = arith.constant 0 : i32
          %dma_start3A_245 = tpu.memref_slice %arg6[%dma_start3A_243, %dma_start3A_244] : memref<10240x128xf32, #tpu.memory_space<vmem_shared>> -> memref<10240x128xf32, #tpu.memory_space<vmem_shared>>
          tpu.enqueue_indirect_dma source(%arg11 : memref<64x128xf32, #tpu.memory_space<vmem>>) target(%dma_start3A_245 : memref<10240x128xf32, #tpu.memory_space<vmem_shared>>) offsets(%dma_start3A_242 : memref<64xi32, #tpu.memory_space<vmem>>) semaphore(%run_scoped3A_239 : memref<!tpu.dma_semaphore, #tpu.memory_space<semaphore_mem>>) {add = true}
          %dma_wait3A_246 = arith.constant 0 : i32
          %dma_wait3A_247 = tpu.memref_slice %arg8[%add3A_203, %dma_wait3A_246] : memref<40x64xi32, #tpu.memory_space<vmem>> -> memref<1x64xi32, #tpu.memory_space<vmem>>
          %dma_wait3A_248 = tpu.memref_squeeze %dma_wait3A_247 : memref<1x64xi32, #tpu.memory_space<vmem>> -> memref<64xi32, #tpu.memory_space<vmem>>
          %dma_wait3A_249 = arith.constant 0 : i32
          %dma_wait3A_250 = arith.constant 0 : i32
          %dma_wait3A_251 = tpu.memref_slice %arg6[%dma_wait3A_249, %dma_wait3A_250] : memref<10240x128xf32, #tpu.memory_space<vmem_shared>> -> memref<10240x128xf32, #tpu.memory_space<vmem_shared>>
          tpu.wait_indirect_dma semaphore(%run_scoped3A_239 : memref<!tpu.dma_semaphore, #tpu.memory_space<semaphore_mem>>) src(%arg11 : memref<64x128xf32, #tpu.memory_space<vmem>>) dst(%dma_wait3A_251 : memref<10240x128xf32, #tpu.memory_space<vmem_shared>>)
          tpu.yield
        }) : () -> ()
        %add3A_211 = arith.constant 4 : i32
        %add3A_212 = arith.addi %add3A_203, %add3A_211 : i32
        %dma_start3A_213 = arith.constant 0 : i32
        %dma_start3A_214 = tpu.memref_slice %arg7[%add3A_212, %dma_start3A_213] : memref<40x64xi32, #tpu.memory_space<vmem>> -> memref<1x64xi32, #tpu.memory_space<vmem>>
        %dma_start3A_215 = tpu.memref_squeeze %dma_start3A_214 : memref<1x64xi32, #tpu.memory_space<vmem>> -> memref<64xi32, #tpu.memory_space<vmem>>
        %dma_start3A_216 = arith.constant 0 : i32
        %dma_start3A_217 = arith.constant 0 : i32
        %dma_start3A_218 = tpu.memref_slice %arg4[%dma_start3A_216, %dma_start3A_217] : memref<20000x128xf32, #tpu.memory_space<hbm>> -> memref<20000x128xf32, #tpu.memory_space<hbm>>
        tpu.enqueue_indirect_dma source(%dma_start3A_218 : memref<20000x128xf32, #tpu.memory_space<hbm>>) target(%arg11 : memref<64x128xf32, #tpu.memory_space<vmem>>) offsets(%dma_start3A_215 : memref<64xi32, #tpu.memory_space<vmem>>) semaphore(%arg15 : memref<!tpu.dma_semaphore, #tpu.memory_space<semaphore_mem>>)
        %mul3A_219 = arith.constant 4 : i32
        %mul3A_220 = arith.muli %mul3A_219, %scan3A_160 : i32
        %add3A_221 = arith.constant 3 : i32
        %add3A_222 = arith.addi %mul3A_220, %add3A_221 : i32
        %dma_wait3A_223 = arith.constant 0 : i32
        %dma_wait3A_224 = arith.constant 0 : i32
        %dma_wait3A_225 = tpu.memref_slice %arg7[%dma_wait3A_223, %dma_wait3A_224] : memref<40x64xi32, #tpu.memory_space<vmem>> -> memref<1x64xi32, #tpu.memory_space<vmem>>
        %dma_wait3A_226 = tpu.memref_squeeze %dma_wait3A_225 : memref<1x64xi32, #tpu.memory_space<vmem>> -> memref<64xi32, #tpu.memory_space<vmem>>
        %dma_wait3A_227 = arith.constant 0 : i32
        %dma_wait3A_228 = arith.constant 0 : i32
        %dma_wait3A_229 = tpu.memref_slice %arg4[%dma_wait3A_227, %dma_wait3A_228] : memref<20000x128xf32, #tpu.memory_space<hbm>> -> memref<20000x128xf32, #tpu.memory_space<hbm>>
        tpu.wait_indirect_dma semaphore(%arg16 : memref<!tpu.dma_semaphore, #tpu.memory_space<semaphore_mem>>) src(%dma_wait3A_229 : memref<20000x128xf32, #tpu.memory_space<hbm>>) dst(%arg12 : memref<64x128xf32, #tpu.memory_space<vmem>>)
        "tpu.region"() ({
          %run_scoped3A_239 = tpu.sem_alloc : memref<!tpu.dma_semaphore, #tpu.memory_space<semaphore_mem>>
          %dma_start3A_240 = arith.constant 0 : i32
          %dma_start3A_241 = tpu.memref_slice %arg8[%add3A_222, %dma_start3A_240] : memref<40x64xi32, #tpu.memory_space<vmem>> -> memref<1x64xi32, #tpu.memory_space<vmem>>
          %dma_start3A_242 = tpu.memref_squeeze %dma_start3A_241 : memref<1x64xi32, #tpu.memory_space<vmem>> -> memref<64xi32, #tpu.memory_space<vmem>>
          %dma_start3A_243 = arith.constant 0 : i32
          %dma_start3A_244 = arith.constant 0 : i32
          %dma_start3A_245 = tpu.memref_slice %arg6[%dma_start3A_243, %dma_start3A_244] : memref<10240x128xf32, #tpu.memory_space<vmem_shared>> -> memref<10240x128xf32, #tpu.memory_space<vmem_shared>>
          tpu.enqueue_indirect_dma source(%arg12 : memref<64x128xf32, #tpu.memory_space<vmem>>) target(%dma_start3A_245 : memref<10240x128xf32, #tpu.memory_space<vmem_shared>>) offsets(%dma_start3A_242 : memref<64xi32, #tpu.memory_space<vmem>>) semaphore(%run_scoped3A_239 : memref<!tpu.dma_semaphore, #tpu.memory_space<semaphore_mem>>) {add = true}
          %dma_wait3A_246 = arith.constant 0 : i32
          %dma_wait3A_247 = tpu.memref_slice %arg8[%add3A_222, %dma_wait3A_246] : memref<40x64xi32, #tpu.memory_space<vmem>> -> memref<1x64xi32, #tpu.memory_space<vmem>>
          %dma_wait3A_248 = tpu.memref_squeeze %dma_wait3A_247 : memref<1x64xi32, #tpu.memory_space<vmem>> -> memref<64xi32, #tpu.memory_space<vmem>>
          %dma_wait3A_249 = arith.constant 0 : i32
          %dma_wait3A_250 = arith.constant 0 : i32
          %dma_wait3A_251 = tpu.memref_slice %arg6[%dma_wait3A_249, %dma_wait3A_250] : memref<10240x128xf32, #tpu.memory_space<vmem_shared>> -> memref<10240x128xf32, #tpu.memory_space<vmem_shared>>
          tpu.wait_indirect_dma semaphore(%run_scoped3A_239 : memref<!tpu.dma_semaphore, #tpu.memory_space<semaphore_mem>>) src(%arg12 : memref<64x128xf32, #tpu.memory_space<vmem>>) dst(%dma_wait3A_251 : memref<10240x128xf32, #tpu.memory_space<vmem_shared>>)
          tpu.yield
        }) : () -> ()
        %add3A_230 = arith.constant 4 : i32
        %add3A_231 = arith.addi %add3A_222, %add3A_230 : i32
        %dma_start3A_232 = arith.constant 0 : i32
        %dma_start3A_233 = tpu.memref_slice %arg7[%add3A_231, %dma_start3A_232] : memref<40x64xi32, #tpu.memory_space<vmem>> -> memref<1x64xi32, #tpu.memory_space<vmem>>
        %dma_start3A_234 = tpu.memref_squeeze %dma_start3A_233 : memref<1x64xi32, #tpu.memory_space<vmem>> -> memref<64xi32, #tpu.memory_space<vmem>>
        %dma_start3A_235 = arith.constant 0 : i32
        %dma_start3A_236 = arith.constant 0 : i32
        %dma_start3A_237 = tpu.memref_slice %arg4[%dma_start3A_235, %dma_start3A_236] : memref<20000x128xf32, #tpu.memory_space<hbm>> -> memref<20000x128xf32, #tpu.memory_space<hbm>>
        tpu.enqueue_indirect_dma source(%dma_start3A_237 : memref<20000x128xf32, #tpu.memory_space<hbm>>) target(%arg12 : memref<64x128xf32, #tpu.memory_space<vmem>>) offsets(%dma_start3A_234 : memref<64xi32, #tpu.memory_space<vmem>>) semaphore(%arg16 : memref<!tpu.dma_semaphore, #tpu.memory_space<semaphore_mem>>)
        %scan3A_238 = arith.constant 0 : i32
        scf.yield %scan3A_238 : i32
      }
      %scan3A_128 = arith.constant 9 : i32
      %dma_wait3A = arith.constant 0 : i32
      %dma_wait3A_129 = arith.constant 0 : i32
      %dma_wait3A_130 = tpu.memref_slice %arg7[%dma_wait3A, %dma_wait3A_129] : memref<40x64xi32, #tpu.memory_space<vmem>> -> memref<1x64xi32, #tpu.memory_space<vmem>>
      %dma_wait3A_131 = tpu.memref_squeeze %dma_wait3A_130 : memref<1x64xi32, #tpu.memory_space<vmem>> -> memref<64xi32, #tpu.memory_space<vmem>>
      %dma_wait3A_132 = arith.constant 0 : i32
      %dma_wait3A_133 = arith.constant 0 : i32
      %dma_wait3A_134 = tpu.memref_slice %arg4[%dma_wait3A_132, %dma_wait3A_133] : memref<20000x128xf32, #tpu.memory_space<hbm>> -> memref<20000x128xf32, #tpu.memory_space<hbm>>
      tpu.wait_indirect_dma semaphore(%arg13 : memref<!tpu.dma_semaphore, #tpu.memory_space<semaphore_mem>>) src(%dma_wait3A_134 : memref<20000x128xf32, #tpu.memory_space<hbm>>) dst(%arg9 : memref<64x128xf32, #tpu.memory_space<vmem>>)
      %run_scoped3A = arith.constant 36 : i32
      "tpu.region"() ({
        %run_scoped3A_160 = tpu.sem_alloc : memref<!tpu.dma_semaphore, #tpu.memory_space<semaphore_mem>>
        %dma_start3A_161 = arith.constant 0 : i32
        %dma_start3A_162 = tpu.memref_slice %arg8[%run_scoped3A, %dma_start3A_161] : memref<40x64xi32, #tpu.memory_space<vmem>> -> memref<1x64xi32, #tpu.memory_space<vmem>>
        %dma_start3A_163 = tpu.memref_squeeze %dma_start3A_162 : memref<1x64xi32, #tpu.memory_space<vmem>> -> memref<64xi32, #tpu.memory_space<vmem>>
        %dma_start3A_164 = arith.constant 0 : i32
        %dma_start3A_165 = arith.constant 0 : i32
        %dma_start3A_166 = tpu.memref_slice %arg6[%dma_start3A_164, %dma_start3A_165] : memref<10240x128xf32, #tpu.memory_space<vmem_shared>> -> memref<10240x128xf32, #tpu.memory_space<vmem_shared>>
        tpu.enqueue_indirect_dma source(%arg9 : memref<64x128xf32, #tpu.memory_space<vmem>>) target(%dma_start3A_166 : memref<10240x128xf32, #tpu.memory_space<vmem_shared>>) offsets(%dma_start3A_163 : memref<64xi32, #tpu.memory_space<vmem>>) semaphore(%run_scoped3A_160 : memref<!tpu.dma_semaphore, #tpu.memory_space<semaphore_mem>>) {add = true}
        %dma_wait3A_167 = arith.constant 0 : i32
        %dma_wait3A_168 = tpu.memref_slice %arg8[%run_scoped3A, %dma_wait3A_167] : memref<40x64xi32, #tpu.memory_space<vmem>> -> memref<1x64xi32, #tpu.memory_space<vmem>>
        %dma_wait3A_169 = tpu.memref_squeeze %dma_wait3A_168 : memref<1x64xi32, #tpu.memory_space<vmem>> -> memref<64xi32, #tpu.memory_space<vmem>>
        %dma_wait3A_170 = arith.constant 0 : i32
        %dma_wait3A_171 = arith.constant 0 : i32
        %dma_wait3A_172 = tpu.memref_slice %arg6[%dma_wait3A_170, %dma_wait3A_171] : memref<10240x128xf32, #tpu.memory_space<vmem_shared>> -> memref<10240x128xf32, #tpu.memory_space<vmem_shared>>
        tpu.wait_indirect_dma semaphore(%run_scoped3A_160 : memref<!tpu.dma_semaphore, #tpu.memory_space<semaphore_mem>>) src(%arg9 : memref<64x128xf32, #tpu.memory_space<vmem>>) dst(%dma_wait3A_172 : memref<10240x128xf32, #tpu.memory_space<vmem_shared>>)
        tpu.yield
      }) : () -> ()
      %dma_wait3A_135 = arith.constant 0 : i32
      %dma_wait3A_136 = arith.constant 0 : i32
      %dma_wait3A_137 = tpu.memref_slice %arg7[%dma_wait3A_135, %dma_wait3A_136] : memref<40x64xi32, #tpu.memory_space<vmem>> -> memref<1x64xi32, #tpu.memory_space<vmem>>
      %dma_wait3A_138 = tpu.memref_squeeze %dma_wait3A_137 : memref<1x64xi32, #tpu.memory_space<vmem>> -> memref<64xi32, #tpu.memory_space<vmem>>
      %dma_wait3A_139 = arith.constant 0 : i32
      %dma_wait3A_140 = arith.constant 0 : i32
      %dma_wait3A_141 = tpu.memref_slice %arg4[%dma_wait3A_139, %dma_wait3A_140] : memref<20000x128xf32, #tpu.memory_space<hbm>> -> memref<20000x128xf32, #tpu.memory_space<hbm>>
      tpu.wait_indirect_dma semaphore(%arg14 : memref<!tpu.dma_semaphore, #tpu.memory_space<semaphore_mem>>) src(%dma_wait3A_141 : memref<20000x128xf32, #tpu.memory_space<hbm>>) dst(%arg10 : memref<64x128xf32, #tpu.memory_space<vmem>>)
      %run_scoped3A_142 = arith.constant 37 : i32
      "tpu.region"() ({
        %run_scoped3A_160 = tpu.sem_alloc : memref<!tpu.dma_semaphore, #tpu.memory_space<semaphore_mem>>
        %dma_start3A_161 = arith.constant 0 : i32
        %dma_start3A_162 = tpu.memref_slice %arg8[%run_scoped3A_142, %dma_start3A_161] : memref<40x64xi32, #tpu.memory_space<vmem>> -> memref<1x64xi32, #tpu.memory_space<vmem>>
        %dma_start3A_163 = tpu.memref_squeeze %dma_start3A_162 : memref<1x64xi32, #tpu.memory_space<vmem>> -> memref<64xi32, #tpu.memory_space<vmem>>
        %dma_start3A_164 = arith.constant 0 : i32
        %dma_start3A_165 = arith.constant 0 : i32
        %dma_start3A_166 = tpu.memref_slice %arg6[%dma_start3A_164, %dma_start3A_165] : memref<10240x128xf32, #tpu.memory_space<vmem_shared>> -> memref<10240x128xf32, #tpu.memory_space<vmem_shared>>
        tpu.enqueue_indirect_dma source(%arg10 : memref<64x128xf32, #tpu.memory_space<vmem>>) target(%dma_start3A_166 : memref<10240x128xf32, #tpu.memory_space<vmem_shared>>) offsets(%dma_start3A_163 : memref<64xi32, #tpu.memory_space<vmem>>) semaphore(%run_scoped3A_160 : memref<!tpu.dma_semaphore, #tpu.memory_space<semaphore_mem>>) {add = true}
        %dma_wait3A_167 = arith.constant 0 : i32
        %dma_wait3A_168 = tpu.memref_slice %arg8[%run_scoped3A_142, %dma_wait3A_167] : memref<40x64xi32, #tpu.memory_space<vmem>> -> memref<1x64xi32, #tpu.memory_space<vmem>>
        %dma_wait3A_169 = tpu.memref_squeeze %dma_wait3A_168 : memref<1x64xi32, #tpu.memory_space<vmem>> -> memref<64xi32, #tpu.memory_space<vmem>>
        %dma_wait3A_170 = arith.constant 0 : i32
        %dma_wait3A_171 = arith.constant 0 : i32
        %dma_wait3A_172 = tpu.memref_slice %arg6[%dma_wait3A_170, %dma_wait3A_171] : memref<10240x128xf32, #tpu.memory_space<vmem_shared>> -> memref<10240x128xf32, #tpu.memory_space<vmem_shared>>
        tpu.wait_indirect_dma semaphore(%run_scoped3A_160 : memref<!tpu.dma_semaphore, #tpu.memory_space<semaphore_mem>>) src(%arg10 : memref<64x128xf32, #tpu.memory_space<vmem>>) dst(%dma_wait3A_172 : memref<10240x128xf32, #tpu.memory_space<vmem_shared>>)
        tpu.yield
      }) : () -> ()
      %dma_wait3A_143 = arith.constant 0 : i32
      %dma_wait3A_144 = arith.constant 0 : i32
      %dma_wait3A_145 = tpu.memref_slice %arg7[%dma_wait3A_143, %dma_wait3A_144] : memref<40x64xi32, #tpu.memory_space<vmem>> -> memref<1x64xi32, #tpu.memory_space<vmem>>
      %dma_wait3A_146 = tpu.memref_squeeze %dma_wait3A_145 : memref<1x64xi32, #tpu.memory_space<vmem>> -> memref<64xi32, #tpu.memory_space<vmem>>
      %dma_wait3A_147 = arith.constant 0 : i32
      %dma_wait3A_148 = arith.constant 0 : i32
      %dma_wait3A_149 = tpu.memref_slice %arg4[%dma_wait3A_147, %dma_wait3A_148] : memref<20000x128xf32, #tpu.memory_space<hbm>> -> memref<20000x128xf32, #tpu.memory_space<hbm>>
      tpu.wait_indirect_dma semaphore(%arg15 : memref<!tpu.dma_semaphore, #tpu.memory_space<semaphore_mem>>) src(%dma_wait3A_149 : memref<20000x128xf32, #tpu.memory_space<hbm>>) dst(%arg11 : memref<64x128xf32, #tpu.memory_space<vmem>>)
      %run_scoped3A_150 = arith.constant 38 : i32
      "tpu.region"() ({
        %run_scoped3A_160 = tpu.sem_alloc : memref<!tpu.dma_semaphore, #tpu.memory_space<semaphore_mem>>
        %dma_start3A_161 = arith.constant 0 : i32
        %dma_start3A_162 = tpu.memref_slice %arg8[%run_scoped3A_150, %dma_start3A_161] : memref<40x64xi32, #tpu.memory_space<vmem>> -> memref<1x64xi32, #tpu.memory_space<vmem>>
        %dma_start3A_163 = tpu.memref_squeeze %dma_start3A_162 : memref<1x64xi32, #tpu.memory_space<vmem>> -> memref<64xi32, #tpu.memory_space<vmem>>
        %dma_start3A_164 = arith.constant 0 : i32
        %dma_start3A_165 = arith.constant 0 : i32
        %dma_start3A_166 = tpu.memref_slice %arg6[%dma_start3A_164, %dma_start3A_165] : memref<10240x128xf32, #tpu.memory_space<vmem_shared>> -> memref<10240x128xf32, #tpu.memory_space<vmem_shared>>
        tpu.enqueue_indirect_dma source(%arg11 : memref<64x128xf32, #tpu.memory_space<vmem>>) target(%dma_start3A_166 : memref<10240x128xf32, #tpu.memory_space<vmem_shared>>) offsets(%dma_start3A_163 : memref<64xi32, #tpu.memory_space<vmem>>) semaphore(%run_scoped3A_160 : memref<!tpu.dma_semaphore, #tpu.memory_space<semaphore_mem>>) {add = true}
        %dma_wait3A_167 = arith.constant 0 : i32
        %dma_wait3A_168 = tpu.memref_slice %arg8[%run_scoped3A_150, %dma_wait3A_167] : memref<40x64xi32, #tpu.memory_space<vmem>> -> memref<1x64xi32, #tpu.memory_space<vmem>>
        %dma_wait3A_169 = tpu.memref_squeeze %dma_wait3A_168 : memref<1x64xi32, #tpu.memory_space<vmem>> -> memref<64xi32, #tpu.memory_space<vmem>>
        %dma_wait3A_170 = arith.constant 0 : i32
        %dma_wait3A_171 = arith.constant 0 : i32
        %dma_wait3A_172 = tpu.memref_slice %arg6[%dma_wait3A_170, %dma_wait3A_171] : memref<10240x128xf32, #tpu.memory_space<vmem_shared>> -> memref<10240x128xf32, #tpu.memory_space<vmem_shared>>
        tpu.wait_indirect_dma semaphore(%run_scoped3A_160 : memref<!tpu.dma_semaphore, #tpu.memory_space<semaphore_mem>>) src(%arg11 : memref<64x128xf32, #tpu.memory_space<vmem>>) dst(%dma_wait3A_172 : memref<10240x128xf32, #tpu.memory_space<vmem_shared>>)
        tpu.yield
      }) : () -> ()
      %dma_wait3A_151 = arith.constant 0 : i32
      %dma_wait3A_152 = arith.constant 0 : i32
      %dma_wait3A_153 = tpu.memref_slice %arg7[%dma_wait3A_151, %dma_wait3A_152] : memref<40x64xi32, #tpu.memory_space<vmem>> -> memref<1x64xi32, #tpu.memory_space<vmem>>
      %dma_wait3A_154 = tpu.memref_squeeze %dma_wait3A_153 : memref<1x64xi32, #tpu.memory_space<vmem>> -> memref<64xi32, #tpu.memory_space<vmem>>
      %dma_wait3A_155 = arith.constant 0 : i32
      %dma_wait3A_156 = arith.constant 0 : i32
      %dma_wait3A_157 = tpu.memref_slice %arg4[%dma_wait3A_155, %dma_wait3A_156] : memref<20000x128xf32, #tpu.memory_space<hbm>> -> memref<20000x128xf32, #tpu.memory_space<hbm>>
      tpu.wait_indirect_dma semaphore(%arg16 : memref<!tpu.dma_semaphore, #tpu.memory_space<semaphore_mem>>) src(%dma_wait3A_157 : memref<20000x128xf32, #tpu.memory_space<hbm>>) dst(%arg12 : memref<64x128xf32, #tpu.memory_space<vmem>>)
      %run_scoped3A_158 = arith.constant 39 : i32
      "tpu.region"() ({
        %run_scoped3A_160 = tpu.sem_alloc : memref<!tpu.dma_semaphore, #tpu.memory_space<semaphore_mem>>
        %dma_start3A_161 = arith.constant 0 : i32
        %dma_start3A_162 = tpu.memref_slice %arg8[%run_scoped3A_158, %dma_start3A_161] : memref<40x64xi32, #tpu.memory_space<vmem>> -> memref<1x64xi32, #tpu.memory_space<vmem>>
        %dma_start3A_163 = tpu.memref_squeeze %dma_start3A_162 : memref<1x64xi32, #tpu.memory_space<vmem>> -> memref<64xi32, #tpu.memory_space<vmem>>
        %dma_start3A_164 = arith.constant 0 : i32
        %dma_start3A_165 = arith.constant 0 : i32
        %dma_start3A_166 = tpu.memref_slice %arg6[%dma_start3A_164, %dma_start3A_165] : memref<10240x128xf32, #tpu.memory_space<vmem_shared>> -> memref<10240x128xf32, #tpu.memory_space<vmem_shared>>
        tpu.enqueue_indirect_dma source(%arg12 : memref<64x128xf32, #tpu.memory_space<vmem>>) target(%dma_start3A_166 : memref<10240x128xf32, #tpu.memory_space<vmem_shared>>) offsets(%dma_start3A_163 : memref<64xi32, #tpu.memory_space<vmem>>) semaphore(%run_scoped3A_160 : memref<!tpu.dma_semaphore, #tpu.memory_space<semaphore_mem>>) {add = true}
        %dma_wait3A_167 = arith.constant 0 : i32
        %dma_wait3A_168 = tpu.memref_slice %arg8[%run_scoped3A_158, %dma_wait3A_167] : memref<40x64xi32, #tpu.memory_space<vmem>> -> memref<1x64xi32, #tpu.memory_space<vmem>>
        %dma_wait3A_169 = tpu.memref_squeeze %dma_wait3A_168 : memref<1x64xi32, #tpu.memory_space<vmem>> -> memref<64xi32, #tpu.memory_space<vmem>>
        %dma_wait3A_170 = arith.constant 0 : i32
        %dma_wait3A_171 = arith.constant 0 : i32
        %dma_wait3A_172 = tpu.memref_slice %arg6[%dma_wait3A_170, %dma_wait3A_171] : memref<10240x128xf32, #tpu.memory_space<vmem_shared>> -> memref<10240x128xf32, #tpu.memory_space<vmem_shared>>
        tpu.wait_indirect_dma semaphore(%run_scoped3A_160 : memref<!tpu.dma_semaphore, #tpu.memory_space<semaphore_mem>>) src(%arg12 : memref<64x128xf32, #tpu.memory_space<vmem>>) dst(%dma_wait3A_172 : memref<10240x128xf32, #tpu.memory_space<vmem_shared>>)
        tpu.yield
      }) : () -> ()
      %scan3A_159 = arith.constant 0 : i32
      scf.yield %scan3A_159 : i32
    }
    %scan3A_73 = arith.constant 4 : i32
    %barrier3A_74 = arith.constant 0 : index
    tpu.barrier barrier_id(%barrier3A_74)
    %mul3A_75 = arith.constant 632 : i32
    %mul3A_76 = arith.muli %arg1, %mul3A_75 : i32
    %min3A = arith.constant 9368 : i32
    %min3A_77 = arith.minsi %mul3A_76, %min3A : i32
    %multiple_of3A = tpu.assume_multiple %min3A_77, 8 : i32
    %mul3A_78 = arith.constant 10000 : i32
    %mul3A_79 = arith.muli %arg0, %mul3A_78 : i32
    %add3A_80 = arith.addi %mul3A_79, %multiple_of3A : i32
    "tpu.region"() ({
      %run_scoped3A = tpu.sem_alloc : memref<!tpu.dma_semaphore, #tpu.memory_space<semaphore_mem>>
      %dma_start3A = arith.constant 0 : i32
      %dma_start3A_81 = tpu.memref_slice %arg5[%add3A_80, %dma_start3A] : memref<20000x128xf32, #tpu.memory_space<hbm>> -> memref<632x128xf32, #tpu.memory_space<hbm>>
      %dma_start3A_82 = arith.constant 0 : i32
      %dma_start3A_83 = tpu.memref_slice %arg6[%multiple_of3A, %dma_start3A_82] : memref<10240x128xf32, #tpu.memory_space<vmem_shared>> -> memref<632x128xf32, #tpu.memory_space<vmem_shared>>
      tpu.enqueue_dma source(%dma_start3A_83 : memref<632x128xf32, #tpu.memory_space<vmem_shared>>) target(%dma_start3A_81 : memref<632x128xf32, #tpu.memory_space<hbm>>) target_semaphore(%run_scoped3A : memref<!tpu.dma_semaphore, #tpu.memory_space<semaphore_mem>>)
      %dma_wait3A = arith.constant 0 : i32
      %dma_wait3A_84 = tpu.memref_slice %arg5[%add3A_80, %dma_wait3A] : memref<20000x128xf32, #tpu.memory_space<hbm>> -> memref<632x128xf32, #tpu.memory_space<hbm>>
      %dma_wait3A_85 = arith.constant 0 : i32
      %dma_wait3A_86 = tpu.memref_slice %arg6[%multiple_of3A, %dma_wait3A_85] : memref<10240x128xf32, #tpu.memory_space<vmem_shared>> -> memref<632x128xf32, #tpu.memory_space<vmem_shared>>
      tpu.wait_dma2 semaphore(%run_scoped3A : memref<!tpu.dma_semaphore, #tpu.memory_space<semaphore_mem>>) src(%dma_wait3A_86 : memref<632x128xf32, #tpu.memory_space<vmem_shared>>) dst(%dma_wait3A_84 : memref<632x128xf32, #tpu.memory_space<hbm>>)
      tpu.yield
    }) : () -> ()
    return
  }
}

module attributes {stable_mosaic.version = 14 : i64} {
  func.func @_mm1_body(%arg0: i32, %arg1: i32, %arg2: memref<1000x256xf32, #tpu.memory_space<vmem>>, %arg3: memref<256x128xf32, #tpu.memory_space<vmem>>, %arg4: memref<1x2x1000xf32, #tpu.memory_space<vmem>>, %arg5: memref<1x1000x128xf32, #tpu.memory_space<vmem>>) attributes {dimension_semantics = [#tpu.dimension_semantics<arbitrary>, #tpu.dimension_semantics<arbitrary>], iteration_bounds = array<i64: 10, 2>, scalar_prefetch = 0 : i64, scratch_operands = 0 : i64, tpu.core_type = #tpu.core_type<tc>, window_params = [{transform_indices = @transform_0, window_bounds = array<i64: 1000, 256>}, {transform_indices = @transform_1, window_bounds = array<i64: 256, 128>}, {transform_indices = @transform_2, window_bounds = array<i64: 1, 2, 1000>}, {transform_indices = @transform_3, window_bounds = array<i64: 1, 1000, 128>}]} {
    %get3A = arith.constant 0 : index
    %get3A_0 = arith.constant 0 : index
    %get3A_1 = arith.constant 0 : index
    %get3A_2 = vector.load %arg4[%get3A, %get3A_0, %get3A_1] : memref<1x2x1000xf32, #tpu.memory_space<vmem>>, vector<1x1x1000xf32>
    %get3A_3 = vector.shape_cast %get3A_2 : vector<1x1x1000xf32> to vector<1000xf32>
    %get3A_4 = arith.constant 0 : index
    %get3A_5 = arith.constant 1 : index
    %get3A_6 = arith.constant 0 : index
    %get3A_7 = vector.load %arg4[%get3A_4, %get3A_5, %get3A_6] : memref<1x2x1000xf32, #tpu.memory_space<vmem>>, vector<1x1x1000xf32>
    %get3A_8 = vector.shape_cast %get3A_7 : vector<1x1x1000xf32> to vector<1000xf32>
    %add3A = arith.addf %get3A_3, %get3A_8 : vector<1000xf32>
    %add3A_9 = arith.constant 1.000000e+00 : f32
    %add3A_10 = vector.broadcast %add3A_9 : f32 to vector<1000xf32>
    %add3A_11 = arith.addf %add3A, %add3A_10 : vector<1000xf32>
    %rsqrt3A = math.rsqrt %add3A_11 : vector<1000xf32>
    %get3A_12 = arith.constant 0 : index
    %get3A_13 = arith.constant 0 : index
    %get3A_14 = vector.load %arg2[%get3A_12, %get3A_13] : memref<1000x256xf32, #tpu.memory_space<vmem>>, vector<1000x256xf32>
    %get3A_15 = arith.constant 0 : index
    %get3A_16 = arith.constant 0 : index
    %get3A_17 = vector.load %arg3[%get3A_15, %get3A_16] : memref<256x128xf32, #tpu.memory_space<vmem>>, vector<256x128xf32>
    %dot_general3A = arith.constant dense<0.000000e+00> : vector<1000x128xf32>
    %dot_general3A_18 = tpu.matmul %get3A_14, %get3A_17, %dot_general3A {dimension_numbers = #tpu.dot_dimension_numbers<[1], [0], [0], [1], [0, 0, 1, 1], [], []>, transpose_lhs_hint = false} : vector<1000x256xf32>, vector<256x128xf32>, vector<1000x128xf32> -> vector<1000x128xf32>
    %broadcast_in_dim3A = vector.shape_cast %rsqrt3A : vector<1000xf32> to vector<1000x1xf32>
    %mul3A = vector.broadcast %broadcast_in_dim3A : vector<1000x1xf32> to vector<1000x128xf32>
    %mul3A_19 = arith.mulf %dot_general3A_18, %mul3A : vector<1000x128xf32>
    %swap3A = arith.constant 0 : index
    %swap3A_20 = arith.constant 0 : index
    %swap3A_21 = arith.constant 0 : index
    %swap3A_22 = vector.load %arg5[%swap3A, %swap3A_20, %swap3A_21] : memref<1x1000x128xf32, #tpu.memory_space<vmem>>, vector<1x1000x128xf32>
    %swap3A_23 = vector.shape_cast %swap3A_22 : vector<1x1000x128xf32> to vector<1000x128xf32>
    %swap3A_24 = vector.shape_cast %mul3A_19 : vector<1000x128xf32> to vector<1x1000x128xf32>
    tpu.vector_store %arg5[%swap3A, %swap3A_20, %swap3A_21], %swap3A_24 {strides = array<i32>} : memref<1x1000x128xf32, #tpu.memory_space<vmem>>, vector<1x1000x128xf32>,
    return
  }
  func.func @transform_0(%arg0: i32, %arg1: i32) -> (i32, i32) {
    %c0_i32 = arith.constant 0 : i32
    %c0_i32_0 = arith.constant 0 : i32
    return %arg0, %c0_i32 : i32, i32
  }
  func.func @transform_1(%arg0: i32, %arg1: i32) -> (i32, i32) {
    %c0_i32 = arith.constant 0 : i32
    %c0_i32_0 = arith.constant 0 : i32
    return %c0_i32, %arg1 : i32, i32
  }
  func.func @transform_2(%arg0: i32, %arg1: i32) -> (i32, i32, i32) {
    %c0_i32 = arith.constant 0 : i32
    %c0_i32_0 = arith.constant 0 : i32
    %c0_i32_1 = arith.constant 0 : i32
    return %arg0, %c0_i32, %c0_i32_0 : i32, i32, i32
  }
  func.func @transform_3(%arg0: i32, %arg1: i32) -> (i32, i32, i32) {
    %c0_i32 = arith.constant 0 : i32
    %c0_i32_0 = arith.constant 0 : i32
    return %arg1, %arg0, %c0_i32 : i32, i32, i32
  }
}

module attributes {stable_mosaic.version = 14 : i64} {
  func.func @_fin_body(%arg0: i32, %arg1: memref<2x1000x64xf32, #tpu.memory_space<vmem>>, %arg2: memref<1000x128xf32, #tpu.memory_space<vmem>>, %arg3: memref<1x2x1000xf32, #tpu.memory_space<vmem>>, %arg4: memref<8x64xf32, #tpu.memory_space<vmem>>, %arg5: memref<1000x64xf32, #tpu.memory_space<vmem>>) attributes {dimension_semantics = [#tpu.dimension_semantics<arbitrary>], iteration_bounds = array<i64: 10>, scalar_prefetch = 0 : i64, scratch_operands = 0 : i64, tpu.core_type = #tpu.core_type<tc>, window_params = [{transform_indices = @transform_0, window_bounds = array<i64: 2, 1000, 64>}, {transform_indices = @transform_1, window_bounds = array<i64: 1000, 128>}, {transform_indices = @transform_2, window_bounds = array<i64: 1, 2, 1000>}, {pipeline_mode = #tpu.pipeline_mode<synchronous>, transform_indices = @transform_3, window_bounds = array<i64: 8, 64>}, {transform_indices = @transform_4, window_bounds = array<i64: 1000, 64>}]} {
    %get3A = arith.constant 0 : index
    %get3A_0 = arith.constant 0 : index
    %get3A_1 = arith.constant 0 : index
    %get3A_2 = vector.load %arg3[%get3A, %get3A_0, %get3A_1] : memref<1x2x1000xf32, #tpu.memory_space<vmem>>, vector<1x1x1000xf32>
    %get3A_3 = vector.shape_cast %get3A_2 : vector<1x1x1000xf32> to vector<1000xf32>
    %get3A_4 = arith.constant 0 : index
    %get3A_5 = arith.constant 1 : index
    %get3A_6 = arith.constant 0 : index
    %get3A_7 = vector.load %arg3[%get3A_4, %get3A_5, %get3A_6] : memref<1x2x1000xf32, #tpu.memory_space<vmem>>, vector<1x1x1000xf32>
    %get3A_8 = vector.shape_cast %get3A_7 : vector<1x1x1000xf32> to vector<1000xf32>
    %add3A = arith.addf %get3A_3, %get3A_8 : vector<1000xf32>
    %add3A_9 = arith.constant 1.000000e+00 : f32
    %add3A_10 = vector.broadcast %add3A_9 : f32 to vector<1000xf32>
    %add3A_11 = arith.addf %add3A, %add3A_10 : vector<1000xf32>
    %rsqrt3A = math.rsqrt %add3A_11 : vector<1000xf32>
    %broadcast_in_dim3A = vector.shape_cast %rsqrt3A : vector<1000xf32> to vector<1000x1xf32>
    %get3A_12 = arith.constant 0 : index
    %get3A_13 = arith.constant 0 : index
    %get3A_14 = arith.constant 0 : index
    %get3A_15 = vector.load %arg1[%get3A_12, %get3A_13, %get3A_14] : memref<2x1000x64xf32, #tpu.memory_space<vmem>>, vector<1x1000x64xf32>
    %get3A_16 = vector.shape_cast %get3A_15 : vector<1x1000x64xf32> to vector<1000x64xf32>
    %get3A_17 = arith.constant 1 : index
    %get3A_18 = arith.constant 0 : index
    %get3A_19 = arith.constant 0 : index
    %get3A_20 = vector.load %arg1[%get3A_17, %get3A_18, %get3A_19] : memref<2x1000x64xf32, #tpu.memory_space<vmem>>, vector<1x1000x64xf32>
    %get3A_21 = vector.shape_cast %get3A_20 : vector<1x1000x64xf32> to vector<1000x64xf32>
    %add3A_22 = arith.addf %get3A_16, %get3A_21 : vector<1000x64xf32>
    %get3A_23 = arith.constant 0 : index
    %get3A_24 = arith.constant 0 : index
    %get3A_25 = vector.load %arg2[%get3A_23, %get3A_24] : memref<1000x128xf32, #tpu.memory_space<vmem>>, vector<1000x64xf32>
    %add3A_26 = arith.addf %add3A_22, %get3A_25 : vector<1000x64xf32>
    %mul3A = vector.broadcast %broadcast_in_dim3A : vector<1000x1xf32> to vector<1000x64xf32>
    %mul3A_27 = arith.mulf %mul3A, %add3A_26 : vector<1000x64xf32>
    %get3A_28 = arith.constant 0 : index
    %get3A_29 = arith.constant 0 : index
    %get3A_30 = vector.load %arg4[%get3A_28, %get3A_29] : memref<8x64xf32, #tpu.memory_space<vmem>>, vector<1x64xf32>
    %add3A_31 = vector.broadcast %get3A_30 : vector<1x64xf32> to vector<1000x64xf32>
    %add3A_32 = arith.addf %mul3A_27, %add3A_31 : vector<1000x64xf32>
    %swap3A = arith.constant 0 : index
    %swap3A_33 = arith.constant 0 : index
    %swap3A_34 = vector.load %arg5[%swap3A, %swap3A_33] : memref<1000x64xf32, #tpu.memory_space<vmem>>, vector<1000x64xf32>
    tpu.vector_store %arg5[%swap3A, %swap3A_33], %add3A_32 {strides = array<i32>} : memref<1000x64xf32, #tpu.memory_space<vmem>>, vector<1000x64xf32>,
    return
  }
  func.func @transform_0(%arg0: i32) -> (i32, i32, i32) {
    %c0_i32 = arith.constant 0 : i32
    %c0_i32_0 = arith.constant 0 : i32
    %c0_i32_1 = arith.constant 0 : i32
    return %c0_i32, %arg0, %c0_i32_0 : i32, i32, i32
  }
  func.func @transform_1(%arg0: i32) -> (i32, i32) {
    %c0_i32 = arith.constant 0 : i32
    %c0_i32_0 = arith.constant 0 : i32
    return %arg0, %c0_i32 : i32, i32
  }
  func.func @transform_2(%arg0: i32) -> (i32, i32, i32) {
    %c0_i32 = arith.constant 0 : i32
    %c0_i32_0 = arith.constant 0 : i32
    %c0_i32_1 = arith.constant 0 : i32
    return %arg0, %c0_i32, %c0_i32_0 : i32, i32, i32
  }
  func.func @transform_3(%arg0: i32) -> (i32, i32) {
    %c0_i32 = arith.constant 0 : i32
    %c0_i32_0 = arith.constant 0 : i32
    %c0_i32_1 = arith.constant 0 : i32
    return %c0_i32, %c0_i32_0 : i32, i32
  }
  func.func @transform_4(%arg0: i32) -> (i32, i32) {
    %c0_i32 = arith.constant 0 : i32
    %c0_i32_0 = arith.constant 0 : i32
    return %arg0, %c0_i32 : i32, i32
  }
}

module attributes {stable_mosaic.version = 14 : i64} {
  func.func @_mid_body(%arg0: i32, %arg1: memref<2x1000x128xf32, #tpu.memory_space<vmem>>, %arg2: memref<2x1000x128xf32, #tpu.memory_space<vmem>>, %arg3: memref<1x2x1000xf32, #tpu.memory_space<vmem>>, %arg4: memref<2x8x128xf32, #tpu.memory_space<vmem>>, %arg5: memref<256x64xf32, #tpu.memory_space<vmem>>, %arg6: memref<1000x128xf32, #tpu.memory_space<vmem>>) attributes {dimension_semantics = [#tpu.dimension_semantics<arbitrary>], iteration_bounds = array<i64: 10>, scalar_prefetch = 0 : i64, scratch_operands = 0 : i64, tpu.core_type = #tpu.core_type<tc>, window_params = [{transform_indices = @transform_0, window_bounds = array<i64: 2, 1000, 128>}, {transform_indices = @transform_1, window_bounds = array<i64: 2, 1000, 128>}, {transform_indices = @transform_2, window_bounds = array<i64: 1, 2, 1000>}, {pipeline_mode = #tpu.pipeline_mode<synchronous>, transform_indices = @transform_3, window_bounds = array<i64: 2, 8, 128>}, {pipeline_mode = #tpu.pipeline_mode<synchronous>, transform_indices = @transform_4, window_bounds = array<i64: 256, 64>}, {transform_indices = @transform_5, window_bounds = array<i64: 1000, 128>}]} {
    %get3A = arith.constant 0 : index
    %get3A_0 = arith.constant 0 : index
    %get3A_1 = arith.constant 0 : index
    %get3A_2 = vector.load %arg3[%get3A, %get3A_0, %get3A_1] : memref<1x2x1000xf32, #tpu.memory_space<vmem>>, vector<1x1x1000xf32>
    %get3A_3 = vector.shape_cast %get3A_2 : vector<1x1x1000xf32> to vector<1000xf32>
    %get3A_4 = arith.constant 0 : index
    %get3A_5 = arith.constant 1 : index
    %get3A_6 = arith.constant 0 : index
    %get3A_7 = vector.load %arg3[%get3A_4, %get3A_5, %get3A_6] : memref<1x2x1000xf32, #tpu.memory_space<vmem>>, vector<1x1x1000xf32>
    %get3A_8 = vector.shape_cast %get3A_7 : vector<1x1x1000xf32> to vector<1000xf32>
    %add3A = arith.addf %get3A_3, %get3A_8 : vector<1000xf32>
    %add3A_9 = arith.constant 1.000000e+00 : f32
    %add3A_10 = vector.broadcast %add3A_9 : f32 to vector<1000xf32>
    %add3A_11 = arith.addf %add3A, %add3A_10 : vector<1000xf32>
    %rsqrt3A = math.rsqrt %add3A_11 : vector<1000xf32>
    %broadcast_in_dim3A = vector.shape_cast %rsqrt3A : vector<1000xf32> to vector<1000x1xf32>
    %get3A_12 = arith.constant 0 : index
    %get3A_13 = arith.constant 0 : index
    %get3A_14 = arith.constant 0 : index
    %get3A_15 = vector.load %arg1[%get3A_12, %get3A_13, %get3A_14] : memref<2x1000x128xf32, #tpu.memory_space<vmem>>, vector<1x1000x128xf32>
    %get3A_16 = vector.shape_cast %get3A_15 : vector<1x1000x128xf32> to vector<1000x128xf32>
    %get3A_17 = arith.constant 0 : index
    %get3A_18 = arith.constant 0 : index
    %get3A_19 = arith.constant 0 : index
    %get3A_20 = vector.load %arg2[%get3A_17, %get3A_18, %get3A_19] : memref<2x1000x128xf32, #tpu.memory_space<vmem>>, vector<1x1000x128xf32>
    %get3A_21 = vector.shape_cast %get3A_20 : vector<1x1000x128xf32> to vector<1000x128xf32>
    %add3A_22 = arith.addf %get3A_16, %get3A_21 : vector<1000x128xf32>
    %mul3A = vector.broadcast %broadcast_in_dim3A : vector<1000x1xf32> to vector<1000x128xf32>
    %mul3A_23 = arith.mulf %mul3A, %add3A_22 : vector<1000x128xf32>
    %get3A_24 = arith.constant 0 : index
    %get3A_25 = arith.constant 0 : index
    %get3A_26 = arith.constant 0 : index
    %get3A_27 = vector.load %arg4[%get3A_24, %get3A_25, %get3A_26] : memref<2x8x128xf32, #tpu.memory_space<vmem>>, vector<1x1x128xf32>
    %get3A_28 = vector.shape_cast %get3A_27 : vector<1x1x128xf32> to vector<1x128xf32>
    %add3A_29 = vector.broadcast %get3A_28 : vector<1x128xf32> to vector<1000x128xf32>
    %add3A_30 = arith.addf %mul3A_23, %add3A_29 : vector<1000x128xf32>
    %max3A = arith.constant 0.000000e+00 : f32
    %max3A_31 = vector.broadcast %max3A : f32 to vector<1000x128xf32>
    %max3A_32 = arith.maximumf %add3A_30, %max3A_31 : vector<1000x128xf32>
    %broadcast_in_dim3A_33 = vector.shape_cast %rsqrt3A : vector<1000xf32> to vector<1000x1xf32>
    %get3A_34 = arith.constant 1 : index
    %get3A_35 = arith.constant 0 : index
    %get3A_36 = arith.constant 0 : index
    %get3A_37 = vector.load %arg1[%get3A_34, %get3A_35, %get3A_36] : memref<2x1000x128xf32, #tpu.memory_space<vmem>>, vector<1x1000x128xf32>
    %get3A_38 = vector.shape_cast %get3A_37 : vector<1x1000x128xf32> to vector<1000x128xf32>
    %get3A_39 = arith.constant 1 : index
    %get3A_40 = arith.constant 0 : index
    %get3A_41 = arith.constant 0 : index
    %get3A_42 = vector.load %arg2[%get3A_39, %get3A_40, %get3A_41] : memref<2x1000x128xf32, #tpu.memory_space<vmem>>, vector<1x1000x128xf32>
    %get3A_43 = vector.shape_cast %get3A_42 : vector<1x1000x128xf32> to vector<1000x128xf32>
    %add3A_44 = arith.addf %get3A_38, %get3A_43 : vector<1000x128xf32>
    %mul3A_45 = vector.broadcast %broadcast_in_dim3A_33 : vector<1000x1xf32> to vector<1000x128xf32>
    %mul3A_46 = arith.mulf %mul3A_45, %add3A_44 : vector<1000x128xf32>
    %get3A_47 = arith.constant 1 : index
    %get3A_48 = arith.constant 0 : index
    %get3A_49 = arith.constant 0 : index
    %get3A_50 = vector.load %arg4[%get3A_47, %get3A_48, %get3A_49] : memref<2x8x128xf32, #tpu.memory_space<vmem>>, vector<1x1x128xf32>
    %get3A_51 = vector.shape_cast %get3A_50 : vector<1x1x128xf32> to vector<1x128xf32>
    %add3A_52 = vector.broadcast %get3A_51 : vector<1x128xf32> to vector<1000x128xf32>
    %add3A_53 = arith.addf %mul3A_46, %add3A_52 : vector<1000x128xf32>
    %max3A_54 = arith.constant 0.000000e+00 : f32
    %max3A_55 = vector.broadcast %max3A_54 : f32 to vector<1000x128xf32>
    %max3A_56 = arith.maximumf %add3A_53, %max3A_55 : vector<1000x128xf32>
    %get3A_57 = arith.constant 0 : index
    %get3A_58 = arith.constant 0 : index
    %get3A_59 = vector.load %arg5[%get3A_57, %get3A_58] : memref<256x64xf32, #tpu.memory_space<vmem>>, vector<128x64xf32>
    %dot_general3A = arith.constant dense<0.000000e+00> : vector<1000x64xf32>
    %dot_general3A_60 = tpu.matmul %max3A_32, %get3A_59, %dot_general3A {dimension_numbers = #tpu.dot_dimension_numbers<[1], [0], [0], [1], [0, 0, 1, 1], [], []>, transpose_lhs_hint = false} : vector<1000x128xf32>, vector<128x64xf32>, vector<1000x64xf32> -> vector<1000x64xf32>
    %get3A_61 = arith.constant 128 : index
    %get3A_62 = arith.constant 0 : index
    %get3A_63 = vector.load %arg5[%get3A_61, %get3A_62] : memref<256x64xf32, #tpu.memory_space<vmem>>, vector<128x64xf32>
    %dot_general3A_64 = arith.constant dense<0.000000e+00> : vector<1000x64xf32>
    %dot_general3A_65 = tpu.matmul %max3A_56, %get3A_63, %dot_general3A_64 {dimension_numbers = #tpu.dot_dimension_numbers<[1], [0], [0], [1], [0, 0, 1, 1], [], []>, transpose_lhs_hint = false} : vector<1000x128xf32>, vector<128x64xf32>, vector<1000x64xf32> -> vector<1000x64xf32>
    %add3A_66 = arith.addf %dot_general3A_60, %dot_general3A_65 : vector<1000x64xf32>
    %broadcast_in_dim3A_67 = vector.shape_cast %rsqrt3A : vector<1000xf32> to vector<1000x1xf32>
    %mul3A_68 = vector.broadcast %broadcast_in_dim3A_67 : vector<1000x1xf32> to vector<1000x64xf32>
    %mul3A_69 = arith.mulf %add3A_66, %mul3A_68 : vector<1000x64xf32>
    %swap3A = arith.constant 0 : index
    %swap3A_70 = arith.constant 0 : index
    %swap3A_71 = vector.load %arg6[%swap3A, %swap3A_70] : memref<1000x128xf32, #tpu.memory_space<vmem>>, vector<1000x64xf32>
    tpu.vector_store %arg6[%swap3A, %swap3A_70], %mul3A_69 {strides = array<i32>} : memref<1000x128xf32, #tpu.memory_space<vmem>>, vector<1000x64xf32>,
    %broadcast_in_dim3A_72 = arith.constant 0.000000e+00 : f32
    %broadcast_in_dim3A_73 = vector.broadcast %broadcast_in_dim3A_72 : f32 to vector<1000x64xf32>
    %swap3A_74 = arith.constant 0 : index
    %swap3A_75 = arith.constant 64 : index
    %swap3A_76 = vector.load %arg6[%swap3A_74, %swap3A_75] : memref<1000x128xf32, #tpu.memory_space<vmem>>, vector<1000x64xf32>
    tpu.vector_store %arg6[%swap3A_74, %swap3A_75], %broadcast_in_dim3A_73 {strides = array<i32>} : memref<1000x128xf32, #tpu.memory_space<vmem>>, vector<1000x64xf32>,
    return
  }
  func.func @transform_0(%arg0: i32) -> (i32, i32, i32) {
    %c0_i32 = arith.constant 0 : i32
    %c0_i32_0 = arith.constant 0 : i32
    %c0_i32_1 = arith.constant 0 : i32
    return %c0_i32, %arg0, %c0_i32_0 : i32, i32, i32
  }
  func.func @transform_1(%arg0: i32) -> (i32, i32, i32) {
    %c0_i32 = arith.constant 0 : i32
    %c0_i32_0 = arith.constant 0 : i32
    %c0_i32_1 = arith.constant 0 : i32
    return %c0_i32, %arg0, %c0_i32_0 : i32, i32, i32
  }
  func.func @transform_2(%arg0: i32) -> (i32, i32, i32) {
    %c0_i32 = arith.constant 0 : i32
    %c0_i32_0 = arith.constant 0 : i32
    %c0_i32_1 = arith.constant 0 : i32
    return %arg0, %c0_i32, %c0_i32_0 : i32, i32, i32
  }
  func.func @transform_3(%arg0: i32) -> (i32, i32, i32) {
    %c0_i32 = arith.constant 0 : i32
    %c0_i32_0 = arith.constant 0 : i32
    %c0_i32_1 = arith.constant 0 : i32
    %c0_i32_2 = arith.constant 0 : i32
    return %c0_i32, %c0_i32_0, %c0_i32_1 : i32, i32, i32
  }
  func.func @transform_4(%arg0: i32) -> (i32, i32) {
    %c0_i32 = arith.constant 0 : i32
    %c0_i32_0 = arith.constant 0 : i32
    %c0_i32_1 = arith.constant 0 : i32
    return %c0_i32, %c0_i32_0 : i32, i32
  }
  func.func @transform_5(%arg0: i32) -> (i32, i32) {
    %c0_i32 = arith.constant 0 : i32
    %c0_i32_0 = arith.constant 0 : i32
    return %arg0, %c0_i32 : i32, i32
  }
}

</mosaic_0001>

<sc_bundles>
// kernel: kernel.11.cloned.1.call-start
scs
__scs_entry_jumppad:
0x0: {  	(pc) =	sbr.rel $0x88, $3  }
0x1: {  	(tag) =	ssettag $0x0;
	lr =	simm.s32 $0x1  }
0x2: {  	[smem:$0x3F9B] =	sst lr;
	_ =	strace $0xD0000000  }
0x3: {  	_ = 	snop  }
0x4: {  	_ = 	snop  }
0x5: {  	_ = 	snop  }
0x6: {  	_ = 	snop  }
0x7: {  	_ = 	snop  }
__scs_overlays_trampoline_lowered:
0x8: {  	[smem:$0x3FAA] =	sst s0  }
0x9: {  	[smem:$0x3FAB] =	sst s1  }
0xa: {  	[smem:$0x3FAC] =	sst s2  }
0xb: {  	[smem:$0x3FAD] =	sst s3  }
0xc: {  	[smem:$0x3FAE] =	sst s4  }
0xd: {  	[smem:$0x3FAF] =	sst s5  }
0xe: {  	[smem:$0x3FB0] =	sst s6  }
0xf: {  	[smem:$0x3FB1] =	sst s7  }
0x10: {  	[smem:$0x3FB2] =	sst s8  }
0x11: {  	[smem:$0x3FB3] =	sst s9;
	s0 =	simm.s32 @!p0 $0x0  }
0x12: {  	s1 =	sld [smem:$0x3F99];
	s0 =	simm.s32 @p0 $0x1  }
0x13: {  	[smem:$0x3FB4] =	sst s0;
	s0 =	simm.s32 @!p1 $0x0  }
0x14: {  	s2 =	sld [smem:$0x3F98];
	s0 =	simm.s32 @p1 $0x1  }
0x15: {  	[smem:$0x3FB5] =	sst s0;
	s0 =	simm.s32 @!p2 $0x0  }
0x16: {  	s3 =	sld [smem:$0x3FDB];
	s0 =	simm.s32 @p2 $0x1  }
0x17: {  	s4 =	simm.s32 $0x1BF5;
	[smem:$0x3FB7] =	sst s0  }
0x18: {  	s0 =	sld [smem:$0x3F9A];
	_ =	swait.ge [sflag:s4], $0x0  }
0x19: {  	s7 =	sld [smem:$0x3F9B]  }
0x1a: {  	s8 =	sadd.s32 $0xFFFFE003, lr  }
0x1b: {  	s9 =	sadd.s32 $0xFFFFFEF7, lr;
	s5 =	simm.s32 $0xFFFFFFFF;
	p2 =	slt.u32 s8, $0xFFFFF086  }
0x1c: {  	p1 =	slt.u32 s9, $0xF7A;
	s5 =	simm.s32 @!p2 $0x0  }
0x1d: {  	s5 =	simm.s32 @p1 $0x1;
	p0 =	seq.s32 s7, s2  }
0x1e: {  	s7 =	smul.u32 @!p0 $0xF7A, s2;
	p2 =	seq.s32 @!p0 s5, $0x0  }
0x1f: {  	s9 =	smul.u32 $0xF7A, s1;
	s8 =	simm.s32 @!p0 $0x1BF5;
	p2 =	por !p2, p0  }
0x20: {  	[sflag:s8] =	ssyncset.s32 @!p0 $0xFFFFF086;
	s6 =	sadd.s32 @!p0 s3, s7;
	s7 =	simm.s32 @!p0 $0x108  }
0x21: {  	s3 =	sadd.s32 s3, s9;
	s6 =	sadd.s32 @!p0 $0x88, s6;
	s7 =	simm.s32 @p2 $0x1082  }
0x22: {  	[simem:s7], [sflag:s8] =	dma.local @!p0 [hbm:s6], $0xF7A  }
0x23: {  	s9 =	sor.u32 $0xD0000000, s2;
	s6 =	simm.s32 $0x108;
	_ =	swait.ge @!p0 [sflag:s8], $0x0  }
0x24: {  	s3 =	sadd.s32 $0x88, s3;
	s6 =	simm.s32 @!p1 $0x1082;
	[sflag:s4] =	ssyncset.s32 $0xFFFFF086  }
0x25: {  	[simem:s6], [sflag:s4] =	dma.local [hbm:s3], $0xF7A  }
0x26: {  	[smem:$0x3F9B] =	sst s1;
	(tag) =	ssettag s2;
	_ =	strace s9  }
0x27: {  	s1 =	sld [smem:$0x3FAB]  }
0x28: {  	s2 =	sld [smem:$0x3FAC]  }
0x29: {  	s4 =	sld [smem:$0x3FAE]  }
0x2a: {  	p0 =	seq.s32 s5, $0x0;
	s5 =	sld [smem:$0x3FAF]  }
0x2b: {  	s6 =	sld [smem:$0x3FB0]  }
0x2c: {  	s7 =	sld [smem:$0x3FB1]  }
0x2d: {  	s3 =	simm.s32 $0x108;
	s8 =	sld [smem:$0x3FB2]  }
0x2e: {  	s3 =	simm.s32 @!p0 $0x1082;
	s9 =	sld [smem:$0x3FB3]  }
0x2f: {  	lr =	sadd.s32 s0, s3;
	s0 =	sld [smem:$0x3FAA]  }
0x30: {  	s3 =	sld [smem:$0x3FAD]  }
0x31: {  	[smem:$0x3FB6] =	sst s10  }
0x32: {  	s10 =	sld [smem:$0x3FB4];
	_ =	sdelay $0x3  }
0x33: {  	p0 =	seq.s32 s10, $0x1;
	s10 =	sld [smem:$0x3FB6];
	_ =	sdelay $0x3  }
0x34: {  	[smem:$0x3FB6] =	sst s10  }
0x35: {  	s10 =	sld [smem:$0x3FB5];
	_ =	sdelay $0x3  }
0x36: {  	p1 =	seq.s32 s10, $0x1;
	s10 =	sld [smem:$0x3FB6];
	_ =	sdelay $0x3  }
0x37: {  	[smem:$0x3FB6] =	sst s10  }
0x38: {  	s10 =	sld [smem:$0x3FB7]  }
0x39: {  	_ = 	snop;
	(pc) =	sbr.ind lr, $3  }
0x3a: {  	_ = 	snop  }
0x3b: {  	_ = 	snop  }
0x3c: {  	p2 =	seq.s32 s10, $0x1;
	s10 =	sld [smem:$0x3FB6]  }
0x3d: {  	_ =	shalt  }
0x3e: {  	_ =	shalt  }
0x3f: {  	_ =	shalt  }
0x40: {  	_ =	shalt  }
0x41: {  	_ =	shalt  }
0x42: {  	_ =	shalt  }
0x43: {  	_ =	shalt  }
0x44: {  	_ =	shalt  }
0x45: {  	_ =	shalt  }
0x46: {  	_ =	shalt  }
0x47: {  	_ =	shalt  }
0x48: {  	_ =	shalt  }
0x49: {  	_ =	shalt  }
0x4a: {  	_ =	shalt  }
0x4b: {  	_ =	shalt  }
0x4c: {  	_ =	shalt  }
0x4d: {  	_ =	shalt  }
0x4e: {  	_ =	shalt  }
0x4f: {  	_ =	shalt  }
0x50: {  	_ =	shalt  }
0x51: {  	_ =	shalt  }
0x52: {  	_ =	shalt  }
0x53: {  	_ =	shalt  }
0x54: {  	_ =	shalt  }
0x55: {  	_ =	shalt  }
0x56: {  	_ =	shalt  }
0x57: {  	_ =	shalt  }
0x58: {  	_ =	shalt  }
0x59: {  	_ =	shalt  }
0x5a: {  	_ =	shalt  }
0x5b: {  	_ =	shalt  }
0x5c: {  	_ =	shalt  }
0x5d: {  	_ =	shalt  }
0x5e: {  	_ =	shalt  }
0x5f: {  	_ =	shalt  }
0x60: {  	_ =	shalt  }
0x61: {  	_ =	shalt  }
0x62: {  	_ =	shalt  }
0x63: {  	_ =	shalt  }
0x64: {  	_ =	shalt  }
0x65: {  	_ =	shalt  }
0x66: {  	_ =	shalt  }
0x67: {  	_ =	shalt  }
0x68: {  	_ =	shalt  }
0x69: {  	_ =	shalt  }
0x6a: {  	_ =	shalt  }
0x6b: {  	_ =	shalt  }
0x6c: {  	_ =	shalt  }
0x6d: {  	_ =	shalt  }
0x6e: {  	_ =	shalt  }
0x6f: {  	_ =	shalt  }
0x70: {  	_ =	shalt  }
0x71: {  	_ =	shalt  }
0x72: {  	_ =	shalt  }
0x73: {  	_ =	shalt  }
0x74: {  	_ =	shalt  }
0x75: {  	_ =	shalt  }
0x76: {  	_ =	shalt  }
0x77: {  	_ =	shalt  }
0x78: {  	_ =	shalt  }
0x79: {  	_ =	shalt  }
0x7a: {  	_ =	shalt  }
0x7b: {  	_ =	shalt  }
0x7c: {  	_ =	shalt  }
0x7d: {  	_ =	shalt  }
0x7e: {  	_ =	shalt  }
0x7f: {  	_ =	shalt  }
0x80: {  	_ =	shalt  }
0x81: {  	_ =	shalt  }
0x82: {  	_ =	shalt  }
0x83: {  	_ =	shalt  }
0x84: {  	_ =	shalt  }
0x85: {  	_ =	shalt  }
0x86: {  	_ =	shalt  }
0x87: {  	_ =	shalt  }
.Lfunc_end0:
.L_simem_size_0:
called_computation.1_lowered:
.L_overlay_start_0:
0x88: {  	s2 =	sld [smem:$0x3FD9]  }
0x89: {  	s3 =	sld [smem:$0x3FFE];
	_ =	sdelay $0x1  }
0x8a: {  	s1 =	srdreg.scid  }
0x8b: {  	s0 =	sand.u32 $0x1, s1  }
0x8c: {  	s17 =	sshll.u32 s0, $0xA;
	s2 =	sadd.s32 s3, s2  }
0x8d: {  	s2 =	sadd.s32 s2, s17  }
0x8e: {  	[smem:$0x3FC2] =	sst s2  }
0x8f: {  	_ = 	snop  }
0x90: {  	s2 =	sld [smem:$0x3FD0];
	(tm) =	ssettm $0x1  }
0x91: {  	s18 =	sld [smem:$0x3FFB];
	_ =	sdelay $0x3  }
0x92: {  	_ =	strace s18  }
0x93: {  	s3 =	sld [smem:$0x3FFC];
	_ =	sdelay $0x3  }
0x94: {  	_ =	strace s3  }
0x95: {  	s3 =	sld [smem:$0x3FFD];
	_ =	sdelay $0x3  }
0x96: {  	_ =	strace s3  }
0x97: {  	_ =	strace $0x8FFFFFFF  }
0x98: {  	s19 =	sld [smem:$0x3FDB];
	_ =	sdelay $0x1  }
0x99: {  	s4 =	simm.s32 $_scs_section_size  }
0x9a: {  	s5 =	simm.s32 $_size__tile_overlayer_lowered;
	s6 =	simm.s32 $_tile_overlayer_lowered  }
0x9b: {  	s22 =	simm.s32 $0x1BFF;
	s21 =	sshll.u32 s6, $0x1;
	s3 =	sadd.s32 s4, s19  }
0x9c: {  	s7 =	simm.s32 $0x0;
	s20 =	sshll.u32 s5, $0x1;
	s5 =	sadd.s32 s21, s3  }
0x9d: {  	[timem:s7], [sflag:s22] =	dma.local [hbm:s5], s20  }
0x9e: {  	_ =	swait.ge [sflag:s22], s20  }
0x9f: {  	s4 =	ssub.s32 $0x0, s20;
	[sflag:s22] =	ssyncset.done $0x0  }
0xa0: {  	[sflag:s22] =	ssyncadd.s32 s4;
	_ =	sdelay $0x1  }
0xa1: {  	s23 =	simm.s32 $0x1B8B  }
0xa2: {  	_ =	swait.ge [sflag:s23], $0x1  }
0xa3: {  	[sflag:s23] =	ssyncset.done $0x0  }
0xa4: {  	s25 =	simm.s32 $0x1B8E;
	s24 =	sld [smem:$0x3FFE];
	[sflag:s23] =	ssyncadd.s32 $0xFFFFFFFF  }
0xa5: {  	s26 =	simm.s32 $execute0_lowered;
	[smem:$0x3FD2] =	sst s25  }
0xa6: {  	s5 =	sshll.u32 s26, $0x1;
	_ =	strace $0x80000049;
	[dreg:$0x1] =	wrdreg $0xFFFFFFFF  }
0xa7: {  	s28 =	simm.s32 $_size_execute0_lowered;
	s3 =	sadd.s32 s3, s5;
	[dreg:$0x0] =	wrdreg $0x0  }
0xa8: {  	s5 =	sshll.u32 s28, $0x1;
	[dreg:$0x2] =	wrdreg s3  }
0xa9: {  	[dreg:$0x3] =	wrdreg s5  }
0xaa: {  	[dreg:$0x4] =	wrdreg $0xC0  }
0xab: {  	_ =	task [dreg:s7], $0x5FFFF  }
0xac: {  	[dreg:$0x1] =	wrdreg $0xFFFFFFFF  }
0xad: {  	[dreg:$0x0] =	wrdreg $0x60  }
0xae: {  	[dreg:$0x2] =	wrdreg s2  }
0xaf: {  	[dreg:$0x3] =	wrdreg s24  }
0xb0: {  	[dreg:$0x4] =	wrdreg $0x0  }
0xb1: {  	[dreg:$0x5] =	wrdreg $0x9  }
0xb2: {  	_ =	task.clear_ibuf [dreg:s7], $0x6FFFF;
	_ =	strace $0x90000049  }
0xb3: {  	s29 =	simm.s32 $0x9;
	_ =	strace $0x8000004B  }
0xb4: {  	_ =	swait.ge [sflag:s29], $0x1  }
0xb5: {  	[sflag:s29] =	ssyncadd.s32 $0xFFFFFFFF  }
0xb6: {  	_ =	strace $0x9000004B  }
0xb7: {  	_ =	sfence  }
0xb8: {  	s30 =	sld [smem:$0x0];
	_ =	sdelay $0x2  }
0xb9: {  	s31 =	sshll.u32 s1, $0xD;
	s1 =	sshrl.u32 s1, $0x2  }
0xba: {  	s3 =	sand.u32 $0x4000, s31;
	s1 =	sadd.s32 s1, s30  }
0xbb: {  	s0 =	sor.u32 s3, s0;
	s1 =	sshll.u32 s1, $0x11  }
0xbc: {  	s0 =	sor.u32 s1, s0  }
0xbd: {  	s0 =	sadd.s32 $0x8F2B, s0  }
0xbe: {  	[sflag:s0] =	ssyncadd.remote.s32 $0x1  }
0xbf: {  	_ =	sfence.sel $0xFFFF  }
0xc0: {  	[dreg:$0x0] =	wrdreg $0xFFFFFFFF;
	(pc) =	sbr.abs _section_cstart, $3  }
0xc1: {  	[dreg:$0x1] =	wrdreg $0xFFFFFFFF  }
0xc2: {  	_ =	task.clear_ibuf [dreg:s7], $0x2FFFF;
	_ =	strace $0x9FFFFFFF  }
0xc3: {  	(tm) =	ssettm $0x7FFFFFFF  }
tec
execute0_lowered:
.L_overlay_start_1:
0x0: {  	(tag) =	ssettag $0x1  }
0x1: {  	s1 =	rddreg [dreg:$0x0]  }
0x2: {  	s0 =	rddreg [dreg:$0x1]  }
0x3: {  	s3 =	rddreg [dreg:$0x2]  }
0x4: {  	s2 =	srdreg.scid;
	s10 =	stileid.u32;
	s4 =	simm.s32 $0x0  }
0x5: {  	s28 =	simm.s32 $0x18800;
	s29 =	simm.s32 $0x14100;
	s30 =	simm.s32 $0x1A800  }
0x6: {  	s31 =	simm.s32 $0x14180;
	s11 =	simm.s32 $0x4;
	s12 =	simm.s32 $0x16600  }
0x7: {  	s14 =	simm.s32 $0x16700;
	s2 =	sand.u32 $0x1, s2;
	s8 =	smul.u32 $0x50000, s10  }
0x8: {  	s5 =	smul.u32 $0x278, s10;
	[smem:$0x7FF] =	sst s4;
	s6 =	sadd.s32 $0xBA00, s0  }
0x9: {  	s13 =	smul.u32 $0x2710, s2;
	_ =	strace $0x8000004A;
	s8 =	sshrl.u32 s8, $0x2  }
0xa: {  	s2 =	ssub.s32 $0x2, s2;
	s9 =	smin.u32 s5, $0x2498;
	s8 =	sadd.s32 s8, s3  }
0xb: {  	s5 =	sadd.s32 $0x1A00, s0;
	s15 =	sshrl.u32 s2, $0x1;
	s16 =	sadd.s32 $0x2000, s8  }
0xc: {  	s7 =	sadd.s32 s13, s9;
	s17 =	sadd.s32 $0x4000, s8;
	[dreg:$0x4] =	wrdreg s16  }
0xd: {  	s2 =	ssub.s32 s2, s15;
	s18 =	sadd.s32 $0x6000, s8;
	[dreg:$0x5] =	wrdreg s17  }
0xe: {  	s9 =	sshll.u32 s9, $0x7;
	s19 =	sadd.s32 $0x8000, s8;
	[dreg:$0x6] =	wrdreg s18  }
0xf: {  	v0 =	vmov s13;
	s13 =	simm.s32 $0x16680;
	s20 =	sadd.s32 $0xA000, s8;
	[dreg:$0x7] =	wrdreg s19  }
0x10: {  	s15 =	simm.s32 $0x16780;
	s21 =	sadd.s32 $0xC000, s8;
	[dreg:$0x8] =	wrdreg s20  }
0x11: {  	s7 =	sshll.u32 s7, $0x4;
	s22 =	sadd.s32 $0xE000, s8;
	[dreg:$0x9] =	wrdreg s21  }
0x12: {  	s23 =	sadd.s32 $0x10000, s8;
	s24 =	sadd.s32 $0x12000, s8;
	[dreg:$0xa] =	wrdreg s22  }
0x13: {  	s9 =	sadd.s32 s9, s3;
	s25 =	smax.u32 s2, $0x1;
	[dreg:$0xb] =	wrdreg s23  }
0x14: {  	s2 =	simm.s32 $0x1;
	s0 =	sadd.s32 s7, s0;
	[dreg:$0xc] =	wrdreg s24  }
0x15: {  	s7 =	smul.u32 $0xA0, s10;
	[dreg:$0xe] =	wrdreg s25;
	s20 =	simm.s32 $0x16800  }
0x16: {  	s21 =	simm.s32 $0x5;
	s22 =	simm.s32 $0x14000;
	s23 =	simm.s32 $0x15400  }
0x17: {  	s26 =	sshrl.u32 s9, $0x3;
	s25 =	simm.s32 $0x40;
	s9 =	simm.s32 $0x2  }
0x18: {  	s10 =	simm.s32 $0x3;
	s0 =	sadd.s32 $0x59C00, s0;
	[dreg:$0xf] =	wrdreg s26  }
0x19: {  	v1 =	vimm.f32 $0.0e+00;
	s26 =	simm.s32 $0x14080;
	[dreg:$0xd] =	wrdreg s0;
	s0 =	simm.s32 $0x1C800  }
.LBB2_1:
0x1a: {  	s16 =	simm.s32 $0x0;
	s17 =	simm.s32 $0x200  }
.LBB2_2:
0x1b: {  	p0 =	sne.s32 s17, $0x7E00;
	[tilespmem:s16+$0x16870] =	vst v1  }
0x1c: {  	[tilespmem:s16+$0x16800] =	vst v1  }
0x1d: {  	[tilespmem:s16+$0x16810] =	vst v1  }
.Ltmp0:
0x1e: {  	[tilespmem:s16+$0x16820] =	vst v1;
	(pc) =	sbr.rel @p0 .LBB2_2-.Ltmp0, $4  }
0x1f: {  	[tilespmem:s16+$0x16830] =	vst v1  }
0x20: {  	[tilespmem:s16+$0x16840] =	vst v1  }
0x21: {  	[tilespmem:s16+$0x16850] =	vst v1  }
0x22: {  	[tilespmem:s16+$0x16860] =	vst v1;
	s16 =	sshra.s32 s17, $0x2;
	s17 =	sadd.s32 $0x200, s17  }
0x23: {  	[tilespmem:s16+$0x16870] =	vst v1  }
0x24: {  	[tilespmem:s16+$0x16800] =	vst v1  }
0x25: {  	[tilespmem:s16+$0x16810] =	vst v1  }
0x26: {  	[tilespmem:s16+$0x16820] =	vst v1  }
0x27: {  	[tilespmem:s16+$0x16830] =	vst v1  }
0x28: {  	[tilespmem:s16+$0x16840] =	vst v1  }
0x29: {  	[tilespmem:s16+$0x16850] =	vst v1  }
0x2a: {  	[tilespmem:s16+$0x16860] =	vst v1  }
0x2b: {  	[spmem:s8] =	stream.linear.scatter [tilespmem:s20], [sflag:$0x5], $0x2000, $0x38;
	[tilespmem:$0x1E800] =	vst v63  }
0x2c: {  	_ =	swait.ge [sflag:s21], $0x2000  }
0x2d: {  	[sflag:s21] =	ssyncset.done $0x0  }
0x2e: {  	s24 =	rddreg [dreg:$0x4];
	[sflag:s21] =	ssyncadd.s32 $0xFFFFE000  }
0x2f: {  	[spmem:s24] =	stream.linear.scatter [tilespmem:s20], [sflag:$0x5], $0x2000, $0x38;
	[tilespmem:$0x1E800] =	vst v63  }
0x30: {  	_ =	swait.ge [sflag:s21], $0x2000  }
0x31: {  	[sflag:s21] =	ssyncset.done $0x0  }
0x32: {  	s17 =	rddreg [dreg:$0x5];
	[sflag:s21] =	ssyncadd.s32 $0xFFFFE000  }
0x33: {  	[spmem:s17] =	stream.linear.scatter [tilespmem:s20], [sflag:$0x5], $0x2000, $0x38;
	[tilespmem:$0x1E800] =	vst v63  }
0x34: {  	_ =	swait.ge [sflag:s21], $0x2000  }
0x35: {  	[sflag:s21] =	ssyncset.done $0x0  }
0x36: {  	s18 =	rddreg [dreg:$0x6];
	[sflag:s21] =	ssyncadd.s32 $0xFFFFE000  }
0x37: {  	[spmem:s18] =	stream.linear.scatter [tilespmem:s20], [sflag:$0x5], $0x2000, $0x38;
	[tilespmem:$0x1E800] =	vst v63  }
0x38: {  	_ =	swait.ge [sflag:s21], $0x2000  }
0x39: {  	[sflag:s21] =	ssyncset.done $0x0  }
0x3a: {  	s19 =	rddreg [dreg:$0x7];
	[sflag:s21] =	ssyncadd.s32 $0xFFFFE000  }
0x3b: {  	[spmem:s19] =	stream.linear.scatter [tilespmem:s20], [sflag:$0x5], $0x2000, $0x38;
	[tilespmem:$0x1E800] =	vst v63  }
0x3c: {  	_ =	swait.ge [sflag:s21], $0x2000  }
0x3d: {  	[sflag:s21] =	ssyncset.done $0x0  }
0x3e: {  	s24 =	rddreg [dreg:$0x8];
	[sflag:s21] =	ssyncadd.s32 $0xFFFFE000  }
0x3f: {  	[spmem:s24] =	stream.linear.scatter [tilespmem:s20], [sflag:$0x5], $0x2000, $0x38;
	[tilespmem:$0x1E800] =	vst v63  }
0x40: {  	_ =	swait.ge [sflag:s21], $0x2000  }
0x41: {  	[sflag:s21] =	ssyncset.done $0x0  }
0x42: {  	s17 =	rddreg [dreg:$0x9];
	[sflag:s21] =	ssyncadd.s32 $0xFFFFE000  }
0x43: {  	[spmem:s17] =	stream.linear.scatter [tilespmem:s20], [sflag:$0x5], $0x2000, $0x38;
	[tilespmem:$0x1E800] =	vst v63  }
0x44: {  	_ =	swait.ge [sflag:s21], $0x2000  }
0x45: {  	[sflag:s21] =	ssyncset.done $0x0  }
0x46: {  	s18 =	rddreg [dreg:$0xa];
	[sflag:s21] =	ssyncadd.s32 $0xFFFFE000  }
0x47: {  	[spmem:s18] =	stream.linear.scatter [tilespmem:s20], [sflag:$0x5], $0x2000, $0x38;
	[tilespmem:$0x1E800] =	vst v63  }
0x48: {  	_ =	swait.ge [sflag:s21], $0x2000  }
0x49: {  	[sflag:s21] =	ssyncset.done $0x0  }
0x4a: {  	s19 =	rddreg [dreg:$0xb];
	[sflag:s21] =	ssyncadd.s32 $0xFFFFE000  }
0x4b: {  	[spmem:s19] =	stream.linear.scatter [tilespmem:s20], [sflag:$0x5], $0x2000, $0x38;
	[tilespmem:$0x1E800] =	vst v63  }
0x4c: {  	_ =	swait.ge [sflag:s21], $0x2000  }
0x4d: {  	[sflag:s21] =	ssyncset.done $0x0  }
0x4e: {  	s24 =	rddreg [dreg:$0xc];
	[sflag:s21] =	ssyncadd.s32 $0xFFFFE000  }
0x4f: {  	[spmem:s24] =	stream.linear.scatter [tilespmem:s20], [sflag:$0x5], $0x2000, $0x38;
	[tilespmem:$0x1E800] =	vst v63  }
0x50: {  	_ =	swait.ge [sflag:s21], $0x2000  }
0x51: {  	[sflag:s21] =	ssyncset.done $0x0  }
0x52: {  	[sflag:s21] =	ssyncadd.s32 $0xFFFFE000  }
0x53: {  	s16 =	simm.s32 $0x0;
	s17 =	simm.s32 $0x0;
	[bflag:$0x0] =	sbarrier.arrive $0xFFFF  }
.LBB2_4:
0x54: {  	s18 =	smul.u32 $0x28, s17;
	_ =	sdelay $0x1  }
0x55: {  	s18 =	sadd.s32 s7, s18  }
0x56: {  	s18 =	sshll.u32 s18, $0x4  }
0x57: {  	s19 =	sadd.s32 s1, s18  }
0x58: {  	[tilespmem:s22], [sflag:$0x5] =	stream.linear.gather [hbm4b:s19+s16], $0x1400, $0x38;
	[tilespmem:$0x1E800] =	vst v63  }
0x59: {  	_ =	swait.ge [sflag:s21], $0x1400  }
0x5a: {  	[sflag:s21] =	ssyncset.done $0x0  }
0x5b: {  	s18 =	sadd.s32 s5, s18;
	[sflag:s21] =	ssyncadd.s32 $0xFFFFEC00  }
0x5c: {  	[tilespmem:s23], [sflag:$0x5] =	stream.linear.gather [hbm4b:s18+s16], $0x1400, $0x38;
	[tilespmem:$0x1E800] =	vst v63  }
0x5d: {  	_ =	swait.ge [sflag:s21], $0x1400  }
0x5e: {  	[sflag:s21] =	ssyncset.done $0x0  }
0x5f: {  	s18 =	simm.s32 $0x0;
	[sflag:s21] =	ssyncadd.s32 $0xFFFFEC00  }
0x60: {  	v4 =	vld [tilespmem:s18+$0x14000]  }
0x61: {  	v3 =	vld [tilespmem:s18+$0x14010]  }
0x62: {  	s19 =	simm.s32 $0x200;
	v2 =	vld [tilespmem:s18+$0x14020]  }
.LBB2_5:
0x63: {  	p0 =	sne.s32 s19, $0x4E00;
	v5 =	vld [tilespmem:s18+$0x14030];
	_ =	sdelay $0x1  }
.Ltmp1:
0x64: {  	v4 =	vadd.s32 v0, v4;
	(pc) =	sbr.rel @p0 .LBB2_5-.Ltmp1, $4  }
0x65: {  	s24 =	sshra.s32 s19, $0x2;
	[tilespmem:s18+$0x14000] =	vst v4;
	v3 =	vadd.s32 v0, v3  }
0x66: {  	v4 =	vld [tilespmem:s24+$0x14000];
	[tilespmem:s18+$0x14010] =	vst v3;
	v2 =	vadd.s32 v0, v2  }
0x67: {  	v3 =	vld [tilespmem:s24+$0x14010];
	[tilespmem:s18+$0x14020] =	vst v2;
	v5 =	vadd.s32 v0, v5  }
0x68: {  	s19 =	sadd.s32 $0x200, s19;
	v2 =	vld [tilespmem:s24+$0x14020];
	[tilespmem:s18+$0x14030] =	vst v5;
	s18 =	smov.u32 s24  }
0x69: {  	v5 =	vld [tilespmem:s18+$0x14030];
	_ =	sdelay $0x1  }
0x6a: {  	v4 =	vadd.s32 v0, v4  }
0x6b: {  	[tilespmem:s18+$0x14000] =	vst v4;
	v3 =	vadd.s32 v0, v3  }
0x6c: {  	[tilespmem:s18+$0x14010] =	vst v3;
	v2 =	vadd.s32 v0, v2  }
0x6d: {  	[tilespmem:s18+$0x14020] =	vst v2;
	v2 =	vadd.s32 v0, v5  }
0x6e: {  	[tilespmem:s18+$0x14030] =	vst v2  }
0x6f: {  	[tilespmem:s20], [sflag:$0x1] =	stream.indirect.gather [hbm4b:s6+s25], $0x80, s22, s25, $0xb8;
	[tilespmem:$0x1E800] =	vst v63  }
0x70: {  	_ = 	snop  }
0x71: {  	[tilespmem:s28], [sflag:$0x2] =	stream.indirect.gather [hbm4b:s6+s25], $0x80, s26, s25, $0xb8;
	[tilespmem:$0x1E800] =	vst v63  }
0x72: {  	_ = 	snop  }
0x73: {  	[tilespmem:s30], [sflag:$0x3] =	stream.indirect.gather [hbm4b:s6+s25], $0x80, s29, s25, $0xb8;
	[tilespmem:$0x1E800] =	vst v63  }
0x74: {  	_ = 	snop  }
0x75: {  	[tilespmem:s0], [sflag:$0x4] =	stream.indirect.gather [hbm4b:s6+s25], $0x80, s31, s25, $0xb8;
	[tilespmem:$0x1E800] =	vst v63  }
0x76: {  	_ =	swait.ge [sflag:s2], $0x2000  }
0x77: {  	[sflag:s2] =	ssyncset.done $0x0  }
0x78: {  	s24 =	simm.s32 $0x15400;
	[sflag:s2] =	ssyncadd.s32 $0xFFFFE000  }
0x79: {  	[spmem:s3] =	stream.indirect.scatter.add.f32 [tilespmem:s20], [sflag:$0x5], $0x80, s24, s25, $0xb8;
	[tilespmem:$0x1E800] =	vst v63  }
0x7a: {  	_ =	swait.ge [sflag:s21], $0x2000  }
0x7b: {  	[sflag:s21] =	ssyncset.done $0x0  }
0x7c: {  	s19 =	simm.s32 $0x14200;
	[sflag:s21] =	ssyncadd.s32 $0xFFFFE000  }
0x7d: {  	[tilespmem:s20], [sflag:$0x1] =	stream.indirect.gather [hbm4b:s6+s25], $0x80, s19, s25, $0xb8;
	[tilespmem:$0x1E800] =	vst v63  }
0x7e: {  	_ =	swait.ge [sflag:s9], $0x2000  }
0x7f: {  	[sflag:s9] =	ssyncset.done $0x0  }
0x80: {  	s24 =	simm.s32 $0x15480;
	[sflag:s9] =	ssyncadd.s32 $0xFFFFE000  }
0x81: {  	[spmem:s3] =	stream.indirect.scatter.add.f32 [tilespmem:s28], [sflag:$0x5], $0x80, s24, s25, $0xb8;
	[tilespmem:$0x1E800] =	vst v63  }
0x82: {  	_ =	swait.ge [sflag:s21], $0x2000  }
0x83: {  	[sflag:s21] =	ssyncset.done $0x0  }
0x84: {  	s19 =	simm.s32 $0x14280;
	[sflag:s21] =	ssyncadd.s32 $0xFFFFE000  }
0x85: {  	[tilespmem:s28], [sflag:$0x2] =	stream.indirect.gather [hbm4b:s6+s25], $0x80, s19, s25, $0xb8;
	[tilespmem:$0x1E800] =	vst v63  }
0x86: {  	_ =	swait.ge [sflag:s10], $0x2000  }
0x87: {  	[sflag:s10] =	ssyncset.done $0x0  }
0x88: {  	s24 =	simm.s32 $0x15500;
	[sflag:s10] =	ssyncadd.s32 $0xFFFFE000  }
0x89: {  	[spmem:s3] =	stream.indirect.scatter.add.f32 [tilespmem:s30], [sflag:$0x5], $0x80, s24, s25, $0xb8;
	[tilespmem:$0x1E800] =	vst v63  }
0x8a: {  	_ =	swait.ge [sflag:s21], $0x2000  }
0x8b: {  	[sflag:s21] =	ssyncset.done $0x0  }
0x8c: {  	s19 =	simm.s32 $0x14300;
	[sflag:s21] =	ssyncadd.s32 $0xFFFFE000  }
0x8d: {  	[tilespmem:s30], [sflag:$0x3] =	stream.indirect.gather [hbm4b:s6+s25], $0x80, s19, s25, $0xb8;
	[tilespmem:$0x1E800] =	vst v63  }
0x8e: {  	_ =	swait.ge [sflag:s11], $0x2000  }
0x8f: {  	[sflag:s11] =	ssyncset.done $0x0  }
0x90: {  	s24 =	simm.s32 $0x15580;
	[sflag:s11] =	ssyncadd.s32 $0xFFFFE000  }
0x91: {  	[spmem:s3] =	stream.indirect.scatter.add.f32 [tilespmem:s0], [sflag:$0x5], $0x80, s24, s25, $0xb8;
	[tilespmem:$0x1E800] =	vst v63  }
0x92: {  	_ =	swait.ge [sflag:s21], $0x2000  }
0x93: {  	[sflag:s21] =	ssyncset.done $0x0  }
0x94: {  	s18 =	simm.s32 $0x800;
	s19 =	simm.s32 $0x14380;
	[sflag:s21] =	ssyncadd.s32 $0xFFFFE000  }
.LBB2_7:
0x95: {  	[tilespmem:s0], [sflag:$0x4] =	stream.indirect.gather [hbm4b:s6+s25], $0x80, s19, s25, $0xb8;
	[tilespmem:$0x1E800] =	vst v63  }
0x96: {  	s19 =	smov.u32 s18  }
0x97: {  	p0 =	sne.s32 s18, $0x4000;
	s18 =	sadd.s32 $0x800, s18;
	_ =	swait.ge [sflag:s2], $0x2000  }
0x98: {  	s19 =	sshra.s32 s19, $0x2;
	[sflag:s2] =	ssyncset.done $0x0  }
0x99: {  	s24 =	sadd.s32 $0x15400, s19;
	[sflag:s2] =	ssyncadd.s32 $0xFFFFE000  }
0x9a: {  	[spmem:s3] =	stream.indirect.scatter.add.f32 [tilespmem:s20], [sflag:$0x5], $0x80, s24, s25, $0xb8;
	[tilespmem:$0x1E800] =	vst v63  }
0x9b: {  	_ =	swait.ge [sflag:s21], $0x2000  }
0x9c: {  	[sflag:s21] =	ssyncset.done $0x0  }
0x9d: {  	s24 =	sadd.s32 $0x14200, s19;
	[sflag:s21] =	ssyncadd.s32 $0xFFFFE000  }
0x9e: {  	[tilespmem:s20], [sflag:$0x1] =	stream.indirect.gather [hbm4b:s6+s25], $0x80, s24, s25, $0xb8;
	[tilespmem:$0x1E800] =	vst v63  }
0x9f: {  	_ =	swait.ge [sflag:s9], $0x2000  }
0xa0: {  	[sflag:s9] =	ssyncset.done $0x0  }
0xa1: {  	s24 =	sadd.s32 $0x15480, s19;
	[sflag:s9] =	ssyncadd.s32 $0xFFFFE000  }
0xa2: {  	[spmem:s3] =	stream.indirect.scatter.add.f32 [tilespmem:s28], [sflag:$0x5], $0x80, s24, s25, $0xb8;
	[tilespmem:$0x1E800] =	vst v63  }
0xa3: {  	_ =	swait.ge [sflag:s21], $0x2000  }
0xa4: {  	[sflag:s21] =	ssyncset.done $0x0  }
0xa5: {  	s24 =	sadd.s32 $0x14280, s19;
	[sflag:s21] =	ssyncadd.s32 $0xFFFFE000  }
0xa6: {  	[tilespmem:s28], [sflag:$0x2] =	stream.indirect.gather [hbm4b:s6+s25], $0x80, s24, s25, $0xb8;
	[tilespmem:$0x1E800] =	vst v63  }
0xa7: {  	_ =	swait.ge [sflag:s10], $0x2000  }
0xa8: {  	[sflag:s10] =	ssyncset.done $0x0  }
0xa9: {  	s24 =	sadd.s32 $0x15500, s19;
	[sflag:s10] =	ssyncadd.s32 $0xFFFFE000  }
0xaa: {  	[spmem:s3] =	stream.indirect.scatter.add.f32 [tilespmem:s30], [sflag:$0x5], $0x80, s24, s25, $0xb8;
	[tilespmem:$0x1E800] =	vst v63  }
0xab: {  	_ =	swait.ge [sflag:s21], $0x2000  }
0xac: {  	[sflag:s21] =	ssyncset.done $0x0  }
0xad: {  	s24 =	sadd.s32 $0x14300, s19;
	[sflag:s21] =	ssyncadd.s32 $0xFFFFE000  }
0xae: {  	[tilespmem:s30], [sflag:$0x3] =	stream.indirect.gather [hbm4b:s6+s25], $0x80, s24, s25, $0xb8;
	[tilespmem:$0x1E800] =	vst v63  }
0xaf: {  	_ =	swait.ge [sflag:s11], $0x2000  }
0xb0: {  	[sflag:s11] =	ssyncset.done $0x0  }
.Ltmp2:
0xb1: {  	s24 =	sadd.s32 $0x15580, s19;
	[sflag:s11] =	ssyncadd.s32 $0xFFFFE000;
	(pc) =	sbr.rel @p0 .LBB2_7-.Ltmp2, $4  }
0xb2: {  	[spmem:s3] =	stream.indirect.scatter.add.f32 [tilespmem:s0], [sflag:$0x5], $0x80, s24, s25, $0xb8;
	[tilespmem:$0x1E800] =	vst v63  }
0xb3: {  	_ =	swait.ge [sflag:s21], $0x2000  }
0xb4: {  	[sflag:s21] =	ssyncset.done $0x0  }
0xb5: {  	s19 =	sadd.s32 $0x14380, s19;
	[sflag:s21] =	ssyncadd.s32 $0xFFFFE000  }
0xb6: {  	[tilespmem:s0], [sflag:$0x4] =	stream.indirect.gather [hbm4b:s6+s25], $0x80, s19, s25, $0xb8;
	[tilespmem:$0x1E800] =	vst v63  }
0xb7: {  	_ =	swait.ge [sflag:s2], $0x2000  }
0xb8: {  	[sflag:s2] =	ssyncset.done $0x0  }
0xb9: {  	[sflag:s2] =	ssyncadd.s32 $0xFFFFE000  }
0xba: {  	[spmem:s3] =	stream.indirect.scatter.add.f32 [tilespmem:s20], [sflag:$0x5], $0x80, s12, s25, $0xb8;
	[tilespmem:$0x1E800] =	vst v63  }
0xbb: {  	_ =	swait.ge [sflag:s21], $0x2000  }
0xbc: {  	[sflag:s21] =	ssyncset.done $0x0  }
0xbd: {  	[sflag:s21] =	ssyncadd.s32 $0xFFFFE000  }
0xbe: {  	_ =	swait.ge [sflag:s9], $0x2000  }
0xbf: {  	[sflag:s9] =	ssyncset.done $0x0  }
0xc0: {  	[sflag:s9] =	ssyncadd.s32 $0xFFFFE000  }
0xc1: {  	[spmem:s3] =	stream.indirect.scatter.add.f32 [tilespmem:s28], [sflag:$0x5], $0x80, s13, s25, $0xb8;
	[tilespmem:$0x1E800] =	vst v63  }
0xc2: {  	_ =	swait.ge [sflag:s21], $0x2000  }
0xc3: {  	[sflag:s21] =	ssyncset.done $0x0  }
0xc4: {  	[sflag:s21] =	ssyncadd.s32 $0xFFFFE000  }
0xc5: {  	_ =	swait.ge [sflag:s10], $0x2000  }
0xc6: {  	[sflag:s10] =	ssyncset.done $0x0  }
0xc7: {  	[sflag:s10] =	ssyncadd.s32 $0xFFFFE000  }
0xc8: {  	[spmem:s3] =	stream.indirect.scatter.add.f32 [tilespmem:s30], [sflag:$0x5], $0x80, s14, s25, $0xb8;
	[tilespmem:$0x1E800] =	vst v63  }
0xc9: {  	_ =	swait.ge [sflag:s21], $0x2000  }
0xca: {  	[sflag:s21] =	ssyncset.done $0x0  }
0xcb: {  	[sflag:s21] =	ssyncadd.s32 $0xFFFFE000  }
0xcc: {  	s17 =	sadd.s32 $0x1, s17;
	_ =	swait.ge [sflag:s11], $0x2000  }
0xcd: {  	p0 =	sne.s32 s17, $0x4;
	[sflag:s11] =	ssyncset.done $0x0  }
.Ltmp3:
0xce: {  	[sflag:s11] =	ssyncadd.s32 $0xFFFFE000;
	(pc) =	sbr.rel @p0 .LBB2_4-.Ltmp3, $4  }
0xcf: {  	[spmem:s3] =	stream.indirect.scatter.add.f32 [tilespmem:s0], [sflag:$0x5], $0x80, s15, s25, $0xb8;
	[tilespmem:$0x1E800] =	vst v63  }
0xd0: {  	_ =	swait.ge [sflag:s21], $0x2000  }
0xd1: {  	[sflag:s21] =	ssyncset.done $0x0  }
0xd2: {  	[sflag:s21] =	ssyncadd.s32 $0xFFFFE000  }
0xd3: {  	s16 =	stileid.u32;
	[bflag:$0x0] =	sbarrier.arrive $0xFFFF  }
0xd4: {  	s16 =	sshll.u32 s16, $0x6;
	s17 =	rddreg [dreg:$0xd]  }
0xd5: {  	s18 =	rddreg [dreg:$0xf];
	s16 =	sor.u32 $0x1C05, s16  }
0xd6: {  	[hbm:s17], [sflag:s16] =	dma.local [spmem:s18], $0x2780  }
0xd7: {  	_ =	swait.ge [sflag:s21], $0x2780  }
0xd8: {  	s4 =	sadd.s32 $0x1, s4;
	s24 =	rddreg [dreg:$0xe]  }
0xd9: {  	p0 =	sne.s32 s4, s24  }
.Ltmp4:
0xda: {  	_ = 	snop;
	(pc) =	sbr.rel @p0 .LBB2_1-.Ltmp4, $3  }
0xdb: {  	_ =	sdelay $0x1  }
0xdc: {  	[sflag:s21] =	ssyncset.done $0x0  }
0xdd: {  	[sflag:s21] =	ssyncadd.s32 $0xFFFFD880  }
0xde: {  	_ =	sfence.sel $0x180000  }
0xdf: {  	[bflag:$0x0] =	sbarrier.arrive $0xFFFF  }
0xe0: {  	_ =	strace $0x9000004A  }
0xe1: {  	s0 =	stileid.u32;
	[bflag:$0x2] =	sbarrier.arrive $0xFFFF  }
0xe2: {  	p0 =	sne.s32 s0, $0x0;
	s0 =	rddreg [dreg:$0x3]  }
0xe3: {  	s0 =	sadd.s32 @!p0 $0x100000, s0  }
0xe4: {  	[sflag:s0] =	ssyncadd.tile.s32 @!p0 $0x1;
	_ =	shalt  }
.Lfunc_end2:
_tile_overlayer_lowered:
.L_overlay_start_2:
0xe5: {  	(tag) =	ssettag $0x2  }
0xe6: {  	s0 =	rddreg [dreg:$0x0];
	s2 =	stileid.u32  }
0xe7: {  	s1 =	rddreg [dreg:$0x1];
	p0 =	sne.s32 s2, $0x0  }
0xe8: {  	s3 =	rddreg [dreg:$0x2];
	[bflag:$0x3] =	sbarrier.arrive $0xFFFF;
	s2 =	simm.s32 @!p0 $0x1C05  }
0xe9: {  	[timem:s3], [sflag:s2] =	dma.local @!p0 [hbm:s0], s1  }
0xea: {  	s0 =	simm.s32 @!p0 $0x5  }
0xeb: {  	_ =	swait.ge @!p0 [sflag:s0], s1  }
0xec: {  	s1 =	ssub.s32 @!p0 $0x0, s1;
	[sflag:s0] =	ssyncset.done @!p0 $0x0  }
0xed: {  	[sflag:s0] =	ssyncadd.s32 @!p0 s1  }
0xee: {  	[bflag:$0x3] =	sbarrier.arrive $0xFFFF  }
0xef: {  	_ =	shalt  }

// kernel: kernel.14.cloned.1.call-start
scs
__scs_entry_jumppad:
0x0: {  	(pc) =	sbr.rel $0x88, $3  }
0x1: {  	(tag) =	ssettag $0x0;
	lr =	simm.s32 $0x1  }
0x2: {  	[smem:$0x3F9B] =	sst lr;
	_ =	strace $0xD0000000  }
0x3: {  	_ = 	snop  }
0x4: {  	_ = 	snop  }
0x5: {  	_ = 	snop  }
0x6: {  	_ = 	snop  }
0x7: {  	_ = 	snop  }
__scs_overlays_trampoline_lowered:
0x8: {  	[smem:$0x3FAA] =	sst s0  }
0x9: {  	[smem:$0x3FAB] =	sst s1  }
0xa: {  	[smem:$0x3FAC] =	sst s2  }
0xb: {  	[smem:$0x3FAD] =	sst s3  }
0xc: {  	[smem:$0x3FAE] =	sst s4  }
0xd: {  	[smem:$0x3FAF] =	sst s5  }
0xe: {  	[smem:$0x3FB0] =	sst s6  }
0xf: {  	[smem:$0x3FB1] =	sst s7  }
0x10: {  	[smem:$0x3FB2] =	sst s8  }
0x11: {  	[smem:$0x3FB3] =	sst s9;
	s0 =	simm.s32 @!p0 $0x0  }
0x12: {  	s1 =	sld [smem:$0x3F99];
	s0 =	simm.s32 @p0 $0x1  }
0x13: {  	[smem:$0x3FB4] =	sst s0;
	s0 =	simm.s32 @!p1 $0x0  }
0x14: {  	s2 =	sld [smem:$0x3F98];
	s0 =	simm.s32 @p1 $0x1  }
0x15: {  	[smem:$0x3FB5] =	sst s0;
	s0 =	simm.s32 @!p2 $0x0  }
0x16: {  	s3 =	sld [smem:$0x3FDB];
	s0 =	simm.s32 @p2 $0x1  }
0x17: {  	s4 =	simm.s32 $0x1BF5;
	[smem:$0x3FB7] =	sst s0  }
0x18: {  	s0 =	sld [smem:$0x3F9A];
	_ =	swait.ge [sflag:s4], $0x0  }
0x19: {  	s7 =	sld [smem:$0x3F9B]  }
0x1a: {  	s8 =	sadd.s32 $0xFFFFE003, lr  }
0x1b: {  	s9 =	sadd.s32 $0xFFFFFEF7, lr;
	s5 =	simm.s32 $0xFFFFFFFF;
	p2 =	slt.u32 s8, $0xFFFFF086  }
0x1c: {  	p1 =	slt.u32 s9, $0xF7A;
	s5 =	simm.s32 @!p2 $0x0  }
0x1d: {  	s5 =	simm.s32 @p1 $0x1;
	p0 =	seq.s32 s7, s2  }
0x1e: {  	s7 =	smul.u32 @!p0 $0xF7A, s2;
	p2 =	seq.s32 @!p0 s5, $0x0  }
0x1f: {  	s9 =	smul.u32 $0xF7A, s1;
	s8 =	simm.s32 @!p0 $0x1BF5;
	p2 =	por !p2, p0  }
0x20: {  	[sflag:s8] =	ssyncset.s32 @!p0 $0xFFFFF086;
	s6 =	sadd.s32 @!p0 s3, s7;
	s7 =	simm.s32 @!p0 $0x108  }
0x21: {  	s3 =	sadd.s32 s3, s9;
	s6 =	sadd.s32 @!p0 $0x88, s6;
	s7 =	simm.s32 @p2 $0x1082  }
0x22: {  	[simem:s7], [sflag:s8] =	dma.local @!p0 [hbm:s6], $0xF7A  }
0x23: {  	s9 =	sor.u32 $0xD0000000, s2;
	s6 =	simm.s32 $0x108;
	_ =	swait.ge @!p0 [sflag:s8], $0x0  }
0x24: {  	s3 =	sadd.s32 $0x88, s3;
	s6 =	simm.s32 @!p1 $0x1082;
	[sflag:s4] =	ssyncset.s32 $0xFFFFF086  }
0x25: {  	[simem:s6], [sflag:s4] =	dma.local [hbm:s3], $0xF7A  }
0x26: {  	[smem:$0x3F9B] =	sst s1;
	(tag) =	ssettag s2;
	_ =	strace s9  }
0x27: {  	s1 =	sld [smem:$0x3FAB]  }
0x28: {  	s2 =	sld [smem:$0x3FAC]  }
0x29: {  	s4 =	sld [smem:$0x3FAE]  }
0x2a: {  	p0 =	seq.s32 s5, $0x0;
	s5 =	sld [smem:$0x3FAF]  }
0x2b: {  	s6 =	sld [smem:$0x3FB0]  }
0x2c: {  	s7 =	sld [smem:$0x3FB1]  }
0x2d: {  	s3 =	simm.s32 $0x108;
	s8 =	sld [smem:$0x3FB2]  }
0x2e: {  	s3 =	simm.s32 @!p0 $0x1082;
	s9 =	sld [smem:$0x3FB3]  }
0x2f: {  	lr =	sadd.s32 s0, s3;
	s0 =	sld [smem:$0x3FAA]  }
0x30: {  	s3 =	sld [smem:$0x3FAD]  }
0x31: {  	[smem:$0x3FB6] =	sst s10  }
0x32: {  	s10 =	sld [smem:$0x3FB4];
	_ =	sdelay $0x3  }
0x33: {  	p0 =	seq.s32 s10, $0x1;
	s10 =	sld [smem:$0x3FB6];
	_ =	sdelay $0x3  }
0x34: {  	[smem:$0x3FB6] =	sst s10  }
0x35: {  	s10 =	sld [smem:$0x3FB5];
	_ =	sdelay $0x3  }
0x36: {  	p1 =	seq.s32 s10, $0x1;
	s10 =	sld [smem:$0x3FB6];
	_ =	sdelay $0x3  }
0x37: {  	[smem:$0x3FB6] =	sst s10  }
0x38: {  	s10 =	sld [smem:$0x3FB7]  }
0x39: {  	_ = 	snop;
	(pc) =	sbr.ind lr, $3  }
0x3a: {  	_ = 	snop  }
0x3b: {  	_ = 	snop  }
0x3c: {  	p2 =	seq.s32 s10, $0x1;
	s10 =	sld [smem:$0x3FB6]  }
0x3d: {  	_ =	shalt  }
0x3e: {  	_ =	shalt  }
0x3f: {  	_ =	shalt  }
0x40: {  	_ =	shalt  }
0x41: {  	_ =	shalt  }
0x42: {  	_ =	shalt  }
0x43: {  	_ =	shalt  }
0x44: {  	_ =	shalt  }
0x45: {  	_ =	shalt  }
0x46: {  	_ =	shalt  }
0x47: {  	_ =	shalt  }
0x48: {  	_ =	shalt  }
0x49: {  	_ =	shalt  }
0x4a: {  	_ =	shalt  }
0x4b: {  	_ =	shalt  }
0x4c: {  	_ =	shalt  }
0x4d: {  	_ =	shalt  }
0x4e: {  	_ =	shalt  }
0x4f: {  	_ =	shalt  }
0x50: {  	_ =	shalt  }
0x51: {  	_ =	shalt  }
0x52: {  	_ =	shalt  }
0x53: {  	_ =	shalt  }
0x54: {  	_ =	shalt  }
0x55: {  	_ =	shalt  }
0x56: {  	_ =	shalt  }
0x57: {  	_ =	shalt  }
0x58: {  	_ =	shalt  }
0x59: {  	_ =	shalt  }
0x5a: {  	_ =	shalt  }
0x5b: {  	_ =	shalt  }
0x5c: {  	_ =	shalt  }
0x5d: {  	_ =	shalt  }
0x5e: {  	_ =	shalt  }
0x5f: {  	_ =	shalt  }
0x60: {  	_ =	shalt  }
0x61: {  	_ =	shalt  }
0x62: {  	_ =	shalt  }
0x63: {  	_ =	shalt  }
0x64: {  	_ =	shalt  }
0x65: {  	_ =	shalt  }
0x66: {  	_ =	shalt  }
0x67: {  	_ =	shalt  }
0x68: {  	_ =	shalt  }
0x69: {  	_ =	shalt  }
0x6a: {  	_ =	shalt  }
0x6b: {  	_ =	shalt  }
0x6c: {  	_ =	shalt  }
0x6d: {  	_ =	shalt  }
0x6e: {  	_ =	shalt  }
0x6f: {  	_ =	shalt  }
0x70: {  	_ =	shalt  }
0x71: {  	_ =	shalt  }
0x72: {  	_ =	shalt  }
0x73: {  	_ =	shalt  }
0x74: {  	_ =	shalt  }
0x75: {  	_ =	shalt  }
0x76: {  	_ =	shalt  }
0x77: {  	_ =	shalt  }
0x78: {  	_ =	shalt  }
0x79: {  	_ =	shalt  }
0x7a: {  	_ =	shalt  }
0x7b: {  	_ =	shalt  }
0x7c: {  	_ =	shalt  }
0x7d: {  	_ =	shalt  }
0x7e: {  	_ =	shalt  }
0x7f: {  	_ =	shalt  }
0x80: {  	_ =	shalt  }
0x81: {  	_ =	shalt  }
0x82: {  	_ =	shalt  }
0x83: {  	_ =	shalt  }
0x84: {  	_ =	shalt  }
0x85: {  	_ =	shalt  }
0x86: {  	_ =	shalt  }
0x87: {  	_ =	shalt  }
.Lfunc_end0:
.L_simem_size_0:
called_computation.2_lowered:
.L_overlay_start_0:
0x88: {  	s2 =	sld [smem:$0x3FD9]  }
0x89: {  	s3 =	sld [smem:$0x3FFE];
	_ =	sdelay $0x1  }
0x8a: {  	s1 =	srdreg.scid  }
0x8b: {  	s0 =	sand.u32 $0x1, s1  }
0x8c: {  	s17 =	sshll.u32 s0, $0xA;
	s2 =	sadd.s32 s3, s2  }
0x8d: {  	s2 =	sadd.s32 s2, s17  }
0x8e: {  	[smem:$0x3FC2] =	sst s2  }
0x8f: {  	_ = 	snop  }
0x90: {  	s2 =	sld [smem:$0x3FD0];
	(tm) =	ssettm $0x1  }
0x91: {  	s18 =	sld [smem:$0x3FFB];
	_ =	sdelay $0x3  }
0x92: {  	_ =	strace s18  }
0x93: {  	s3 =	sld [smem:$0x3FFC];
	_ =	sdelay $0x3  }
0x94: {  	_ =	strace s3  }
0x95: {  	s3 =	sld [smem:$0x3FFD];
	_ =	sdelay $0x3  }
0x96: {  	_ =	strace s3  }
0x97: {  	_ =	strace $0x8FFFFFFF  }
0x98: {  	s19 =	sld [smem:$0x3FDB];
	_ =	sdelay $0x1  }
0x99: {  	s4 =	simm.s32 $_scs_section_size  }
0x9a: {  	s5 =	simm.s32 $_size__tile_overlayer_lowered;
	s6 =	simm.s32 $_tile_overlayer_lowered  }
0x9b: {  	s22 =	simm.s32 $0x1BFF;
	s21 =	sshll.u32 s6, $0x1;
	s3 =	sadd.s32 s4, s19  }
0x9c: {  	s7 =	simm.s32 $0x0;
	s20 =	sshll.u32 s5, $0x1;
	s5 =	sadd.s32 s21, s3  }
0x9d: {  	[timem:s7], [sflag:s22] =	dma.local [hbm:s5], s20  }
0x9e: {  	_ =	swait.ge [sflag:s22], s20  }
0x9f: {  	s4 =	ssub.s32 $0x0, s20;
	[sflag:s22] =	ssyncset.done $0x0  }
0xa0: {  	[sflag:s22] =	ssyncadd.s32 s4;
	_ =	sdelay $0x1  }
0xa1: {  	s23 =	simm.s32 $0x1B8B  }
0xa2: {  	_ =	swait.ge [sflag:s23], $0x1  }
0xa3: {  	[sflag:s23] =	ssyncset.done $0x0  }
0xa4: {  	s25 =	simm.s32 $0x1B8E;
	s24 =	sld [smem:$0x3FFE];
	[sflag:s23] =	ssyncadd.s32 $0xFFFFFFFF  }
0xa5: {  	s26 =	simm.s32 $execute0_lowered;
	[smem:$0x3FD2] =	sst s25  }
0xa6: {  	s5 =	sshll.u32 s26, $0x1;
	_ =	strace $0x8000004C;
	[dreg:$0x1] =	wrdreg $0xFFFFFFFF  }
0xa7: {  	s28 =	simm.s32 $_size_execute0_lowered;
	s3 =	sadd.s32 s3, s5;
	[dreg:$0x0] =	wrdreg $0x0  }
0xa8: {  	s5 =	sshll.u32 s28, $0x1;
	[dreg:$0x2] =	wrdreg s3  }
0xa9: {  	[dreg:$0x3] =	wrdreg s5  }
0xaa: {  	[dreg:$0x4] =	wrdreg $0xC0  }
0xab: {  	_ =	task [dreg:s7], $0x5FFFF  }
0xac: {  	[dreg:$0x1] =	wrdreg $0xFFFFFFFF  }
0xad: {  	[dreg:$0x0] =	wrdreg $0x60  }
0xae: {  	[dreg:$0x2] =	wrdreg s2  }
0xaf: {  	[dreg:$0x3] =	wrdreg s24  }
0xb0: {  	[dreg:$0x4] =	wrdreg $0x0  }
0xb1: {  	[dreg:$0x5] =	wrdreg $0x9  }
0xb2: {  	_ =	task.clear_ibuf [dreg:s7], $0x6FFFF;
	_ =	strace $0x9000004C  }
0xb3: {  	s29 =	simm.s32 $0x9;
	_ =	strace $0x8000004E  }
0xb4: {  	_ =	swait.ge [sflag:s29], $0x1  }
0xb5: {  	[sflag:s29] =	ssyncadd.s32 $0xFFFFFFFF  }
0xb6: {  	_ =	strace $0x9000004E  }
0xb7: {  	_ =	sfence  }
0xb8: {  	s30 =	sld [smem:$0x0];
	_ =	sdelay $0x2  }
0xb9: {  	s31 =	sshll.u32 s1, $0xD;
	s1 =	sshrl.u32 s1, $0x2  }
0xba: {  	s3 =	sand.u32 $0x4000, s31;
	s1 =	sadd.s32 s1, s30  }
0xbb: {  	s0 =	sor.u32 s3, s0;
	s1 =	sshll.u32 s1, $0x11  }
0xbc: {  	s0 =	sor.u32 s1, s0  }
0xbd: {  	s0 =	sadd.s32 $0x8F2B, s0  }
0xbe: {  	[sflag:s0] =	ssyncadd.remote.s32 $0x1  }
0xbf: {  	_ =	sfence.sel $0xFFFF  }
0xc0: {  	[dreg:$0x0] =	wrdreg $0xFFFFFFFF;
	(pc) =	sbr.abs _section_cstart, $3  }
0xc1: {  	[dreg:$0x1] =	wrdreg $0xFFFFFFFF  }
0xc2: {  	_ =	task.clear_ibuf [dreg:s7], $0x2FFFF;
	_ =	strace $0x9FFFFFFF  }
0xc3: {  	(tm) =	ssettm $0x7FFFFFFF  }
tec
execute0_lowered:
.L_overlay_start_1:
0x0: {  	(tag) =	ssettag $0x1  }
0x1: {  	s0 =	rddreg [dreg:$0x1];
	s2 =	srdreg.scid  }
0x2: {  	s1 =	stileid.u32;
	s3 =	rddreg [dreg:$0x2]  }
0x3: {  	s18 =	simm.s32 $0x0;
	s28 =	simm.s32 $0xA080;
	s29 =	simm.s32 $0xE800  }
0x4: {  	s30 =	simm.s32 $0xA100;
	s31 =	simm.s32 $0x10800;
	s11 =	simm.s32 $0x16800  }
0x5: {  	s12 =	simm.s32 $0x3;
	s2 =	sand.u32 $0x1, s2;
	s4 =	smul.u32 $0x278, s1  }
0x6: {  	[smem:$0x7FF] =	sst s18;
	s8 =	smul.u32 $0x50000, s1;
	s10 =	sshll.u32 s1, $0x1  }
0x7: {  	s5 =	smul.u32 $0x2710, s2;
	_ =	strace $0x8000004D;
	s13 =	ssub.s32 $0x2, s2  }
0x8: {  	s2 =	sor.u32 s2, s10;
	s10 =	simm.s32 $0x2;
	s8 =	sshrl.u32 s8, $0x2  }
0x9: {  	s4 =	smin.u32 s4, $0x2498;
	s9 =	sshrl.u32 s13, $0x1;
	s14 =	sadd.s32 s8, s3  }
0xa: {  	s6 =	sadd.s32 s5, s4;
	s15 =	sadd.s32 $0x2000, s14;
	[dreg:$0x5] =	wrdreg s14  }
0xb: {  	s5 =	sadd.s32 $0x1A00, s0;
	s16 =	sadd.s32 $0x4000, s14;
	[dreg:$0x6] =	wrdreg s15  }
0xc: {  	s8 =	smul.u32 $0x50, s2;
	s17 =	sadd.s32 $0x6000, s14;
	[dreg:$0x7] =	wrdreg s16  }
0xd: {  	s23 =	sshll.u32 s4, $0x7;
	s19 =	sadd.s32 $0x8000, s14;
	[dreg:$0x8] =	wrdreg s17  }
0xe: {  	s7 =	sshll.u32 s6, $0x4;
	s20 =	sadd.s32 $0xA000, s14;
	[dreg:$0x9] =	wrdreg s19  }
0xf: {  	s6 =	sadd.s32 $0xBA00, s0;
	s21 =	sadd.s32 $0xC000, s14;
	[dreg:$0xa] =	wrdreg s20  }
0x10: {  	s22 =	sadd.s32 $0xE000, s14;
	s24 =	sadd.s32 $0x10000, s14;
	[dreg:$0xb] =	wrdreg s21  }
0x11: {  	s1 =	sadd.s32 $0x12000, s14;
	s2 =	sadd.s32 s23, s3;
	[dreg:$0xc] =	wrdreg s22  }
0x12: {  	s23 =	simm.s32 $0xB400;
	s14 =	simm.s32 $0xC600;
	[dreg:$0xd] =	wrdreg s24  }
0x13: {  	s0 =	sadd.s32 s7, s0;
	s7 =	ssub.s32 s13, s9;
	[dreg:$0xe] =	wrdreg s1  }
0x14: {  	s20 =	simm.s32 $0x14800;
	s21 =	simm.s32 $0x5;
	s22 =	simm.s32 $0xA000  }
0x15: {  	s24 =	simm.s32 $0x40;
	s26 =	sshrl.u32 s2, $0x3;
	s2 =	simm.s32 $0xA180  }
0x16: {  	s9 =	simm.s32 $0x1;
	s13 =	simm.s32 $0x4;
	s15 =	simm.s32 $0xC680  }
0x17: {  	s16 =	simm.s32 $0xC700;
	s0 =	sadd.s32 $0x32C00, s0;
	[dreg:$0x11] =	wrdreg s26  }
0x18: {  	s17 =	simm.s32 $0xC780;
	s25 =	smax.u32 s7, $0x1;
	[dreg:$0xf] =	wrdreg s0  }
0x19: {  	v0 =	vimm.f32 $0.0e+00;
	s26 =	simm.s32 $0xC800;
	[dreg:$0x10] =	wrdreg s25;
	s0 =	simm.s32 $0x12800  }
.LBB2_1:
0x1a: {  	[dreg:$0x4] =	wrdreg s18;
	s7 =	simm.s32 $0x200;
	s4 =	simm.s32 $0x0  }
.LBB2_2:
0x1b: {  	p0 =	sne.s32 s7, $0x7E00;
	[tilespmem:s4+$0x14830] =	vst v0;
	s18 =	smov.u32 s7;
	s7 =	sadd.s32 $0x200, s7  }
.Ltmp0:
0x1c: {  	[tilespmem:s4+$0x14820] =	vst v0;
	(pc) =	sbr.rel @p0 .LBB2_2-.Ltmp0, $3  }
0x1d: {  	[tilespmem:s4+$0x14800] =	vst v0  }
0x1e: {  	[tilespmem:s4+$0x14810] =	vst v0;
	_ =	sdelay $0x1  }
0x1f: {  	s4 =	sshra.s32 s18, $0x2  }
0x20: {  	[tilespmem:s4+$0x14830] =	vst v0  }
0x21: {  	[tilespmem:s4+$0x14820] =	vst v0  }
0x22: {  	[tilespmem:s4+$0x14800] =	vst v0  }
0x23: {  	[tilespmem:s4+$0x14810] =	vst v0;
	s1 =	rddreg [dreg:$0x5]  }
0x24: {  	[spmem:s1] =	stream.linear.scatter [tilespmem:s20], [sflag:$0x5], $0x2000, $0x38;
	[tilespmem:$0x18800] =	vst v63  }
0x25: {  	_ =	swait.ge [sflag:s21], $0x2000  }
0x26: {  	[sflag:s21] =	ssyncset.done $0x0  }
0x27: {  	s7 =	rddreg [dreg:$0x6];
	[sflag:s21] =	ssyncadd.s32 $0xFFFFE000  }
0x28: {  	[spmem:s7] =	stream.linear.scatter [tilespmem:s20], [sflag:$0x5], $0x2000, $0x38;
	[tilespmem:$0x18800] =	vst v63  }
0x29: {  	_ =	swait.ge [sflag:s21], $0x2000  }
0x2a: {  	[sflag:s21] =	ssyncset.done $0x0  }
0x2b: {  	s18 =	rddreg [dreg:$0x7];
	[sflag:s21] =	ssyncadd.s32 $0xFFFFE000  }
0x2c: {  	[spmem:s18] =	stream.linear.scatter [tilespmem:s20], [sflag:$0x5], $0x2000, $0x38;
	[tilespmem:$0x18800] =	vst v63  }
0x2d: {  	_ =	swait.ge [sflag:s21], $0x2000  }
0x2e: {  	[sflag:s21] =	ssyncset.done $0x0  }
0x2f: {  	s19 =	rddreg [dreg:$0x8];
	[sflag:s21] =	ssyncadd.s32 $0xFFFFE000  }
0x30: {  	[spmem:s19] =	stream.linear.scatter [tilespmem:s20], [sflag:$0x5], $0x2000, $0x38;
	[tilespmem:$0x18800] =	vst v63  }
0x31: {  	_ =	swait.ge [sflag:s21], $0x2000  }
0x32: {  	[sflag:s21] =	ssyncset.done $0x0  }
0x33: {  	s25 =	rddreg [dreg:$0x9];
	[sflag:s21] =	ssyncadd.s32 $0xFFFFE000  }
0x34: {  	[spmem:s25] =	stream.linear.scatter [tilespmem:s20], [sflag:$0x5], $0x2000, $0x38;
	[tilespmem:$0x18800] =	vst v63  }
0x35: {  	_ =	swait.ge [sflag:s21], $0x2000  }
0x36: {  	[sflag:s21] =	ssyncset.done $0x0  }
0x37: {  	s4 =	rddreg [dreg:$0xa];
	[sflag:s21] =	ssyncadd.s32 $0xFFFFE000  }
0x38: {  	[spmem:s4] =	stream.linear.scatter [tilespmem:s20], [sflag:$0x5], $0x2000, $0x38;
	[tilespmem:$0x18800] =	vst v63  }
0x39: {  	_ =	swait.ge [sflag:s21], $0x2000  }
0x3a: {  	[sflag:s21] =	ssyncset.done $0x0  }
0x3b: {  	s7 =	rddreg [dreg:$0xb];
	[sflag:s21] =	ssyncadd.s32 $0xFFFFE000  }
0x3c: {  	[spmem:s7] =	stream.linear.scatter [tilespmem:s20], [sflag:$0x5], $0x2000, $0x38;
	[tilespmem:$0x18800] =	vst v63  }
0x3d: {  	_ =	swait.ge [sflag:s21], $0x2000  }
0x3e: {  	[sflag:s21] =	ssyncset.done $0x0  }
0x3f: {  	s18 =	rddreg [dreg:$0xc];
	[sflag:s21] =	ssyncadd.s32 $0xFFFFE000  }
0x40: {  	[spmem:s18] =	stream.linear.scatter [tilespmem:s20], [sflag:$0x5], $0x2000, $0x38;
	[tilespmem:$0x18800] =	vst v63  }
0x41: {  	_ =	swait.ge [sflag:s21], $0x2000  }
0x42: {  	[sflag:s21] =	ssyncset.done $0x0  }
0x43: {  	s19 =	rddreg [dreg:$0xd];
	[sflag:s21] =	ssyncadd.s32 $0xFFFFE000  }
0x44: {  	[spmem:s19] =	stream.linear.scatter [tilespmem:s20], [sflag:$0x5], $0x2000, $0x38;
	[tilespmem:$0x18800] =	vst v63  }
0x45: {  	_ =	swait.ge [sflag:s21], $0x2000  }
0x46: {  	[sflag:s21] =	ssyncset.done $0x0  }
0x47: {  	s25 =	rddreg [dreg:$0xe];
	[sflag:s21] =	ssyncadd.s32 $0xFFFFE000  }
0x48: {  	[spmem:s25] =	stream.linear.scatter [tilespmem:s20], [sflag:$0x5], $0x2000, $0x38;
	[tilespmem:$0x18800] =	vst v63  }
0x49: {  	_ =	swait.ge [sflag:s21], $0x2000  }
0x4a: {  	[sflag:s21] =	ssyncset.done $0x0  }
0x4b: {  	p1 =	por $0x1, $0x1;
	[sflag:s21] =	ssyncadd.s32 $0xFFFFE000  }
0x4c: {  	s4 =	simm.s32 $0x0;
	s18 =	simm.s32 $0x0;
	[bflag:$0x0] =	sbarrier.arrive $0xFFFF  }
.LBB2_4:
0x4d: {  	s4 =	sadd.s32 s8, s4  }
0x4e: {  	s1 =	rddreg [dreg:$0x0];
	s4 =	sshll.u32 s4, $0x4  }
0x4f: {  	s7 =	sadd.s32 s1, s4  }
0x50: {  	[tilespmem:s22], [sflag:$0x5] =	stream.linear.gather [hbm4b:s7+s18], $0x1400, $0x38;
	[tilespmem:$0x18800] =	vst v63  }
0x51: {  	_ =	swait.ge [sflag:s21], $0x1400  }
0x52: {  	[sflag:s21] =	ssyncset.done $0x0  }
0x53: {  	s4 =	sadd.s32 s5, s4;
	[sflag:s21] =	ssyncadd.s32 $0xFFFFEC00  }
0x54: {  	[tilespmem:s23], [sflag:$0x5] =	stream.linear.gather [hbm4b:s4+s18], $0x1400, $0x38;
	[tilespmem:$0x18800] =	vst v63  }
0x55: {  	_ =	swait.ge [sflag:s21], $0x1400  }
0x56: {  	[sflag:s21] =	ssyncset.done $0x0  }
0x57: {  	[sflag:s21] =	ssyncadd.s32 $0xFFFFEC00  }
0x58: {  	[tilespmem:s26], [sflag:$0x1] =	stream.indirect.gather [hbm4b:s6+s24], $0x80, s22, s24, $0xb8;
	[tilespmem:$0x18800] =	vst v63  }
0x59: {  	_ = 	snop  }
0x5a: {  	[tilespmem:s29], [sflag:$0x2] =	stream.indirect.gather [hbm4b:s6+s24], $0x80, s28, s24, $0xb8;
	[tilespmem:$0x18800] =	vst v63  }
0x5b: {  	_ = 	snop  }
0x5c: {  	[tilespmem:s31], [sflag:$0x3] =	stream.indirect.gather [hbm4b:s6+s24], $0x80, s30, s24, $0xb8;
	[tilespmem:$0x18800] =	vst v63  }
0x5d: {  	p0 =	por p1, p1;
	s19 =	simm.s32 $0x0  }
0x5e: {  	[tilespmem:s0], [sflag:$0x4] =	stream.indirect.gather [hbm4b:s6+s24], $0x80, s2, s24, $0xb8;
	[tilespmem:$0x18800] =	vst v63  }
.LBB2_5:
0x5f: {  	_ =	swait.ge [sflag:s9], $0x2000  }
0x60: {  	[sflag:s9] =	ssyncset.done $0x0  }
0x61: {  	s7 =	simm.s32 $0x0;
	[sflag:s9] =	ssyncadd.s32 $0xFFFFE000  }
0x62: {  	v2 =	vld [tilespmem:s7+$0xC830]  }
0x63: {  	v3 =	vld [tilespmem:s7+$0xC800]  }
0x64: {  	v1 =	vld [tilespmem:s7+$0xC810]  }
0x65: {  	s25 =	simm.s32 $0x200;
	v4 =	vld [tilespmem:s7+$0xC820]  }
.LBB2_6:
0x66: {  	p1 =	sne.s32 s25, $0x7E00  }
.Ltmp1:
0x67: {  	s4 =	sshra.s32 s25, $0x2;
	s25 =	sadd.s32 $0x200, s25;
	[tilespmem:s7+$0x14830] =	vst v2;
	(pc) =	sbr.rel @p1 .LBB2_6-.Ltmp1, $4  }
0x68: {  	v2 =	vld [tilespmem:s4+$0xC830];
	[tilespmem:s7+$0x14800] =	vst v3  }
0x69: {  	v3 =	vld [tilespmem:s4+$0xC800];
	[tilespmem:s7+$0x14810] =	vst v1  }
0x6a: {  	v1 =	vld [tilespmem:s4+$0xC810];
	[tilespmem:s7+$0x14820] =	vst v4;
	s7 =	smov.u32 s4  }
0x6b: {  	v4 =	vld [tilespmem:s7+$0xC820]  }
0x6c: {  	_ = 	snop  }
0x6d: {  	[tilespmem:s7+$0x14830] =	vst v2  }
0x6e: {  	s4 =	sshll.u32 s19, $0x9;
	[tilespmem:s7+$0x14800] =	vst v3  }
0x6f: {  	s25 =	sand.u32 $0x3FFFFE00, s4;
	[tilespmem:s7+$0x14810] =	vst v1  }
0x70: {  	s4 =	sadd.s32 $0xA200, s25;
	[tilespmem:s7+$0x14820] =	vst v4  }
0x71: {  	[tilespmem:s26], [sflag:$0x1] =	stream.indirect.gather [hbm4b:s6+s24], $0x80, s4, s24, $0xb8;
	[tilespmem:$0x18800] =	vst v63  }
0x72: {  	s7 =	sadd.s32 $0xB400, s25  }
0x73: {  	[spmem:s3] =	stream.indirect.scatter.add.f32 [tilespmem:s20], [sflag:$0x5], $0x40, s7, s24, $0xb8;
	[tilespmem:$0x18800] =	vst v63  }
0x74: {  	_ =	swait.ge [sflag:s21], $0x1000  }
0x75: {  	[sflag:s21] =	ssyncset.done $0x0  }
0x76: {  	[sflag:s21] =	ssyncadd.s32 $0xFFFFF000  }
0x77: {  	_ =	swait.ge [sflag:s10], $0x2000  }
0x78: {  	[sflag:s10] =	ssyncset.done $0x0  }
0x79: {  	s7 =	simm.s32 $0x0;
	[sflag:s10] =	ssyncadd.s32 $0xFFFFE000  }
0x7a: {  	v1 =	vld [tilespmem:s7+$0xE830]  }
0x7b: {  	v2 =	vld [tilespmem:s7+$0xE800]  }
0x7c: {  	v3 =	vld [tilespmem:s7+$0xE810]  }
0x7d: {  	s4 =	simm.s32 $0x200;
	v4 =	vld [tilespmem:s7+$0xE820]  }
.LBB2_8:
0x7e: {  	p1 =	sne.s32 s4, $0x7E00  }
.Ltmp2:
0x7f: {  	s1 =	sshra.s32 s4, $0x2;
	s4 =	sadd.s32 $0x200, s4;
	[tilespmem:s7+$0x16830] =	vst v1;
	(pc) =	sbr.rel @p1 .LBB2_8-.Ltmp2, $4  }
0x80: {  	v1 =	vld [tilespmem:s1+$0xE830];
	[tilespmem:s7+$0x16800] =	vst v2  }
0x81: {  	v2 =	vld [tilespmem:s1+$0xE800];
	[tilespmem:s7+$0x16810] =	vst v3  }
0x82: {  	v3 =	vld [tilespmem:s1+$0xE810];
	[tilespmem:s7+$0x16820] =	vst v4;
	s7 =	smov.u32 s1  }
0x83: {  	v4 =	vld [tilespmem:s7+$0xE820]  }
0x84: {  	_ = 	snop  }
0x85: {  	[tilespmem:s7+$0x16830] =	vst v1  }
0x86: {  	[tilespmem:s7+$0x16800] =	vst v2  }
0x87: {  	[tilespmem:s7+$0x16810] =	vst v3  }
0x88: {  	s1 =	sadd.s32 $0xA280, s25;
	[tilespmem:s7+$0x16820] =	vst v4  }
0x89: {  	[tilespmem:s29], [sflag:$0x2] =	stream.indirect.gather [hbm4b:s6+s24], $0x80, s1, s24, $0xb8;
	[tilespmem:$0x18800] =	vst v63  }
0x8a: {  	s7 =	sadd.s32 $0xB480, s25  }
0x8b: {  	[spmem:s3] =	stream.indirect.scatter.add.f32 [tilespmem:s11], [sflag:$0x5], $0x40, s7, s24, $0xb8;
	[tilespmem:$0x18800] =	vst v63  }
0x8c: {  	_ =	swait.ge [sflag:s21], $0x1000  }
0x8d: {  	[sflag:s21] =	ssyncset.done $0x0  }
0x8e: {  	[sflag:s21] =	ssyncadd.s32 $0xFFFFF000  }
0x8f: {  	_ =	swait.ge [sflag:s12], $0x2000  }
0x90: {  	[sflag:s12] =	ssyncset.done $0x0  }
0x91: {  	s7 =	simm.s32 $0x0;
	[sflag:s12] =	ssyncadd.s32 $0xFFFFE000  }
0x92: {  	v1 =	vld [tilespmem:s7+$0x10830]  }
0x93: {  	v2 =	vld [tilespmem:s7+$0x10800]  }
0x94: {  	v3 =	vld [tilespmem:s7+$0x10810]  }
0x95: {  	s4 =	simm.s32 $0x200;
	v4 =	vld [tilespmem:s7+$0x10820]  }
.LBB2_10:
0x96: {  	p1 =	sne.s32 s4, $0x7E00  }
.Ltmp3:
0x97: {  	s1 =	sshra.s32 s4, $0x2;
	s4 =	sadd.s32 $0x200, s4;
	[tilespmem:s7+$0x14830] =	vst v1;
	(pc) =	sbr.rel @p1 .LBB2_10-.Ltmp3, $4  }
0x98: {  	v1 =	vld [tilespmem:s1+$0x10830];
	[tilespmem:s7+$0x14800] =	vst v2  }
0x99: {  	v2 =	vld [tilespmem:s1+$0x10800];
	[tilespmem:s7+$0x14810] =	vst v3  }
0x9a: {  	v3 =	vld [tilespmem:s1+$0x10810];
	[tilespmem:s7+$0x14820] =	vst v4;
	s7 =	smov.u32 s1  }
0x9b: {  	v4 =	vld [tilespmem:s7+$0x10820]  }
0x9c: {  	_ = 	snop  }
0x9d: {  	[tilespmem:s7+$0x14830] =	vst v1  }
0x9e: {  	[tilespmem:s7+$0x14800] =	vst v2  }
0x9f: {  	[tilespmem:s7+$0x14810] =	vst v3  }
0xa0: {  	s1 =	sadd.s32 $0xA300, s25;
	[tilespmem:s7+$0x14820] =	vst v4  }
0xa1: {  	[tilespmem:s31], [sflag:$0x3] =	stream.indirect.gather [hbm4b:s6+s24], $0x80, s1, s24, $0xb8;
	[tilespmem:$0x18800] =	vst v63  }
0xa2: {  	s7 =	sadd.s32 $0xB500, s25  }
0xa3: {  	[spmem:s3] =	stream.indirect.scatter.add.f32 [tilespmem:s20], [sflag:$0x5], $0x40, s7, s24, $0xb8;
	[tilespmem:$0x18800] =	vst v63  }
0xa4: {  	_ =	swait.ge [sflag:s21], $0x1000  }
0xa5: {  	[sflag:s21] =	ssyncset.done $0x0  }
0xa6: {  	[sflag:s21] =	ssyncadd.s32 $0xFFFFF000  }
0xa7: {  	_ =	swait.ge [sflag:s13], $0x2000  }
0xa8: {  	[sflag:s13] =	ssyncset.done $0x0  }
0xa9: {  	s7 =	simm.s32 $0x0;
	[sflag:s13] =	ssyncadd.s32 $0xFFFFE000  }
0xaa: {  	v1 =	vld [tilespmem:s7+$0x12830]  }
0xab: {  	v2 =	vld [tilespmem:s7+$0x12800]  }
0xac: {  	v3 =	vld [tilespmem:s7+$0x12810]  }
0xad: {  	s4 =	simm.s32 $0x200;
	v4 =	vld [tilespmem:s7+$0x12820]  }
.LBB2_12:
0xae: {  	p1 =	sne.s32 s4, $0x7E00  }
.Ltmp4:
0xaf: {  	s1 =	sshra.s32 s4, $0x2;
	s4 =	sadd.s32 $0x200, s4;
	[tilespmem:s7+$0x16830] =	vst v1;
	(pc) =	sbr.rel @p1 .LBB2_12-.Ltmp4, $4  }
0xb0: {  	v1 =	vld [tilespmem:s1+$0x12830];
	[tilespmem:s7+$0x16800] =	vst v2  }
0xb1: {  	v2 =	vld [tilespmem:s1+$0x12800];
	[tilespmem:s7+$0x16810] =	vst v3  }
0xb2: {  	v3 =	vld [tilespmem:s1+$0x12810];
	[tilespmem:s7+$0x16820] =	vst v4;
	s7 =	smov.u32 s1  }
0xb3: {  	v4 =	vld [tilespmem:s7+$0x12820]  }
0xb4: {  	_ = 	snop  }
0xb5: {  	[tilespmem:s7+$0x16830] =	vst v1  }
0xb6: {  	[tilespmem:s7+$0x16800] =	vst v2  }
0xb7: {  	s19 =	sadd.s32 $0x1, s19;
	[tilespmem:s7+$0x16810] =	vst v3  }
0xb8: {  	s1 =	sadd.s32 $0xA380, s25;
	p1 =	sne.s32 s19, $0x9;
	[tilespmem:s7+$0x16820] =	vst v4  }
0xb9: {  	[tilespmem:s0], [sflag:$0x4] =	stream.indirect.gather [hbm4b:s6+s24], $0x80, s1, s24, $0xb8;
	[tilespmem:$0x18800] =	vst v63  }
.Ltmp5:
0xba: {  	s25 =	sadd.s32 $0xB580, s25;
	(pc) =	sbr.rel @p1 .LBB2_5-.Ltmp5, $4  }
0xbb: {  	[spmem:s3] =	stream.indirect.scatter.add.f32 [tilespmem:s11], [sflag:$0x5], $0x40, s25, s24, $0xb8;
	[tilespmem:$0x18800] =	vst v63  }
0xbc: {  	_ =	swait.ge [sflag:s21], $0x1000  }
0xbd: {  	[sflag:s21] =	ssyncset.done $0x0  }
0xbe: {  	[sflag:s21] =	ssyncadd.s32 $0xFFFFF000  }
0xbf: {  	_ =	swait.ge [sflag:s9], $0x2000  }
0xc0: {  	[sflag:s9] =	ssyncset.done $0x0  }
0xc1: {  	s7 =	simm.s32 $0x0;
	[sflag:s9] =	ssyncadd.s32 $0xFFFFE000  }
0xc2: {  	v1 =	vld [tilespmem:s7+$0xC830]  }
0xc3: {  	v2 =	vld [tilespmem:s7+$0xC800]  }
0xc4: {  	v3 =	vld [tilespmem:s7+$0xC810]  }
0xc5: {  	s4 =	simm.s32 $0x200;
	v4 =	vld [tilespmem:s7+$0xC820]  }
.LBB2_15:
0xc6: {  	p1 =	sne.s32 s4, $0x7E00  }
.Ltmp6:
0xc7: {  	s1 =	sshra.s32 s4, $0x2;
	s4 =	sadd.s32 $0x200, s4;
	[tilespmem:s7+$0x14830] =	vst v1;
	(pc) =	sbr.rel @p1 .LBB2_15-.Ltmp6, $4  }
0xc8: {  	v1 =	vld [tilespmem:s1+$0xC830];
	[tilespmem:s7+$0x14800] =	vst v2  }
0xc9: {  	v2 =	vld [tilespmem:s1+$0xC800];
	[tilespmem:s7+$0x14810] =	vst v3  }
0xca: {  	v3 =	vld [tilespmem:s1+$0xC810];
	[tilespmem:s7+$0x14820] =	vst v4;
	s7 =	smov.u32 s1  }
0xcb: {  	v4 =	vld [tilespmem:s7+$0xC820]  }
0xcc: {  	_ = 	snop  }
0xcd: {  	[tilespmem:s7+$0x14830] =	vst v1  }
0xce: {  	[tilespmem:s7+$0x14800] =	vst v2  }
0xcf: {  	[tilespmem:s7+$0x14810] =	vst v3  }
0xd0: {  	[tilespmem:s7+$0x14820] =	vst v4  }
0xd1: {  	[spmem:s3] =	stream.indirect.scatter.add.f32 [tilespmem:s20], [sflag:$0x5], $0x40, s14, s24, $0xb8;
	[tilespmem:$0x18800] =	vst v63  }
0xd2: {  	_ =	swait.ge [sflag:s21], $0x1000  }
0xd3: {  	[sflag:s21] =	ssyncset.done $0x0  }
0xd4: {  	[sflag:s21] =	ssyncadd.s32 $0xFFFFF000  }
0xd5: {  	_ =	swait.ge [sflag:s10], $0x2000  }
0xd6: {  	[sflag:s10] =	ssyncset.done $0x0  }
0xd7: {  	s7 =	simm.s32 $0x0;
	[sflag:s10] =	ssyncadd.s32 $0xFFFFE000  }
0xd8: {  	v1 =	vld [tilespmem:s7+$0xE830]  }
0xd9: {  	v2 =	vld [tilespmem:s7+$0xE800]  }
0xda: {  	v3 =	vld [tilespmem:s7+$0xE810]  }
0xdb: {  	s4 =	simm.s32 $0x200;
	v4 =	vld [tilespmem:s7+$0xE820]  }
.LBB2_17:
0xdc: {  	p1 =	sne.s32 s4, $0x7E00  }
.Ltmp7:
0xdd: {  	s1 =	sshra.s32 s4, $0x2;
	s4 =	sadd.s32 $0x200, s4;
	[tilespmem:s7+$0x16830] =	vst v1;
	(pc) =	sbr.rel @p1 .LBB2_17-.Ltmp7, $4  }
0xde: {  	v1 =	vld [tilespmem:s1+$0xE830];
	[tilespmem:s7+$0x16800] =	vst v2  }
0xdf: {  	v2 =	vld [tilespmem:s1+$0xE800];
	[tilespmem:s7+$0x16810] =	vst v3  }
0xe0: {  	v3 =	vld [tilespmem:s1+$0xE810];
	[tilespmem:s7+$0x16820] =	vst v4;
	s7 =	smov.u32 s1  }
0xe1: {  	v4 =	vld [tilespmem:s7+$0xE820]  }
0xe2: {  	_ = 	snop  }
0xe3: {  	[tilespmem:s7+$0x16830] =	vst v1  }
0xe4: {  	[tilespmem:s7+$0x16800] =	vst v2  }
0xe5: {  	[tilespmem:s7+$0x16810] =	vst v3  }
0xe6: {  	[tilespmem:s7+$0x16820] =	vst v4  }
0xe7: {  	[spmem:s3] =	stream.indirect.scatter.add.f32 [tilespmem:s11], [sflag:$0x5], $0x40, s15, s24, $0xb8;
	[tilespmem:$0x18800] =	vst v63  }
0xe8: {  	_ =	swait.ge [sflag:s21], $0x1000  }
0xe9: {  	[sflag:s21] =	ssyncset.done $0x0  }
0xea: {  	[sflag:s21] =	ssyncadd.s32 $0xFFFFF000  }
0xeb: {  	_ =	swait.ge [sflag:s12], $0x2000  }
0xec: {  	[sflag:s12] =	ssyncset.done $0x0  }
0xed: {  	s7 =	simm.s32 $0x0;
	[sflag:s12] =	ssyncadd.s32 $0xFFFFE000  }
0xee: {  	v1 =	vld [tilespmem:s7+$0x10830]  }
0xef: {  	v2 =	vld [tilespmem:s7+$0x10800]  }
0xf0: {  	v3 =	vld [tilespmem:s7+$0x10810]  }
0xf1: {  	s4 =	simm.s32 $0x200;
	v4 =	vld [tilespmem:s7+$0x10820]  }
.LBB2_19:
0xf2: {  	p1 =	sne.s32 s4, $0x7E00  }
.Ltmp8:
0xf3: {  	s1 =	sshra.s32 s4, $0x2;
	s4 =	sadd.s32 $0x200, s4;
	[tilespmem:s7+$0x14830] =	vst v1;
	(pc) =	sbr.rel @p1 .LBB2_19-.Ltmp8, $4  }
0xf4: {  	v1 =	vld [tilespmem:s1+$0x10830];
	[tilespmem:s7+$0x14800] =	vst v2  }
0xf5: {  	v2 =	vld [tilespmem:s1+$0x10800];
	[tilespmem:s7+$0x14810] =	vst v3  }
0xf6: {  	v3 =	vld [tilespmem:s1+$0x10810];
	[tilespmem:s7+$0x14820] =	vst v4;
	s7 =	smov.u32 s1  }
0xf7: {  	v4 =	vld [tilespmem:s7+$0x10820]  }
0xf8: {  	_ = 	snop  }
0xf9: {  	[tilespmem:s7+$0x14830] =	vst v1  }
0xfa: {  	[tilespmem:s7+$0x14800] =	vst v2  }
0xfb: {  	[tilespmem:s7+$0x14810] =	vst v3  }
0xfc: {  	[tilespmem:s7+$0x14820] =	vst v4  }
0xfd: {  	[spmem:s3] =	stream.indirect.scatter.add.f32 [tilespmem:s20], [sflag:$0x5], $0x40, s16, s24, $0xb8;
	[tilespmem:$0x18800] =	vst v63  }
0xfe: {  	_ =	swait.ge [sflag:s21], $0x1000  }
0xff: {  	[sflag:s21] =	ssyncset.done $0x0  }
0x100: {  	[sflag:s21] =	ssyncadd.s32 $0xFFFFF000  }
0x101: {  	_ =	swait.ge [sflag:s13], $0x2000  }
0x102: {  	[sflag:s13] =	ssyncset.done $0x0  }
0x103: {  	s7 =	simm.s32 $0x0;
	[sflag:s13] =	ssyncadd.s32 $0xFFFFE000  }
0x104: {  	v1 =	vld [tilespmem:s7+$0x12830]  }
0x105: {  	v2 =	vld [tilespmem:s7+$0x12800]  }
0x106: {  	v3 =	vld [tilespmem:s7+$0x12810]  }
0x107: {  	s4 =	simm.s32 $0x200;
	v4 =	vld [tilespmem:s7+$0x12820]  }
.LBB2_21:
0x108: {  	p1 =	sne.s32 s4, $0x7E00  }
.Ltmp9:
0x109: {  	s1 =	sshra.s32 s4, $0x2;
	s4 =	sadd.s32 $0x200, s4;
	[tilespmem:s7+$0x16830] =	vst v1;
	(pc) =	sbr.rel @p1 .LBB2_21-.Ltmp9, $4  }
0x10a: {  	v1 =	vld [tilespmem:s1+$0x12830];
	[tilespmem:s7+$0x16800] =	vst v2  }
0x10b: {  	v2 =	vld [tilespmem:s1+$0x12800];
	[tilespmem:s7+$0x16810] =	vst v3  }
0x10c: {  	v3 =	vld [tilespmem:s1+$0x12810];
	[tilespmem:s7+$0x16820] =	vst v4;
	s7 =	smov.u32 s1  }
0x10d: {  	v4 =	vld [tilespmem:s7+$0x12820]  }
0x10e: {  	_ = 	snop  }
0x10f: {  	[tilespmem:s7+$0x16830] =	vst v1  }
0x110: {  	[tilespmem:s7+$0x16800] =	vst v2  }
0x111: {  	[tilespmem:s7+$0x16810] =	vst v3  }
.Ltmp10:
0x112: {  	[tilespmem:s7+$0x16820] =	vst v4;
	(pc) =	sbr.rel @p0 .LBB2_4-.Ltmp10, $4  }
0x113: {  	[spmem:s3] =	stream.indirect.scatter.add.f32 [tilespmem:s11], [sflag:$0x5], $0x40, s17, s24, $0xb8;
	[tilespmem:$0x18800] =	vst v63  }
0x114: {  	_ =	swait.ge [sflag:s21], $0x1000  }
0x115: {  	[sflag:s21] =	ssyncset.done $0x0  }
0x116: {  	s4 =	simm.s32 $0x28;
	p1 =	por $0x0, $0x0;
	[sflag:s21] =	ssyncadd.s32 $0xFFFFF000  }
0x117: {  	s1 =	stileid.u32;
	[bflag:$0x0] =	sbarrier.arrive $0xFFFF  }
0x118: {  	s1 =	sshll.u32 s1, $0x6;
	s4 =	rddreg [dreg:$0xf]  }
0x119: {  	s7 =	rddreg [dreg:$0x11];
	s1 =	sor.u32 $0x1C05, s1  }
0x11a: {  	[hbm:s4], [sflag:s1] =	dma.local [spmem:s7], $0x2780  }
0x11b: {  	_ =	swait.ge [sflag:s21], $0x2780  }
0x11c: {  	s18 =	rddreg [dreg:$0x4]  }
0x11d: {  	s25 =	rddreg [dreg:$0x10];
	s18 =	sadd.s32 $0x1, s18  }
0x11e: {  	p0 =	sne.s32 s18, s25  }
.Ltmp11:
0x11f: {  	_ = 	snop;
	(pc) =	sbr.rel @p0 .LBB2_1-.Ltmp11, $3  }
0x120: {  	_ =	sdelay $0x1  }
0x121: {  	[sflag:s21] =	ssyncset.done $0x0  }
0x122: {  	[sflag:s21] =	ssyncadd.s32 $0xFFFFD880  }
0x123: {  	_ =	sfence.sel $0x180000  }
0x124: {  	[bflag:$0x0] =	sbarrier.arrive $0xFFFF  }
0x125: {  	_ =	strace $0x9000004D  }
0x126: {  	s0 =	stileid.u32;
	[bflag:$0x2] =	sbarrier.arrive $0xFFFF  }
0x127: {  	p0 =	sne.s32 s0, $0x0;
	s0 =	rddreg [dreg:$0x3]  }
0x128: {  	s0 =	sadd.s32 @!p0 $0x100000, s0  }
0x129: {  	[sflag:s0] =	ssyncadd.tile.s32 @!p0 $0x1;
	_ =	shalt  }
.Lfunc_end2:
_tile_overlayer_lowered:
.L_overlay_start_2:
0x12a: {  	(tag) =	ssettag $0x2  }
0x12b: {  	s0 =	rddreg [dreg:$0x0];
	s2 =	stileid.u32  }
0x12c: {  	s1 =	rddreg [dreg:$0x1];
	p0 =	sne.s32 s2, $0x0  }
0x12d: {  	s3 =	rddreg [dreg:$0x2];
	[bflag:$0x3] =	sbarrier.arrive $0xFFFF;
	s2 =	simm.s32 @!p0 $0x1C05  }
0x12e: {  	[timem:s3], [sflag:s2] =	dma.local @!p0 [hbm:s0], s1  }
0x12f: {  	s0 =	simm.s32 @!p0 $0x5  }
0x130: {  	_ =	swait.ge @!p0 [sflag:s0], s1  }
0x131: {  	s1 =	ssub.s32 @!p0 $0x0, s1;
	[sflag:s0] =	ssyncset.done @!p0 $0x0  }
0x132: {  	[sflag:s0] =	ssyncadd.s32 @!p0 s1  }
0x133: {  	[bflag:$0x3] =	sbarrier.arrive $0xFFFF  }
0x134: {  	_ =	shalt  }

// kernel: kernel.8.cloned.1.call-start
scs
__scs_entry_jumppad:
0x0: {  	(pc) =	sbr.rel $0x88, $3  }
0x1: {  	(tag) =	ssettag $0x0;
	lr =	simm.s32 $0x1  }
0x2: {  	[smem:$0x3F9B] =	sst lr;
	_ =	strace $0xD0000000  }
0x3: {  	_ = 	snop  }
0x4: {  	_ = 	snop  }
0x5: {  	_ = 	snop  }
0x6: {  	_ = 	snop  }
0x7: {  	_ = 	snop  }
__scs_overlays_trampoline_lowered:
0x8: {  	[smem:$0x3FAA] =	sst s0  }
0x9: {  	[smem:$0x3FAB] =	sst s1  }
0xa: {  	[smem:$0x3FAC] =	sst s2  }
0xb: {  	[smem:$0x3FAD] =	sst s3  }
0xc: {  	[smem:$0x3FAE] =	sst s4  }
0xd: {  	[smem:$0x3FAF] =	sst s5  }
0xe: {  	[smem:$0x3FB0] =	sst s6  }
0xf: {  	[smem:$0x3FB1] =	sst s7  }
0x10: {  	[smem:$0x3FB2] =	sst s8  }
0x11: {  	[smem:$0x3FB3] =	sst s9;
	s0 =	simm.s32 @!p0 $0x0  }
0x12: {  	s1 =	sld [smem:$0x3F99];
	s0 =	simm.s32 @p0 $0x1  }
0x13: {  	[smem:$0x3FB4] =	sst s0;
	s0 =	simm.s32 @!p1 $0x0  }
0x14: {  	s2 =	sld [smem:$0x3F98];
	s0 =	simm.s32 @p1 $0x1  }
0x15: {  	[smem:$0x3FB5] =	sst s0;
	s0 =	simm.s32 @!p2 $0x0  }
0x16: {  	s3 =	sld [smem:$0x3FDB];
	s0 =	simm.s32 @p2 $0x1  }
0x17: {  	s4 =	simm.s32 $0x1BF5;
	[smem:$0x3FB7] =	sst s0  }
0x18: {  	s0 =	sld [smem:$0x3F9A];
	_ =	swait.ge [sflag:s4], $0x0  }
0x19: {  	s7 =	sld [smem:$0x3F9B]  }
0x1a: {  	s8 =	sadd.s32 $0xFFFFE003, lr  }
0x1b: {  	s9 =	sadd.s32 $0xFFFFFEF7, lr;
	s5 =	simm.s32 $0xFFFFFFFF;
	p2 =	slt.u32 s8, $0xFFFFF086  }
0x1c: {  	p1 =	slt.u32 s9, $0xF7A;
	s5 =	simm.s32 @!p2 $0x0  }
0x1d: {  	s5 =	simm.s32 @p1 $0x1;
	p0 =	seq.s32 s7, s2  }
0x1e: {  	s7 =	smul.u32 @!p0 $0xF7A, s2;
	p2 =	seq.s32 @!p0 s5, $0x0  }
0x1f: {  	s9 =	smul.u32 $0xF7A, s1;
	s8 =	simm.s32 @!p0 $0x1BF5;
	p2 =	por !p2, p0  }
0x20: {  	[sflag:s8] =	ssyncset.s32 @!p0 $0xFFFFF086;
	s6 =	sadd.s32 @!p0 s3, s7;
	s7 =	simm.s32 @!p0 $0x108  }
0x21: {  	s3 =	sadd.s32 s3, s9;
	s6 =	sadd.s32 @!p0 $0x88, s6;
	s7 =	simm.s32 @p2 $0x1082  }
0x22: {  	[simem:s7], [sflag:s8] =	dma.local @!p0 [hbm:s6], $0xF7A  }
0x23: {  	s9 =	sor.u32 $0xD0000000, s2;
	s6 =	simm.s32 $0x108;
	_ =	swait.ge @!p0 [sflag:s8], $0x0  }
0x24: {  	s3 =	sadd.s32 $0x88, s3;
	s6 =	simm.s32 @!p1 $0x1082;
	[sflag:s4] =	ssyncset.s32 $0xFFFFF086  }
0x25: {  	[simem:s6], [sflag:s4] =	dma.local [hbm:s3], $0xF7A  }
0x26: {  	[smem:$0x3F9B] =	sst s1;
	(tag) =	ssettag s2;
	_ =	strace s9  }
0x27: {  	s1 =	sld [smem:$0x3FAB]  }
0x28: {  	s2 =	sld [smem:$0x3FAC]  }
0x29: {  	s4 =	sld [smem:$0x3FAE]  }
0x2a: {  	p0 =	seq.s32 s5, $0x0;
	s5 =	sld [smem:$0x3FAF]  }
0x2b: {  	s6 =	sld [smem:$0x3FB0]  }
0x2c: {  	s7 =	sld [smem:$0x3FB1]  }
0x2d: {  	s3 =	simm.s32 $0x108;
	s8 =	sld [smem:$0x3FB2]  }
0x2e: {  	s3 =	simm.s32 @!p0 $0x1082;
	s9 =	sld [smem:$0x3FB3]  }
0x2f: {  	lr =	sadd.s32 s0, s3;
	s0 =	sld [smem:$0x3FAA]  }
0x30: {  	s3 =	sld [smem:$0x3FAD]  }
0x31: {  	[smem:$0x3FB6] =	sst s10  }
0x32: {  	s10 =	sld [smem:$0x3FB4];
	_ =	sdelay $0x3  }
0x33: {  	p0 =	seq.s32 s10, $0x1;
	s10 =	sld [smem:$0x3FB6];
	_ =	sdelay $0x3  }
0x34: {  	[smem:$0x3FB6] =	sst s10  }
0x35: {  	s10 =	sld [smem:$0x3FB5];
	_ =	sdelay $0x3  }
0x36: {  	p1 =	seq.s32 s10, $0x1;
	s10 =	sld [smem:$0x3FB6];
	_ =	sdelay $0x3  }
0x37: {  	[smem:$0x3FB6] =	sst s10  }
0x38: {  	s10 =	sld [smem:$0x3FB7]  }
0x39: {  	_ = 	snop;
	(pc) =	sbr.ind lr, $3  }
0x3a: {  	_ = 	snop  }
0x3b: {  	_ = 	snop  }
0x3c: {  	p2 =	seq.s32 s10, $0x1;
	s10 =	sld [smem:$0x3FB6]  }
0x3d: {  	_ =	shalt  }
0x3e: {  	_ =	shalt  }
0x3f: {  	_ =	shalt  }
0x40: {  	_ =	shalt  }
0x41: {  	_ =	shalt  }
0x42: {  	_ =	shalt  }
0x43: {  	_ =	shalt  }
0x44: {  	_ =	shalt  }
0x45: {  	_ =	shalt  }
0x46: {  	_ =	shalt  }
0x47: {  	_ =	shalt  }
0x48: {  	_ =	shalt  }
0x49: {  	_ =	shalt  }
0x4a: {  	_ =	shalt  }
0x4b: {  	_ =	shalt  }
0x4c: {  	_ =	shalt  }
0x4d: {  	_ =	shalt  }
0x4e: {  	_ =	shalt  }
0x4f: {  	_ =	shalt  }
0x50: {  	_ =	shalt  }
0x51: {  	_ =	shalt  }
0x52: {  	_ =	shalt  }
0x53: {  	_ =	shalt  }
0x54: {  	_ =	shalt  }
0x55: {  	_ =	shalt  }
0x56: {  	_ =	shalt  }
0x57: {  	_ =	shalt  }
0x58: {  	_ =	shalt  }
0x59: {  	_ =	shalt  }
0x5a: {  	_ =	shalt  }
0x5b: {  	_ =	shalt  }
0x5c: {  	_ =	shalt  }
0x5d: {  	_ =	shalt  }
0x5e: {  	_ =	shalt  }
0x5f: {  	_ =	shalt  }
0x60: {  	_ =	shalt  }
0x61: {  	_ =	shalt  }
0x62: {  	_ =	shalt  }
0x63: {  	_ =	shalt  }
0x64: {  	_ =	shalt  }
0x65: {  	_ =	shalt  }
0x66: {  	_ =	shalt  }
0x67: {  	_ =	shalt  }
0x68: {  	_ =	shalt  }
0x69: {  	_ =	shalt  }
0x6a: {  	_ =	shalt  }
0x6b: {  	_ =	shalt  }
0x6c: {  	_ =	shalt  }
0x6d: {  	_ =	shalt  }
0x6e: {  	_ =	shalt  }
0x6f: {  	_ =	shalt  }
0x70: {  	_ =	shalt  }
0x71: {  	_ =	shalt  }
0x72: {  	_ =	shalt  }
0x73: {  	_ =	shalt  }
0x74: {  	_ =	shalt  }
0x75: {  	_ =	shalt  }
0x76: {  	_ =	shalt  }
0x77: {  	_ =	shalt  }
0x78: {  	_ =	shalt  }
0x79: {  	_ =	shalt  }
0x7a: {  	_ =	shalt  }
0x7b: {  	_ =	shalt  }
0x7c: {  	_ =	shalt  }
0x7d: {  	_ =	shalt  }
0x7e: {  	_ =	shalt  }
0x7f: {  	_ =	shalt  }
0x80: {  	_ =	shalt  }
0x81: {  	_ =	shalt  }
0x82: {  	_ =	shalt  }
0x83: {  	_ =	shalt  }
0x84: {  	_ =	shalt  }
0x85: {  	_ =	shalt  }
0x86: {  	_ =	shalt  }
0x87: {  	_ =	shalt  }
.Lfunc_end0:
.L_simem_size_0:
called_computation_lowered:
.L_overlay_start_0:
0x88: {  	s2 =	sld [smem:$0x3FD9]  }
0x89: {  	s3 =	sld [smem:$0x3FFE];
	_ =	sdelay $0x1  }
0x8a: {  	s1 =	srdreg.scid  }
0x8b: {  	s0 =	sand.u32 $0x1, s1  }
0x8c: {  	s16 =	sshll.u32 s0, $0xA;
	s2 =	sadd.s32 s3, s2  }
0x8d: {  	s2 =	sadd.s32 s2, s16  }
0x8e: {  	[smem:$0x3FC2] =	sst s2  }
0x8f: {  	_ = 	snop  }
0x90: {  	(tm) =	ssettm $0x1  }
0x91: {  	s17 =	sld [smem:$0x3FFB];
	_ =	sdelay $0x3  }
0x92: {  	_ =	strace s17  }
0x93: {  	s2 =	sld [smem:$0x3FFC];
	_ =	sdelay $0x3  }
0x94: {  	_ =	strace s2  }
0x95: {  	s2 =	sld [smem:$0x3FFD];
	_ =	sdelay $0x3  }
0x96: {  	_ =	strace s2  }
0x97: {  	_ =	strace $0x8FFFFFFF  }
0x98: {  	s18 =	sld [smem:$0x3FDB];
	_ =	sdelay $0x1  }
0x99: {  	s19 =	simm.s32 $_scs_section_size  }
0x9a: {  	s4 =	simm.s32 $_size__tile_overlayer_lowered;
	s5 =	simm.s32 $_tile_overlayer_lowered  }
0x9b: {  	s22 =	simm.s32 $0x1BFF;
	s21 =	sshll.u32 s5, $0x1;
	s2 =	sadd.s32 s19, s18  }
0x9c: {  	s6 =	simm.s32 $0x0;
	s20 =	sshll.u32 s4, $0x1;
	s4 =	sadd.s32 s21, s2  }
0x9d: {  	[timem:s6], [sflag:s22] =	dma.local [hbm:s4], s20  }
0x9e: {  	_ =	swait.ge [sflag:s22], s20  }
0x9f: {  	s3 =	ssub.s32 $0x0, s20;
	[sflag:s22] =	ssyncset.done $0x0  }
0xa0: {  	[sflag:s22] =	ssyncadd.s32 s3;
	_ =	sdelay $0x1  }
0xa1: {  	s23 =	simm.s32 $0x1B8B  }
0xa2: {  	_ =	swait.ge [sflag:s23], $0x1  }
0xa3: {  	[sflag:s23] =	ssyncset.done $0x0  }
0xa4: {  	s25 =	simm.s32 $0x1B8E;
	s24 =	sld [smem:$0x3FFE];
	[sflag:s23] =	ssyncadd.s32 $0xFFFFFFFF  }
0xa5: {  	s26 =	simm.s32 $execute0_lowered;
	[smem:$0x3FD2] =	sst s25  }
0xa6: {  	s4 =	sshll.u32 s26, $0x1;
	_ =	strace $0x80000046;
	[dreg:$0x1] =	wrdreg $0xFFFFFFFF  }
0xa7: {  	s28 =	simm.s32 $_size_execute0_lowered;
	s2 =	sadd.s32 s2, s4;
	[dreg:$0x0] =	wrdreg $0x0  }
0xa8: {  	s4 =	sshll.u32 s28, $0x1;
	[dreg:$0x2] =	wrdreg s2  }
0xa9: {  	[dreg:$0x3] =	wrdreg s4  }
0xaa: {  	[dreg:$0x4] =	wrdreg $0xC0  }
0xab: {  	_ =	task [dreg:s6], $0x5FFFF  }
0xac: {  	[dreg:$0x1] =	wrdreg $0xFFFFFFFF  }
0xad: {  	[dreg:$0x0] =	wrdreg $0x60  }
0xae: {  	[dreg:$0x2] =	wrdreg s24  }
0xaf: {  	[dreg:$0x3] =	wrdreg $0x0  }
0xb0: {  	[dreg:$0x4] =	wrdreg $0x9  }
0xb1: {  	_ =	task.clear_ibuf [dreg:s6], $0x5FFFF;
	_ =	strace $0x90000046  }
0xb2: {  	s29 =	simm.s32 $0x9;
	_ =	strace $0x80000048  }
0xb3: {  	_ =	swait.ge [sflag:s29], $0x1  }
0xb4: {  	[sflag:s29] =	ssyncadd.s32 $0xFFFFFFFF  }
0xb5: {  	_ =	strace $0x90000048  }
0xb6: {  	_ =	sfence  }
0xb7: {  	s30 =	sld [smem:$0x0];
	_ =	sdelay $0x2  }
0xb8: {  	s31 =	sshll.u32 s1, $0xD;
	s1 =	sshrl.u32 s1, $0x2  }
0xb9: {  	s3 =	sand.u32 $0x4000, s31;
	s1 =	sadd.s32 s1, s30  }
0xba: {  	s0 =	sor.u32 s3, s0;
	s1 =	sshll.u32 s1, $0x11  }
0xbb: {  	s0 =	sor.u32 s1, s0  }
0xbc: {  	s0 =	sadd.s32 $0x8F2B, s0  }
0xbd: {  	[sflag:s0] =	ssyncadd.remote.s32 $0x1  }
0xbe: {  	_ =	sfence.sel $0xFFFF  }
0xbf: {  	[dreg:$0x0] =	wrdreg $0xFFFFFFFF;
	(pc) =	sbr.abs _section_cstart, $3  }
0xc0: {  	[dreg:$0x1] =	wrdreg $0xFFFFFFFF  }
0xc1: {  	_ =	task.clear_ibuf [dreg:s6], $0x2FFFF;
	_ =	strace $0x9FFFFFFF  }
0xc2: {  	(tm) =	ssettm $0x7FFFFFFF  }
0xc3: {  	_ =	shalt  }
tec
execute0_lowered:
.L_overlay_start_1:
0x0: {  	(tag) =	ssettag $0x1  }
0x1: {  	s4 =	rddreg [dreg:$0x0]  }
0x2: {  	s0 =	srdreg.scid;
	s2 =	rddreg [dreg:$0x1]  }
0x3: {  	s1 =	stileid.u32;
	s3 =	simm.s32 $0x0;
	s11 =	simm.s32 $0x40  }
0x4: {  	s12 =	simm.s32 $0x2A80;
	s15 =	simm.s32 $0x0;
	s5 =	sand.u32 $0x1, s0  }
0x5: {  	s0 =	rddreg [dreg:$0x2];
	s6 =	sshll.u32 s1, $0x1;
	s8 =	smul.u32 $0x280, s1  }
0x6: {  	[smem:$0x7FF] =	sst s3;
	s13 =	sshll.u32 s1, $0x6;
	s7 =	smul.u32 $0x2800, s5  }
0x7: {  	s6 =	sor.u32 s5, s6;
	_ =	strace $0x80000047;
	s5 =	ssub.s32 $0x2, s5  }
0x8: {  	s13 =	sor.u32 $0x1C01, s13;
	s6 =	smul.u32 $0x500, s6;
	s31 =	sshrl.u32 s5, $0x1  }
0x9: {  	s14 =	sadd.s32 s8, s2;
	s7 =	sadd.s32 s8, s7;
	s10 =	ssub.s32 s5, s31  }
0xa: {  	s8 =	simm.s32 $0x2B00;
	s14 =	sshrl.u32 s14, $0x3;
	s7 =	sshrl.u32 s7, $0x3  }
0xb: {  	s9 =	sadd.s32 s6, s4;
	s6 =	sshrl.u32 s6, $0x2;
	s7 =	sadd.s32 s7, s4  }
0xc: {  	s4 =	sadd.s32 s6, s2;
	s5 =	sadd.s32 $0x1A00, s9;
	s9 =	simm.s32 $0x1  }
0xd: {  	v0 =	vimm.f32 $0.0e+00;
	v1 =	vimm.f32 $1.000000000e+00;
	s6 =	sadd.s32 $0xBA00, s7;
	s7 =	smax.u32 s10, $0x1;
	s10 =	simm.s32 $0x280  }
.LBB2_1:
0xe: {  	[tilespmem:$0x2B00] =	vst v0  }
0xf: {  	[tilespmem:$0x2B10] =	vst v0  }
0x10: {  	[tilespmem:$0x2B20] =	vst v0  }
0x11: {  	[tilespmem:$0x2B30] =	vst v0  }
0x12: {  	[tilespmem:$0x2B40] =	vst v0  }
0x13: {  	[tilespmem:$0x2B50] =	vst v0  }
0x14: {  	[tilespmem:$0x2B60] =	vst v0  }
0x15: {  	[tilespmem:$0x2B70] =	vst v0  }
0x16: {  	[tilespmem:$0x2B80] =	vst v0  }
0x17: {  	[tilespmem:$0x2B90] =	vst v0  }
0x18: {  	[tilespmem:$0x2BA0] =	vst v0  }
0x19: {  	[tilespmem:$0x2BB0] =	vst v0  }
0x1a: {  	[tilespmem:$0x2BC0] =	vst v0  }
0x1b: {  	[tilespmem:$0x2BD0] =	vst v0  }
0x1c: {  	[tilespmem:$0x2BE0] =	vst v0  }
0x1d: {  	[tilespmem:$0x2BF0] =	vst v0  }
0x1e: {  	[tilespmem:$0x2C00] =	vst v0  }
0x1f: {  	[tilespmem:$0x2C10] =	vst v0  }
0x20: {  	[tilespmem:$0x2C20] =	vst v0  }
0x21: {  	[tilespmem:$0x2C30] =	vst v0  }
0x22: {  	[tilespmem:$0x2A80] =	vst v1  }
0x23: {  	[tilespmem:$0x2A90] =	vst v1  }
0x24: {  	[tilespmem:$0x2AA0] =	vst v1  }
0x25: {  	[tilespmem:$0x2AB0] =	vst v1  }
0x26: {  	[spmem:s4] =	stream.linear.scatter [tilespmem:s8], [sflag:$0x1], $0x140, $0x38;
	[tilespmem:$0x2C80] =	vst v63  }
0x27: {  	_ =	swait.ge [sflag:s9], $0x140  }
0x28: {  	[sflag:s9] =	ssyncset.done $0x0  }
0x29: {  	[sflag:s9] =	ssyncadd.s32 $0xFFFFFEC0  }
0x2a: {  	[bflag:$0x0] =	sbarrier.arrive $0xFFFF  }
0x2b: {  	[tilespmem:s10], [sflag:$0x1] =	stream.linear.gather [hbm4b:s5+s3], $0x2800, $0x38;
	[tilespmem:$0x2C80] =	vst v63  }
0x2c: {  	_ =	swait.ge [sflag:s9], $0x2800  }
0x2d: {  	[sflag:s9] =	ssyncset.done $0x0  }
0x2e: {  	s16 =	simm.s32 $0x280;
	[sflag:s9] =	ssyncadd.s32 $0xFFFFD800  }
0x2f: {  	[spmem:s2] =	stream.indirect.scatter.add.f32 [tilespmem:s12], [sflag:$0x1], $0x1, s16, s11, $0xb8;
	[tilespmem:$0x2C80] =	vst v63  }
0x30: {  	s16 =	simm.s32 $0x200;
	_ =	swait.ge [sflag:s9], $0x40  }
.LBB2_2:
0x31: {  	s17 =	sshra.s32 s16, $0x2;
	[sflag:s9] =	ssyncset.done $0x0;
	p0 =	sne.s32 s16, $0x9E00  }
.Ltmp0:
0x32: {  	s17 =	sadd.s32 $0x280, s17;
	[sflag:s9] =	ssyncadd.s32 $0xFFFFFFC0;
	(pc) =	sbr.rel @p0 .LBB2_2-.Ltmp0, $3  }
0x33: {  	[spmem:s2] =	stream.indirect.scatter.add.f32 [tilespmem:s12], [sflag:$0x1], $0x1, s17, s11, $0xb8;
	[tilespmem:$0x2C80] =	vst v63  }
0x34: {  	s16 =	sadd.s32 $0x200, s16;
	_ =	sdelay $0x1  }
0x35: {  	_ =	swait.ge [sflag:s9], $0x40  }
0x36: {  	[sflag:s9] =	ssyncset.done $0x0;
	s15 =	sadd.s32 $0x1, s15  }
0x37: {  	[sflag:s9] =	ssyncadd.s32 $0xFFFFFFC0;
	p0 =	sne.s32 s15, s7  }
.Ltmp1:
0x38: {  	[bflag:$0x0] =	sbarrier.arrive $0xFFFF;
	(pc) =	sbr.rel @p0 .LBB2_1-.Ltmp1, $4  }
0x39: {  	[hbm:s6], [sflag:s13] =	dma.local [spmem:s14], $0x50  }
0x3a: {  	_ =	swait.ge [sflag:s9], $0x50  }
0x3b: {  	[sflag:s9] =	ssyncset.done $0x0  }
0x3c: {  	[sflag:s9] =	ssyncadd.s32 $0xFFFFFFB0  }
0x3d: {  	_ =	sfence.sel $0x180000  }
0x3e: {  	[bflag:$0x0] =	sbarrier.arrive $0xFFFF  }
0x3f: {  	p0 =	sne.s32 s1, $0x0;
	_ =	strace $0x90000047  }
0x40: {  	s0 =	sadd.s32 @!p0 $0x100000, s0;
	[bflag:$0x2] =	sbarrier.arrive $0xFFFF  }
0x41: {  	[sflag:s0] =	ssyncadd.tile.s32 @!p0 $0x1;
	_ =	shalt  }
.Lfunc_end2:
_tile_overlayer_lowered:
.L_overlay_start_2:
0x42: {  	(tag) =	ssettag $0x2  }
0x43: {  	s0 =	rddreg [dreg:$0x0];
	s2 =	stileid.u32  }
0x44: {  	s1 =	rddreg [dreg:$0x1];
	p0 =	sne.s32 s2, $0x0  }
0x45: {  	s3 =	rddreg [dreg:$0x2];
	[bflag:$0x3] =	sbarrier.arrive $0xFFFF;
	s2 =	simm.s32 @!p0 $0x1C01  }
0x46: {  	[timem:s3], [sflag:s2] =	dma.local @!p0 [hbm:s0], s1  }
0x47: {  	s0 =	simm.s32 @!p0 $0x1  }
0x48: {  	_ =	swait.ge @!p0 [sflag:s0], s1  }
0x49: {  	s1 =	ssub.s32 @!p0 $0x0, s1;
	[sflag:s0] =	ssyncset.done @!p0 $0x0  }
0x4a: {  	[sflag:s0] =	ssyncadd.s32 @!p0 s1  }
0x4b: {  	[bflag:$0x3] =	sbarrier.arrive $0xFFFF  }
0x4c: {  	_ =	shalt  }

</sc_bundles>
